<compile_context>
chip_gen: v7x
topology: tpu7x:2x2x1
jax: 0.10.2.dev20260603
libtpu: 0.0.44.dev20260713+nightly
codegen_flags: <defaults>
</compile_context>

<pallas_src>
import functools

import jax
import jax.numpy as jnp
from jax import lax
from jax.experimental import pallas as pl
from jax.experimental.pallas import tpu as pltpu
from jax.experimental.pallas import tpu_sc as plsc

N = 10000
E = 320000
B = 128
D = 128

NC = 2
NS = 16
DW = D // NC

CNTW = 8

IDXROWS = E // 128
CHUNK_IDXROWS = 2
CHUNK_EDGES = CHUNK_IDXROWS * 128
NCHUNKS = IDXROWS // CHUNK_IDXROWS
CHUNKS_PER_TILE = NCHUNKS // NS
EXTRA_CHUNKS = NCHUNKS - CHUNKS_PER_TILE * NS
TILE_IDXROWS = CHUNKS_PER_TILE * CHUNK_IDXROWS
ROWS_PER_TILE = N // NS

NODE_BLK = 1000
NB = N // NODE_BLK


CGROUPS = (ROWS_PER_TILE + 15) // 16

NSLOT = 3
MAIN_CHUNKS = (CHUNKS_PER_TILE // NSLOT) * NSLOT
TAIL_CHUNKS = CHUNKS_PER_TILE - MAIN_CHUNKS


def _sc_body(ea_hbm, idx_hbm, zrow_hbm, zcnt_hbm, ones_hbm,
             esum_out, cnt_out,
             rows, idx_v, ones_v, cc_v, cflat_v, acc, cacc, gsem, ssem):
    c = lax.axis_index("c")
    s = lax.axis_index("s")
    col0 = c * DW

    base_n = s * ROWS_PER_TILE
    pltpu.sync_copy(zrow_hbm, acc.at[pl.ds(base_n, ROWS_PER_TILE)])
    pltpu.sync_copy(zcnt_hbm, cacc.at[pl.ds(base_n, ROWS_PER_TILE)])
    pltpu.sync_copy(ones_hbm, ones_v)
    pltpu.sync_copy(idx_hbm.at[pl.ds(s * TILE_IDXROWS, TILE_IDXROWS)],
                    idx_v.at[pl.ds(0, TILE_IDXROWS)])

    @pl.when(s < EXTRA_CHUNKS)
    def _():
        pltpu.sync_copy(
            idx_hbm.at[pl.ds(NS * TILE_IDXROWS + CHUNK_IDXROWS * s,
                             CHUNK_IDXROWS)],
            idx_v.at[pl.ds(TILE_IDXROWS, CHUNK_IDXROWS)])

    plsc.subcore_barrier()

    def src(k):
        return ea_hbm.at[pl.ds(k * CHUNK_EDGES, CHUNK_EDGES), pl.ds(col0, DW)]

    def gather_start(k, b):
        pltpu.async_copy(src(k), rows[b], gsem[b])

    def gather_wait(b):
        pltpu.make_async_copy(src(0), rows[b], gsem[b]).wait()

    def scatter_start(b, r, count_this):
        for j in range(CHUNK_IDXROWS):
            pltpu.async_copy(rows[b].at[pl.ds(j * 128, 128)],
                             acc.at[idx_v.at[r + j]], ssem[b], add=True)

        @pl.when(count_this)
        def _():
            for j in range(CHUNK_IDXROWS):
                pltpu.async_copy(ones_v, cacc.at[idx_v.at[r + j]],
                                 ssem[b], add=True)

    def scatter_drain(b, count_this):
        for j in range(CHUNK_IDXROWS):
            pltpu.make_async_copy(rows[b].at[pl.ds(j * 128, 128)],
                                  acc.at[idx_v.at[0]], ssem[b]).wait()

        @pl.when(count_this)
        def _():
            for j in range(CHUNK_IDXROWS):
                pltpu.make_async_copy(ones_v, cacc.at[idx_v.at[0]],
                                      ssem[b]).wait()

    def owner(k_parity):
        return c == k_parity

    base = s * CHUNKS_PER_TILE
    for b in range(NSLOT - 1):
        gather_start(base + b, b)

    def pipe_step(k0, b, drain_prev):
        rel = k0 - base + b
        gather_wait(b)
        scatter_start(b, 2 * rel, owner(lax.rem(rel, 2)))
        nb = (b + NSLOT - 1) % NSLOT
        if drain_prev:
            scatter_drain(nb, owner(lax.rem(rel + 1, 2)))
        gather_start(k0 + b + NSLOT - 1, nb)

    for b in range(NSLOT):
        pipe_step(base, b, drain_prev=(b != 0))

    def loop_body(mm, carry):
        k0 = base + NSLOT * mm
        for b in range(NSLOT):
            pipe_step(k0, b, drain_prev=True)
        return carry

    lax.fori_loop(1, MAIN_CHUNKS // NSLOT, loop_body, 0)

    for t in range(TAIL_CHUNKS):
        gather_wait(t)
        scatter_start(t, 2 * (MAIN_CHUNKS + t), owner(t % 2))
    for g in range(TAIL_CHUNKS, NSLOT - 1):
        gather_wait(g)
    scatter_drain(NSLOT - 1, owner((MAIN_CHUNKS - 1) % 2))
    for t in range(TAIL_CHUNKS):
        scatter_drain(t, owner(t % 2))

    @pl.when(s < EXTRA_CHUNKS)
    def _():
        k = NS * CHUNKS_PER_TILE + s
        pltpu.sync_copy(src(k), rows[NSLOT - 1])
        scatter_start(NSLOT - 1, TILE_IDXROWS, c == (s % 2))
        scatter_drain(NSLOT - 1, c == (s % 2))

    plsc.subcore_barrier()
    pltpu.sync_copy(acc.at[pl.ds(base_n, ROWS_PER_TILE)],
                    esum_out.at[pl.ds(base_n, ROWS_PER_TILE), pl.ds(col0, DW)])
    pltpu.sync_copy(cacc.at[pl.ds(base_n, ROWS_PER_TILE)],
                    cc_v.at[pl.ds(0, ROWS_PER_TILE)])
    zeros16 = jnp.zeros((16,), jnp.int32)
    iota16 = lax.iota(jnp.int32, 16)
    for k in range(CGROUPS):
        vals = plsc.load_gather(cc_v, [iota16 + 16 * k, zeros16])
        cflat_v[pl.ds(16 * k, 16)] = vals
    pltpu.sync_copy(cflat_v.at[pl.ds(0, ROWS_PER_TILE)], cnt_out.at[c, s])


_sc_scatter = functools.partial(
    pl.kernel,
    out_type=(
        jax.ShapeDtypeStruct((N, D), jnp.float32),
        jax.ShapeDtypeStruct((NC, NS, ROWS_PER_TILE), jnp.float32),
    ),
    mesh=plsc.VectorSubcoreMesh(
        core_axis_name="c", subcore_axis_name="s",
        num_cores=NC, num_subcores=NS),
    scratch_types=[
        [pltpu.VMEM((CHUNK_EDGES, DW), jnp.float32) for _ in range(NSLOT)],
        pltpu.VMEM((TILE_IDXROWS + CHUNK_IDXROWS, 128), jnp.int32),
        pltpu.VMEM((128, CNTW), jnp.float32),
        pltpu.VMEM((CGROUPS * 16, CNTW), jnp.float32),
        pltpu.VMEM((CGROUPS * 16,), jnp.float32),
        pltpu.VMEM_SHARED((N, DW), jnp.float32),
        pltpu.VMEM_SHARED((N, CNTW), jnp.float32),
        [pltpu.SemaphoreType.DMA for _ in range(NSLOT)],
        [pltpu.SemaphoreType.DMA for _ in range(NSLOT)],
    ],
    compiler_params=pltpu.CompilerParams(use_tc_tiling_on_sc=False, needs_layout_passes=False),
)(_sc_body)


def _tcx_body(x_ref, batch_ref, accx_out, accn_out, acc_x, acc_n):
    j = pl.program_id(0)

    @pl.when(j == 0)
    def _():
        acc_x[...] = jnp.zeros((B, D), jnp.float32)
        acc_n[...] = jnp.zeros((B, D), jnp.float32)

    bb = batch_ref[0]
    ids = lax.broadcasted_iota(jnp.int32, (B, NODE_BLK), 0)
    m = (bb == ids).astype(jnp.float32)

    acc_x[...] += jnp.dot(m, x_ref[...], preferred_element_type=jnp.float32)
    acc_n[...] += jnp.sum(m, axis=1, keepdims=True)

    @pl.when(j == NB - 1)
    def _():
        accx_out[...] = acc_x[...]
        accn_out[...] = acc_n[...]


def _tcx_call(x, batch3):
    res = lambda j: (0, 0)
    return pl.pallas_call(
        _tcx_body,
        grid=(NB,),
        in_specs=[
            pl.BlockSpec((NODE_BLK, D), lambda j: (j, 0)),
            pl.BlockSpec((1, 1, NODE_BLK), lambda j: (j, 0, 0)),
        ],
        out_specs=[pl.BlockSpec((B, D), res), pl.BlockSpec((B, D), res)],
        out_shape=[jax.ShapeDtypeStruct((B, D), jnp.float32),
                   jax.ShapeDtypeStruct((B, D), jnp.float32)],
        scratch_shapes=[pltpu.VMEM((B, D), jnp.float32)] * 2,
        compiler_params=pltpu.CompilerParams(
            dimension_semantics=("arbitrary",)),
    )(x, batch3)


def _tce_body(esum_hbm, cnt_ref, batch_ref, accx_ref, accn_ref, u_ref,
              w0_ref, w1_ref, w2_ref, b0_ref, b1_ref, b2_ref,
              out_ref, acc_e, ebuf, esem):
    j = pl.program_id(0)

    @pl.when(j == 0)
    def _():
        acc_e[...] = jnp.zeros((B, D), jnp.float32)
        pltpu.async_copy(esum_hbm, ebuf, esem).wait()

    bb = batch_ref[0]
    ids = lax.broadcasted_iota(jnp.int32, (B, NODE_BLK), 0)
    m = (bb == ids).astype(jnp.float32)

    deg = cnt_ref[0, 0] + cnt_ref[1, 0]
    minv = m / jnp.maximum(deg, 1.0)

    row0 = pl.multiple_of(j * NODE_BLK, 8)
    e = ebuf[pl.ds(row0, NODE_BLK), :]
    acc_e[...] += jnp.dot(minv, e, preferred_element_type=jnp.float32)

    @pl.when(j == NB - 1)
    def _():
        n = jnp.maximum(accn_ref[...], 1.0)
        u_e = acc_e[...] / n
        u_v = accx_ref[...] / n
        comb = jnp.concatenate([u_e, u_v, u_ref[...]], axis=1)
        dn = (((1,), (1,)), ((), ()))
        h = jnp.maximum(lax.dot_general(
            comb, w0_ref[...], dn, preferred_element_type=jnp.float32)
            + b0_ref[...], 0.0)
        h = jnp.maximum(lax.dot_general(
            h, w1_ref[...], dn, preferred_element_type=jnp.float32)
            + b1_ref[...], 0.0)
        h = jnp.maximum(lax.dot_general(
            h, w2_ref[...], dn, preferred_element_type=jnp.float32)
            + b2_ref[...], 0.0)
        out_ref[...] = h


def _tce_call(esum, cnt, batch3, accx, accn, u, W0, W1, W2, b0r, b1r, b2r):
    res = lambda j: (0, 0)
    return pl.pallas_call(
        _tce_body,
        grid=(NB,),
        in_specs=[
            pl.BlockSpec(memory_space=pl.ANY),
            pl.BlockSpec((NC, 1, 1, NODE_BLK), lambda j: (0, j, 0, 0)),
            pl.BlockSpec((1, 1, NODE_BLK), lambda j: (j, 0, 0)),
            pl.BlockSpec((B, D), res),
            pl.BlockSpec((B, D), res),
            pl.BlockSpec((B, D), res),
            pl.BlockSpec((D, 3 * D), res),
            pl.BlockSpec((D, D), res),
            pl.BlockSpec((D, D), res),
            pl.BlockSpec((1, D), res),
            pl.BlockSpec((1, D), res),
            pl.BlockSpec((1, D), res),
        ],
        out_specs=pl.BlockSpec((B, D), res),
        out_shape=jax.ShapeDtypeStruct((B, D), jnp.float32),
        scratch_shapes=[pltpu.VMEM((B, D), jnp.float32),
                        pltpu.VMEM((N, D), jnp.float32),
                        pltpu.SemaphoreType.DMA],
        compiler_params=pltpu.CompilerParams(
            dimension_semantics=("arbitrary",)),
    )(esum, cnt, batch3, accx, accn, u, W0, W1, W2, b0r, b1r, b2r)


def kernel(x, edge_index, edge_attr, u, batch, W0, b0, W1, b1, W2, b2):
    assert x.shape == (N, D) and edge_attr.shape == (E, D)
    assert u.shape == (B, D) and batch.shape == (N,)

    src = edge_index[0].reshape(IDXROWS, 128)
    zrow = jnp.zeros((ROWS_PER_TILE, DW), jnp.float32)
    zcnt = jnp.zeros((ROWS_PER_TILE, CNTW), jnp.float32)
    ones16 = jnp.ones((128, CNTW), jnp.float32)

    esum, cnt = _sc_scatter(edge_attr, src, zrow, zcnt, ones16)

    batch3 = batch.reshape(NB, 1, NODE_BLK)
    accx, accn = _tcx_call(x, batch3)
    cnt4 = cnt.reshape(NC, NB, 1, NODE_BLK)
    return _tce_call(esum, cnt4, batch3, accx, accn, u, W0, W1, W2,
                     b0.reshape(1, D), b1.reshape(1, D), b2.reshape(1, D))

# --- scband reference (transcript-rebuilt; emitter-appended) ---
"""Pipeline reference for scband-megnet-global-model-74818330296972 (READ-ONLY COPY).

The authoritative reference and input builder live on the scoring server;
editing this copy changes nothing except your own understanding.
"""

import jax, jax.numpy as jnp
import numpy as np


def _scatter_mean(data, idx, num_segments):
    s = jax.ops.segment_sum(data, idx, num_segments=num_segments)
    c = jax.ops.segment_sum(jnp.ones((data.shape[0],), dtype=data.dtype), idx, num_segments=num_segments)
    return s / jnp.maximum(c, 1.0)[:, None]


def setup_inputs(seed: int = 0) -> dict:
    key = jax.random.key(seed)
    ks = jax.random.split(key, 12)
    N, E, B, D = 10000, 320000, 128, 128
    x = jax.random.normal(ks[0], (N, D), dtype=jnp.float32)
    edge_index = jax.random.randint(ks[1], (2, E), 0, N, dtype=jnp.int32)
    edge_attr = jax.random.normal(ks[2], (E, D), dtype=jnp.float32)
    u = jax.random.normal(ks[3], (B, D), dtype=jnp.float32)
    batch = jnp.sort(jax.random.randint(ks[4], (N,), 0, B, dtype=jnp.int32))
    W0 = jax.random.normal(ks[5], (D, 3 * D), dtype=jnp.float32) * 0.05
    b0 = jnp.zeros((D,), dtype=jnp.float32)
    W1 = jax.random.normal(ks[6], (D, D), dtype=jnp.float32) * 0.05
    b1 = jnp.zeros((D,), dtype=jnp.float32)
    W2 = jax.random.normal(ks[7], (D, D), dtype=jnp.float32) * 0.05
    b2 = jnp.zeros((D,), dtype=jnp.float32)
    return {"x": x, "edge_index": edge_index, "edge_attr": edge_attr, "u": u, "batch": batch,
            "W0": W0, "b0": b0, "W1": W1, "b1": b1, "W2": W2, "b2": b2}


def reference(x, edge_index, edge_attr, u, batch, W0, b0, W1, b1, W2, b2):
    N = x.shape[0]
    B = u.shape[0]
    # u_e = scatter_mean(edge_attr, edge_index[0], dim=0) -> per-node mean of incident edge features
    u_e = _scatter_mean(edge_attr, edge_index[0, :], N)
    # u_e = scatter_mean(u_e, batch, dim=0) -> per-graph mean
    u_e = _scatter_mean(u_e, batch, B)
    # u_v = scatter_mean(x, batch, dim=0) -> per-graph node mean
    u_v = _scatter_mean(x, batch, B)
    comb = jnp.concatenate([u_e, u_v, u], axis=1)
    # fc_layers=2 -> 3 linear layers; act=relu; batch_norm='False'; dropout inactive (eval / p=0)
    out = jax.nn.relu(comb @ W0.T + b0)
    out = jax.nn.relu(out @ W1.T + b1)
    out = jax.nn.relu(out @ W2.T + b2)
    return out

if __name__ == "__main__":
    import jax
    _d = setup_inputs()
    print(jax.jit(kernel)(*tuple(_d.values())))

</pallas_src>

<mosaic_0001>
#map = affine_map<(d0, d1) -> (0, 0)>
#map1 = affine_map<(d0, d1) -> (0, 0, 0)>
module attributes {stable_mosaic.version = 14 : i64} {
  func.func @_sc_body(%arg0: i32, %arg1: i32, %arg2: memref<320000x128xf32, #tpu.memory_space<hbm>>, %arg3: memref<2500x128xi32, #tpu.memory_space<hbm>>, %arg4: memref<625x64xf32, #tpu.memory_space<hbm>>, %arg5: memref<625x8xf32, #tpu.memory_space<hbm>>, %arg6: memref<128x8xf32, #tpu.memory_space<hbm>>, %arg7: memref<10000x128xf32, #tpu.memory_space<hbm>>, %arg8: memref<2x16x625xf32, #tpu.memory_space<hbm>>, %arg9: memref<256x64xf32, #tpu.memory_space<vmem>>, %arg10: memref<256x64xf32, #tpu.memory_space<vmem>>, %arg11: memref<256x64xf32, #tpu.memory_space<vmem>>, %arg12: memref<158x128xi32, #tpu.memory_space<vmem>>, %arg13: memref<128x8xf32, #tpu.memory_space<vmem>>, %arg14: memref<640x8xf32, #tpu.memory_space<vmem>>, %arg15: memref<640xf32, #tpu.memory_space<vmem>>, %arg16: memref<10000x64xf32, #tpu.memory_space<vmem_shared>>, %arg17: memref<10000x8xf32, #tpu.memory_space<vmem_shared>>, %arg18: memref<!tpu.dma_semaphore, #tpu.memory_space<semaphore_mem>>, %arg19: memref<!tpu.dma_semaphore, #tpu.memory_space<semaphore_mem>>, %arg20: memref<!tpu.dma_semaphore, #tpu.memory_space<semaphore_mem>>, %arg21: memref<!tpu.dma_semaphore, #tpu.memory_space<semaphore_mem>>, %arg22: memref<!tpu.dma_semaphore, #tpu.memory_space<semaphore_mem>>, %arg23: memref<!tpu.dma_semaphore, #tpu.memory_space<semaphore_mem>>) attributes {dimension_semantics = [#tpu.dimension_semantics<core_parallel>, #tpu.dimension_semantics<subcore_parallel>], iteration_bounds = array<i64: 2, 16>, scalar_prefetch = 0 : i64, scratch_operands = 15 : i64, tpu.core_type = #tpu.core_type<sc_vector_subcore>, window_params = [{transform_indices = #map}, {transform_indices = #map}, {transform_indices = #map}, {transform_indices = #map}, {transform_indices = #map}, {transform_indices = #map}, {transform_indices = #map1}]} {
    %mul3A = arith.constant 64 : i32
    %mul3A_0 = arith.muli %arg0, %mul3A : i32
    %mul3A_1 = arith.constant 625 : i32
    %mul3A_2 = arith.muli %arg1, %mul3A_1 : i32
    "tpu.region"() ({
      %run_scoped3A = tpu.sem_alloc : memref<!tpu.dma_semaphore, #tpu.memory_space<semaphore_mem>>
      %dma_start3A_495 = arith.constant 0 : i32
      %dma_start3A_496 = tpu.memref_slice %arg16[%mul3A_2, %dma_start3A_495] : memref<10000x64xf32, #tpu.memory_space<vmem_shared>> -> memref<625x64xf32, #tpu.memory_space<vmem_shared>>
      tpu.enqueue_dma source(%arg4 : memref<625x64xf32, #tpu.memory_space<hbm>>) target(%dma_start3A_496 : memref<625x64xf32, #tpu.memory_space<vmem_shared>>) target_semaphore(%run_scoped3A : memref<!tpu.dma_semaphore, #tpu.memory_space<semaphore_mem>>)
      %dma_wait3A_497 = arith.constant 0 : i32
      %dma_wait3A_498 = tpu.memref_slice %arg16[%mul3A_2, %dma_wait3A_497] : memref<10000x64xf32, #tpu.memory_space<vmem_shared>> -> memref<625x64xf32, #tpu.memory_space<vmem_shared>>
      tpu.wait_dma2 semaphore(%run_scoped3A : memref<!tpu.dma_semaphore, #tpu.memory_space<semaphore_mem>>) src(%arg4 : memref<625x64xf32, #tpu.memory_space<hbm>>) dst(%dma_wait3A_498 : memref<625x64xf32, #tpu.memory_space<vmem_shared>>)
      tpu.yield
    }) : () -> ()
    "tpu.region"() ({
      %run_scoped3A = tpu.sem_alloc : memref<!tpu.dma_semaphore, #tpu.memory_space<semaphore_mem>>
      %dma_start3A_495 = arith.constant 0 : i32
      %dma_start3A_496 = tpu.memref_slice %arg17[%mul3A_2, %dma_start3A_495] : memref<10000x8xf32, #tpu.memory_space<vmem_shared>> -> memref<625x8xf32, #tpu.memory_space<vmem_shared>>
      tpu.enqueue_dma source(%arg5 : memref<625x8xf32, #tpu.memory_space<hbm>>) target(%dma_start3A_496 : memref<625x8xf32, #tpu.memory_space<vmem_shared>>) target_semaphore(%run_scoped3A : memref<!tpu.dma_semaphore, #tpu.memory_space<semaphore_mem>>)
      %dma_wait3A_497 = arith.constant 0 : i32
      %dma_wait3A_498 = tpu.memref_slice %arg17[%mul3A_2, %dma_wait3A_497] : memref<10000x8xf32, #tpu.memory_space<vmem_shared>> -> memref<625x8xf32, #tpu.memory_space<vmem_shared>>
      tpu.wait_dma2 semaphore(%run_scoped3A : memref<!tpu.dma_semaphore, #tpu.memory_space<semaphore_mem>>) src(%arg5 : memref<625x8xf32, #tpu.memory_space<hbm>>) dst(%dma_wait3A_498 : memref<625x8xf32, #tpu.memory_space<vmem_shared>>)
      tpu.yield
    }) : () -> ()
    "tpu.region"() ({
      %run_scoped3A = tpu.sem_alloc : memref<!tpu.dma_semaphore, #tpu.memory_space<semaphore_mem>>
      tpu.enqueue_dma source(%arg6 : memref<128x8xf32, #tpu.memory_space<hbm>>) target(%arg13 : memref<128x8xf32, #tpu.memory_space<vmem>>) target_semaphore(%run_scoped3A : memref<!tpu.dma_semaphore, #tpu.memory_space<semaphore_mem>>)
      tpu.wait_dma2 semaphore(%run_scoped3A : memref<!tpu.dma_semaphore, #tpu.memory_space<semaphore_mem>>) src(%arg6 : memref<128x8xf32, #tpu.memory_space<hbm>>) dst(%arg13 : memref<128x8xf32, #tpu.memory_space<vmem>>)
      tpu.yield
    }) : () -> ()
    %mul3A_3 = arith.constant 156 : i32
    %mul3A_4 = arith.muli %arg1, %mul3A_3 : i32
    "tpu.region"() ({
      %run_scoped3A = tpu.sem_alloc : memref<!tpu.dma_semaphore, #tpu.memory_space<semaphore_mem>>
      %dma_start3A_495 = arith.constant 0 : i32
      %dma_start3A_496 = arith.constant 0 : i32
      %dma_start3A_497 = tpu.memref_slice %arg12[%dma_start3A_495, %dma_start3A_496] : memref<158x128xi32, #tpu.memory_space<vmem>> -> memref<156x128xi32, #tpu.memory_space<vmem>>
      %dma_start3A_498 = arith.constant 0 : i32
      %dma_start3A_499 = tpu.memref_slice %arg3[%mul3A_4, %dma_start3A_498] : memref<2500x128xi32, #tpu.memory_space<hbm>> -> memref<156x128xi32, #tpu.memory_space<hbm>>
      %dma_start3A_500 = arith.constant 0 : i32
      %dma_start3A_501 = arith.constant 0 : i32
      %dma_start3A_502 = tpu.memref_slice %arg12[%dma_start3A_500, %dma_start3A_501] : memref<158x128xi32, #tpu.memory_space<vmem>> -> memref<156x128xi32, #tpu.memory_space<vmem>>
      %dma_start3A_503 = arith.constant 0 : i32
      %dma_start3A_504 = tpu.memref_slice %arg3[%mul3A_4, %dma_start3A_503] : memref<2500x128xi32, #tpu.memory_space<hbm>> -> memref<156x128xi32, #tpu.memory_space<hbm>>
      tpu.enqueue_dma source(%dma_start3A_504 : memref<156x128xi32, #tpu.memory_space<hbm>>) target(%dma_start3A_502 : memref<156x128xi32, #tpu.memory_space<vmem>>) target_semaphore(%run_scoped3A : memref<!tpu.dma_semaphore, #tpu.memory_space<semaphore_mem>>)
      %dma_wait3A_505 = arith.constant 0 : i32
      %dma_wait3A_506 = arith.constant 0 : i32
      %dma_wait3A_507 = tpu.memref_slice %arg12[%dma_wait3A_505, %dma_wait3A_506] : memref<158x128xi32, #tpu.memory_space<vmem>> -> memref<156x128xi32, #tpu.memory_space<vmem>>
      %dma_wait3A_508 = arith.constant 0 : i32
      %dma_wait3A_509 = tpu.memref_slice %arg3[%mul3A_4, %dma_wait3A_508] : memref<2500x128xi32, #tpu.memory_space<hbm>> -> memref<156x128xi32, #tpu.memory_space<hbm>>
      %dma_wait3A_510 = arith.constant 0 : i32
      %dma_wait3A_511 = arith.constant 0 : i32
      %dma_wait3A_512 = tpu.memref_slice %arg12[%dma_wait3A_510, %dma_wait3A_511] : memref<158x128xi32, #tpu.memory_space<vmem>> -> memref<156x128xi32, #tpu.memory_space<vmem>>
      %dma_wait3A_513 = arith.constant 0 : i32
      %dma_wait3A_514 = tpu.memref_slice %arg3[%mul3A_4, %dma_wait3A_513] : memref<2500x128xi32, #tpu.memory_space<hbm>> -> memref<156x128xi32, #tpu.memory_space<hbm>>
      tpu.wait_dma2 semaphore(%run_scoped3A : memref<!tpu.dma_semaphore, #tpu.memory_space<semaphore_mem>>) src(%dma_wait3A_514 : memref<156x128xi32, #tpu.memory_space<hbm>>) dst(%dma_wait3A_512 : memref<156x128xi32, #tpu.memory_space<vmem>>)
      tpu.yield
    }) : () -> ()
    %lt3A = arith.constant 2 : i32
    %lt3A_5 = arith.cmpi slt, %arg1, %lt3A : i32
    %convert_element_type3A = arith.extui %lt3A_5 : i1 to i32
    %cond3A = arith.constant 0 : i32
    %cond3A_6 = arith.cmpi ne, %convert_element_type3A, %cond3A : i32
    scf.if %cond3A_6 {
      %mul3A_495 = arith.constant 2 : i32
      %mul3A_496 = arith.muli %mul3A_495, %arg1 : i32
      %add3A_497 = arith.constant 2496 : i32
      %add3A_498 = arith.addi %add3A_497, %mul3A_496 : i32
      "tpu.region"() ({
        %run_scoped3A = tpu.sem_alloc : memref<!tpu.dma_semaphore, #tpu.memory_space<semaphore_mem>>
        %dma_start3A_499 = arith.constant 156 : i32
        %dma_start3A_500 = arith.constant 0 : i32
        %dma_start3A_501 = tpu.memref_slice %arg12[%dma_start3A_499, %dma_start3A_500] : memref<158x128xi32, #tpu.memory_space<vmem>> -> memref<2x128xi32, #tpu.memory_space<vmem>>
        %dma_start3A_502 = arith.constant 0 : i32
        %dma_start3A_503 = tpu.memref_slice %arg3[%add3A_498, %dma_start3A_502] : memref<2500x128xi32, #tpu.memory_space<hbm>> -> memref<2x128xi32, #tpu.memory_space<hbm>>
        %dma_start3A_504 = arith.constant 156 : i32
        %dma_start3A_505 = arith.constant 0 : i32
        %dma_start3A_506 = tpu.memref_slice %arg12[%dma_start3A_504, %dma_start3A_505] : memref<158x128xi32, #tpu.memory_space<vmem>> -> memref<2x128xi32, #tpu.memory_space<vmem>>
        %dma_start3A_507 = arith.constant 0 : i32
        %dma_start3A_508 = tpu.memref_slice %arg3[%add3A_498, %dma_start3A_507] : memref<2500x128xi32, #tpu.memory_space<hbm>> -> memref<2x128xi32, #tpu.memory_space<hbm>>
        tpu.enqueue_dma source(%dma_start3A_508 : memref<2x128xi32, #tpu.memory_space<hbm>>) target(%dma_start3A_506 : memref<2x128xi32, #tpu.memory_space<vmem>>) target_semaphore(%run_scoped3A : memref<!tpu.dma_semaphore, #tpu.memory_space<semaphore_mem>>)
        %dma_wait3A_509 = arith.constant 156 : i32
        %dma_wait3A_510 = arith.constant 0 : i32
        %dma_wait3A_511 = tpu.memref_slice %arg12[%dma_wait3A_509, %dma_wait3A_510] : memref<158x128xi32, #tpu.memory_space<vmem>> -> memref<2x128xi32, #tpu.memory_space<vmem>>
        %dma_wait3A_512 = arith.constant 0 : i32
        %dma_wait3A_513 = tpu.memref_slice %arg3[%add3A_498, %dma_wait3A_512] : memref<2500x128xi32, #tpu.memory_space<hbm>> -> memref<2x128xi32, #tpu.memory_space<hbm>>
        %dma_wait3A_514 = arith.constant 156 : i32
        %dma_wait3A_515 = arith.constant 0 : i32
        %dma_wait3A_516 = tpu.memref_slice %arg12[%dma_wait3A_514, %dma_wait3A_515] : memref<158x128xi32, #tpu.memory_space<vmem>> -> memref<2x128xi32, #tpu.memory_space<vmem>>
        %dma_wait3A_517 = arith.constant 0 : i32
        %dma_wait3A_518 = tpu.memref_slice %arg3[%add3A_498, %dma_wait3A_517] : memref<2500x128xi32, #tpu.memory_space<hbm>> -> memref<2x128xi32, #tpu.memory_space<hbm>>
        tpu.wait_dma2 semaphore(%run_scoped3A : memref<!tpu.dma_semaphore, #tpu.memory_space<semaphore_mem>>) src(%dma_wait3A_518 : memref<2x128xi32, #tpu.memory_space<hbm>>) dst(%dma_wait3A_516 : memref<2x128xi32, #tpu.memory_space<vmem>>)
        tpu.yield
      }) : () -> ()
    } else {
    }
    %barrier3A = arith.constant 0 : index
    tpu.barrier barrier_id(%barrier3A)
    %mul3A_7 = arith.constant 78 : i32
    %mul3A_8 = arith.muli %arg1, %mul3A_7 : i32
    %add3A = arith.constant 0 : i32
    %add3A_9 = arith.addi %mul3A_8, %add3A : i32
    %mul3A_10 = arith.constant 256 : i32
    %mul3A_11 = arith.muli %add3A_9, %mul3A_10 : i32
    %dma_start3A = tpu.memref_slice %arg2[%mul3A_11, %mul3A_0] : memref<320000x128xf32, #tpu.memory_space<hbm>> -> memref<256x64xf32, #tpu.memory_space<hbm>>
    %dma_start3A_12 = tpu.memref_slice %arg2[%mul3A_11, %mul3A_0] : memref<320000x128xf32, #tpu.memory_space<hbm>> -> memref<256x64xf32, #tpu.memory_space<hbm>>
    tpu.enqueue_dma source(%dma_start3A_12 : memref<256x64xf32, #tpu.memory_space<hbm>>) target(%arg9 : memref<256x64xf32, #tpu.memory_space<vmem>>) target_semaphore(%arg18 : memref<!tpu.dma_semaphore, #tpu.memory_space<semaphore_mem>>)
    %add3A_13 = arith.constant 1 : i32
    %add3A_14 = arith.addi %mul3A_8, %add3A_13 : i32
    %mul3A_15 = arith.constant 256 : i32
    %mul3A_16 = arith.muli %add3A_14, %mul3A_15 : i32
    %dma_start3A_17 = tpu.memref_slice %arg2[%mul3A_16, %mul3A_0] : memref<320000x128xf32, #tpu.memory_space<hbm>> -> memref<256x64xf32, #tpu.memory_space<hbm>>
    %dma_start3A_18 = tpu.memref_slice %arg2[%mul3A_16, %mul3A_0] : memref<320000x128xf32, #tpu.memory_space<hbm>> -> memref<256x64xf32, #tpu.memory_space<hbm>>
    tpu.enqueue_dma source(%dma_start3A_18 : memref<256x64xf32, #tpu.memory_space<hbm>>) target(%arg10 : memref<256x64xf32, #tpu.memory_space<vmem>>) target_semaphore(%arg19 : memref<!tpu.dma_semaphore, #tpu.memory_space<semaphore_mem>>)
    %sub3A = arith.subi %mul3A_8, %mul3A_8 : i32
    %add3A_19 = arith.constant 0 : i32
    %add3A_20 = arith.addi %sub3A, %add3A_19 : i32
    %dma_wait3A = arith.constant 0 : i32
    %dma_wait3A_21 = tpu.memref_slice %arg2[%dma_wait3A, %mul3A_0] : memref<320000x128xf32, #tpu.memory_space<hbm>> -> memref<256x64xf32, #tpu.memory_space<hbm>>
    %dma_wait3A_22 = arith.constant 0 : i32
    %dma_wait3A_23 = tpu.memref_slice %arg2[%dma_wait3A_22, %mul3A_0] : memref<320000x128xf32, #tpu.memory_space<hbm>> -> memref<256x64xf32, #tpu.memory_space<hbm>>
    tpu.wait_dma2 semaphore(%arg18 : memref<!tpu.dma_semaphore, #tpu.memory_space<semaphore_mem>>) src(%dma_wait3A_23 : memref<256x64xf32, #tpu.memory_space<hbm>>) dst(%arg9 : memref<256x64xf32, #tpu.memory_space<vmem>>)
    %mul3A_24 = arith.constant 2 : i32
    %mul3A_25 = arith.muli %mul3A_24, %add3A_20 : i32
    %rem3A = arith.constant 2 : i32
    %rem3A_26 = arith.remsi %add3A_20, %rem3A : i32
    %eq3A = arith.cmpi eq, %arg0, %rem3A_26 : i32
    %add3A_27 = arith.constant 0 : i32
    %add3A_28 = arith.addi %mul3A_25, %add3A_27 : i32
    %dma_start3A_29 = arith.constant 0 : i32
    %dma_start3A_30 = arith.constant 0 : i32
    %dma_start3A_31 = tpu.memref_slice %arg9[%dma_start3A_29, %dma_start3A_30] : memref<256x64xf32, #tpu.memory_space<vmem>> -> memref<128x64xf32, #tpu.memory_space<vmem>>
    %dma_start3A_32 = arith.constant 0 : i32
    %dma_start3A_33 = tpu.memref_slice %arg12[%add3A_28, %dma_start3A_32] : memref<158x128xi32, #tpu.memory_space<vmem>> -> memref<1x128xi32, #tpu.memory_space<vmem>>
    %dma_start3A_34 = tpu.memref_squeeze %dma_start3A_33 : memref<1x128xi32, #tpu.memory_space<vmem>> -> memref<128xi32, #tpu.memory_space<vmem>>
    %dma_start3A_35 = arith.constant 0 : i32
    %dma_start3A_36 = arith.constant 0 : i32
    %dma_start3A_37 = tpu.memref_slice %arg16[%dma_start3A_35, %dma_start3A_36] : memref<10000x64xf32, #tpu.memory_space<vmem_shared>> -> memref<10000x64xf32, #tpu.memory_space<vmem_shared>>
    tpu.enqueue_indirect_dma source(%dma_start3A_31 : memref<128x64xf32, #tpu.memory_space<vmem>>) target(%dma_start3A_37 : memref<10000x64xf32, #tpu.memory_space<vmem_shared>>) offsets(%dma_start3A_34 : memref<128xi32, #tpu.memory_space<vmem>>) semaphore(%arg21 : memref<!tpu.dma_semaphore, #tpu.memory_space<semaphore_mem>>) {add = true}
    %add3A_38 = arith.constant 1 : i32
    %add3A_39 = arith.addi %mul3A_25, %add3A_38 : i32
    %dma_start3A_40 = arith.constant 128 : i32
    %dma_start3A_41 = arith.constant 0 : i32
    %dma_start3A_42 = tpu.memref_slice %arg9[%dma_start3A_40, %dma_start3A_41] : memref<256x64xf32, #tpu.memory_space<vmem>> -> memref<128x64xf32, #tpu.memory_space<vmem>>
    %dma_start3A_43 = arith.constant 0 : i32
    %dma_start3A_44 = tpu.memref_slice %arg12[%add3A_39, %dma_start3A_43] : memref<158x128xi32, #tpu.memory_space<vmem>> -> memref<1x128xi32, #tpu.memory_space<vmem>>
    %dma_start3A_45 = tpu.memref_squeeze %dma_start3A_44 : memref<1x128xi32, #tpu.memory_space<vmem>> -> memref<128xi32, #tpu.memory_space<vmem>>
    %dma_start3A_46 = arith.constant 0 : i32
    %dma_start3A_47 = arith.constant 0 : i32
    %dma_start3A_48 = tpu.memref_slice %arg16[%dma_start3A_46, %dma_start3A_47] : memref<10000x64xf32, #tpu.memory_space<vmem_shared>> -> memref<10000x64xf32, #tpu.memory_space<vmem_shared>>
    tpu.enqueue_indirect_dma source(%dma_start3A_42 : memref<128x64xf32, #tpu.memory_space<vmem>>) target(%dma_start3A_48 : memref<10000x64xf32, #tpu.memory_space<vmem_shared>>) offsets(%dma_start3A_45 : memref<128xi32, #tpu.memory_space<vmem>>) semaphore(%arg21 : memref<!tpu.dma_semaphore, #tpu.memory_space<semaphore_mem>>) {add = true}
    %convert_element_type3A_49 = arith.extui %eq3A : i1 to i32
    %cond3A_50 = arith.constant 0 : i32
    %cond3A_51 = arith.cmpi ne, %convert_element_type3A_49, %cond3A_50 : i32
    scf.if %cond3A_51 {
      %add3A_495 = arith.constant 0 : i32
      %add3A_496 = arith.addi %mul3A_25, %add3A_495 : i32
      %dma_start3A_497 = arith.constant 0 : i32
      %dma_start3A_498 = tpu.memref_slice %arg12[%add3A_496, %dma_start3A_497] : memref<158x128xi32, #tpu.memory_space<vmem>> -> memref<1x128xi32, #tpu.memory_space<vmem>>
      %dma_start3A_499 = tpu.memref_squeeze %dma_start3A_498 : memref<1x128xi32, #tpu.memory_space<vmem>> -> memref<128xi32, #tpu.memory_space<vmem>>
      %dma_start3A_500 = arith.constant 0 : i32
      %dma_start3A_501 = arith.constant 0 : i32
      %dma_start3A_502 = tpu.memref_slice %arg17[%dma_start3A_500, %dma_start3A_501] : memref<10000x8xf32, #tpu.memory_space<vmem_shared>> -> memref<10000x8xf32, #tpu.memory_space<vmem_shared>>
      tpu.enqueue_indirect_dma source(%arg13 : memref<128x8xf32, #tpu.memory_space<vmem>>) target(%dma_start3A_502 : memref<10000x8xf32, #tpu.memory_space<vmem_shared>>) offsets(%dma_start3A_499 : memref<128xi32, #tpu.memory_space<vmem>>) semaphore(%arg21 : memref<!tpu.dma_semaphore, #tpu.memory_space<semaphore_mem>>) {add = true}
      %add3A_503 = arith.constant 1 : i32
      %add3A_504 = arith.addi %mul3A_25, %add3A_503 : i32
      %dma_start3A_505 = arith.constant 0 : i32
      %dma_start3A_506 = tpu.memref_slice %arg12[%add3A_504, %dma_start3A_505] : memref<158x128xi32, #tpu.memory_space<vmem>> -> memref<1x128xi32, #tpu.memory_space<vmem>>
      %dma_start3A_507 = tpu.memref_squeeze %dma_start3A_506 : memref<1x128xi32, #tpu.memory_space<vmem>> -> memref<128xi32, #tpu.memory_space<vmem>>
      %dma_start3A_508 = arith.constant 0 : i32
      %dma_start3A_509 = arith.constant 0 : i32
      %dma_start3A_510 = tpu.memref_slice %arg17[%dma_start3A_508, %dma_start3A_509] : memref<10000x8xf32, #tpu.memory_space<vmem_shared>> -> memref<10000x8xf32, #tpu.memory_space<vmem_shared>>
      tpu.enqueue_indirect_dma source(%arg13 : memref<128x8xf32, #tpu.memory_space<vmem>>) target(%dma_start3A_510 : memref<10000x8xf32, #tpu.memory_space<vmem_shared>>) offsets(%dma_start3A_507 : memref<128xi32, #tpu.memory_space<vmem>>) semaphore(%arg21 : memref<!tpu.dma_semaphore, #tpu.memory_space<semaphore_mem>>) {add = true}
    } else {
    }
    %add3A_52 = arith.constant 0 : i32
    %add3A_53 = arith.addi %mul3A_8, %add3A_52 : i32
    %add3A_54 = arith.constant 3 : i32
    %add3A_55 = arith.addi %add3A_53, %add3A_54 : i32
    %sub3A_56 = arith.constant 1 : i32
    %sub3A_57 = arith.subi %add3A_55, %sub3A_56 : i32
    %mul3A_58 = arith.constant 256 : i32
    %mul3A_59 = arith.muli %sub3A_57, %mul3A_58 : i32
    %dma_start3A_60 = tpu.memref_slice %arg2[%mul3A_59, %mul3A_0] : memref<320000x128xf32, #tpu.memory_space<hbm>> -> memref<256x64xf32, #tpu.memory_space<hbm>>
    %dma_start3A_61 = tpu.memref_slice %arg2[%mul3A_59, %mul3A_0] : memref<320000x128xf32, #tpu.memory_space<hbm>> -> memref<256x64xf32, #tpu.memory_space<hbm>>
    tpu.enqueue_dma source(%dma_start3A_61 : memref<256x64xf32, #tpu.memory_space<hbm>>) target(%arg11 : memref<256x64xf32, #tpu.memory_space<vmem>>) target_semaphore(%arg20 : memref<!tpu.dma_semaphore, #tpu.memory_space<semaphore_mem>>)
    %sub3A_62 = arith.subi %mul3A_8, %mul3A_8 : i32
    %add3A_63 = arith.constant 1 : i32
    %add3A_64 = arith.addi %sub3A_62, %add3A_63 : i32
    %dma_wait3A_65 = arith.constant 0 : i32
    %dma_wait3A_66 = tpu.memref_slice %arg2[%dma_wait3A_65, %mul3A_0] : memref<320000x128xf32, #tpu.memory_space<hbm>> -> memref<256x64xf32, #tpu.memory_space<hbm>>
    %dma_wait3A_67 = arith.constant 0 : i32
    %dma_wait3A_68 = tpu.memref_slice %arg2[%dma_wait3A_67, %mul3A_0] : memref<320000x128xf32, #tpu.memory_space<hbm>> -> memref<256x64xf32, #tpu.memory_space<hbm>>
    tpu.wait_dma2 semaphore(%arg19 : memref<!tpu.dma_semaphore, #tpu.memory_space<semaphore_mem>>) src(%dma_wait3A_68 : memref<256x64xf32, #tpu.memory_space<hbm>>) dst(%arg10 : memref<256x64xf32, #tpu.memory_space<vmem>>)
    %mul3A_69 = arith.constant 2 : i32
    %mul3A_70 = arith.muli %mul3A_69, %add3A_64 : i32
    %rem3A_71 = arith.constant 2 : i32
    %rem3A_72 = arith.remsi %add3A_64, %rem3A_71 : i32
    %eq3A_73 = arith.cmpi eq, %arg0, %rem3A_72 : i32
    %add3A_74 = arith.constant 0 : i32
    %add3A_75 = arith.addi %mul3A_70, %add3A_74 : i32
    %dma_start3A_76 = arith.constant 0 : i32
    %dma_start3A_77 = arith.constant 0 : i32
    %dma_start3A_78 = tpu.memref_slice %arg10[%dma_start3A_76, %dma_start3A_77] : memref<256x64xf32, #tpu.memory_space<vmem>> -> memref<128x64xf32, #tpu.memory_space<vmem>>
    %dma_start3A_79 = arith.constant 0 : i32
    %dma_start3A_80 = tpu.memref_slice %arg12[%add3A_75, %dma_start3A_79] : memref<158x128xi32, #tpu.memory_space<vmem>> -> memref<1x128xi32, #tpu.memory_space<vmem>>
    %dma_start3A_81 = tpu.memref_squeeze %dma_start3A_80 : memref<1x128xi32, #tpu.memory_space<vmem>> -> memref<128xi32, #tpu.memory_space<vmem>>
    %dma_start3A_82 = arith.constant 0 : i32
    %dma_start3A_83 = arith.constant 0 : i32
    %dma_start3A_84 = tpu.memref_slice %arg16[%dma_start3A_82, %dma_start3A_83] : memref<10000x64xf32, #tpu.memory_space<vmem_shared>> -> memref<10000x64xf32, #tpu.memory_space<vmem_shared>>
    tpu.enqueue_indirect_dma source(%dma_start3A_78 : memref<128x64xf32, #tpu.memory_space<vmem>>) target(%dma_start3A_84 : memref<10000x64xf32, #tpu.memory_space<vmem_shared>>) offsets(%dma_start3A_81 : memref<128xi32, #tpu.memory_space<vmem>>) semaphore(%arg22 : memref<!tpu.dma_semaphore, #tpu.memory_space<semaphore_mem>>) {add = true}
    %add3A_85 = arith.constant 1 : i32
    %add3A_86 = arith.addi %mul3A_70, %add3A_85 : i32
    %dma_start3A_87 = arith.constant 128 : i32
    %dma_start3A_88 = arith.constant 0 : i32
    %dma_start3A_89 = tpu.memref_slice %arg10[%dma_start3A_87, %dma_start3A_88] : memref<256x64xf32, #tpu.memory_space<vmem>> -> memref<128x64xf32, #tpu.memory_space<vmem>>
    %dma_start3A_90 = arith.constant 0 : i32
    %dma_start3A_91 = tpu.memref_slice %arg12[%add3A_86, %dma_start3A_90] : memref<158x128xi32, #tpu.memory_space<vmem>> -> memref<1x128xi32, #tpu.memory_space<vmem>>
    %dma_start3A_92 = tpu.memref_squeeze %dma_start3A_91 : memref<1x128xi32, #tpu.memory_space<vmem>> -> memref<128xi32, #tpu.memory_space<vmem>>
    %dma_start3A_93 = arith.constant 0 : i32
    %dma_start3A_94 = arith.constant 0 : i32
    %dma_start3A_95 = tpu.memref_slice %arg16[%dma_start3A_93, %dma_start3A_94] : memref<10000x64xf32, #tpu.memory_space<vmem_shared>> -> memref<10000x64xf32, #tpu.memory_space<vmem_shared>>
    tpu.enqueue_indirect_dma source(%dma_start3A_89 : memref<128x64xf32, #tpu.memory_space<vmem>>) target(%dma_start3A_95 : memref<10000x64xf32, #tpu.memory_space<vmem_shared>>) offsets(%dma_start3A_92 : memref<128xi32, #tpu.memory_space<vmem>>) semaphore(%arg22 : memref<!tpu.dma_semaphore, #tpu.memory_space<semaphore_mem>>) {add = true}
    %convert_element_type3A_96 = arith.extui %eq3A_73 : i1 to i32
    %cond3A_97 = arith.constant 0 : i32
    %cond3A_98 = arith.cmpi ne, %convert_element_type3A_96, %cond3A_97 : i32
    scf.if %cond3A_98 {
      %add3A_495 = arith.constant 0 : i32
      %add3A_496 = arith.addi %mul3A_70, %add3A_495 : i32
      %dma_start3A_497 = arith.constant 0 : i32
      %dma_start3A_498 = tpu.memref_slice %arg12[%add3A_496, %dma_start3A_497] : memref<158x128xi32, #tpu.memory_space<vmem>> -> memref<1x128xi32, #tpu.memory_space<vmem>>
      %dma_start3A_499 = tpu.memref_squeeze %dma_start3A_498 : memref<1x128xi32, #tpu.memory_space<vmem>> -> memref<128xi32, #tpu.memory_space<vmem>>
      %dma_start3A_500 = arith.constant 0 : i32
      %dma_start3A_501 = arith.constant 0 : i32
      %dma_start3A_502 = tpu.memref_slice %arg17[%dma_start3A_500, %dma_start3A_501] : memref<10000x8xf32, #tpu.memory_space<vmem_shared>> -> memref<10000x8xf32, #tpu.memory_space<vmem_shared>>
      tpu.enqueue_indirect_dma source(%arg13 : memref<128x8xf32, #tpu.memory_space<vmem>>) target(%dma_start3A_502 : memref<10000x8xf32, #tpu.memory_space<vmem_shared>>) offsets(%dma_start3A_499 : memref<128xi32, #tpu.memory_space<vmem>>) semaphore(%arg22 : memref<!tpu.dma_semaphore, #tpu.memory_space<semaphore_mem>>) {add = true}
      %add3A_503 = arith.constant 1 : i32
      %add3A_504 = arith.addi %mul3A_70, %add3A_503 : i32
      %dma_start3A_505 = arith.constant 0 : i32
      %dma_start3A_506 = tpu.memref_slice %arg12[%add3A_504, %dma_start3A_505] : memref<158x128xi32, #tpu.memory_space<vmem>> -> memref<1x128xi32, #tpu.memory_space<vmem>>
      %dma_start3A_507 = tpu.memref_squeeze %dma_start3A_506 : memref<1x128xi32, #tpu.memory_space<vmem>> -> memref<128xi32, #tpu.memory_space<vmem>>
      %dma_start3A_508 = arith.constant 0 : i32
      %dma_start3A_509 = arith.constant 0 : i32
      %dma_start3A_510 = tpu.memref_slice %arg17[%dma_start3A_508, %dma_start3A_509] : memref<10000x8xf32, #tpu.memory_space<vmem_shared>> -> memref<10000x8xf32, #tpu.memory_space<vmem_shared>>
      tpu.enqueue_indirect_dma source(%arg13 : memref<128x8xf32, #tpu.memory_space<vmem>>) target(%dma_start3A_510 : memref<10000x8xf32, #tpu.memory_space<vmem_shared>>) offsets(%dma_start3A_507 : memref<128xi32, #tpu.memory_space<vmem>>) semaphore(%arg22 : memref<!tpu.dma_semaphore, #tpu.memory_space<semaphore_mem>>) {add = true}
    } else {
    }
    %add3A_99 = arith.constant 1 : i32
    %add3A_100 = arith.addi %add3A_64, %add3A_99 : i32
    %rem3A_101 = arith.constant 2 : i32
    %rem3A_102 = arith.remsi %add3A_100, %rem3A_101 : i32
    %eq3A_103 = arith.cmpi eq, %arg0, %rem3A_102 : i32
    %dma_wait3A_104 = arith.constant 0 : i32
    %dma_wait3A_105 = arith.constant 0 : i32
    %dma_wait3A_106 = arith.constant 0 : i32
    %dma_wait3A_107 = tpu.memref_slice %arg9[%dma_wait3A_105, %dma_wait3A_106] : memref<256x64xf32, #tpu.memory_space<vmem>> -> memref<128x64xf32, #tpu.memory_space<vmem>>
    %dma_wait3A_108 = arith.constant 0 : i32
    %dma_wait3A_109 = tpu.memref_slice %arg12[%dma_wait3A_104, %dma_wait3A_108] : memref<158x128xi32, #tpu.memory_space<vmem>> -> memref<1x128xi32, #tpu.memory_space<vmem>>
    %dma_wait3A_110 = tpu.memref_squeeze %dma_wait3A_109 : memref<1x128xi32, #tpu.memory_space<vmem>> -> memref<128xi32, #tpu.memory_space<vmem>>
    %dma_wait3A_111 = arith.constant 0 : i32
    %dma_wait3A_112 = arith.constant 0 : i32
    %dma_wait3A_113 = tpu.memref_slice %arg16[%dma_wait3A_111, %dma_wait3A_112] : memref<10000x64xf32, #tpu.memory_space<vmem_shared>> -> memref<10000x64xf32, #tpu.memory_space<vmem_shared>>
    tpu.wait_indirect_dma semaphore(%arg21 : memref<!tpu.dma_semaphore, #tpu.memory_space<semaphore_mem>>) src(%dma_wait3A_107 : memref<128x64xf32, #tpu.memory_space<vmem>>) dst(%dma_wait3A_113 : memref<10000x64xf32, #tpu.memory_space<vmem_shared>>)
    %dma_wait3A_114 = arith.constant 0 : i32
    %dma_wait3A_115 = arith.constant 128 : i32
    %dma_wait3A_116 = arith.constant 0 : i32
    %dma_wait3A_117 = tpu.memref_slice %arg9[%dma_wait3A_115, %dma_wait3A_116] : memref<256x64xf32, #tpu.memory_space<vmem>> -> memref<128x64xf32, #tpu.memory_space<vmem>>
    %dma_wait3A_118 = arith.constant 0 : i32
    %dma_wait3A_119 = tpu.memref_slice %arg12[%dma_wait3A_114, %dma_wait3A_118] : memref<158x128xi32, #tpu.memory_space<vmem>> -> memref<1x128xi32, #tpu.memory_space<vmem>>
    %dma_wait3A_120 = tpu.memref_squeeze %dma_wait3A_119 : memref<1x128xi32, #tpu.memory_space<vmem>> -> memref<128xi32, #tpu.memory_space<vmem>>
    %dma_wait3A_121 = arith.constant 0 : i32
    %dma_wait3A_122 = arith.constant 0 : i32
    %dma_wait3A_123 = tpu.memref_slice %arg16[%dma_wait3A_121, %dma_wait3A_122] : memref<10000x64xf32, #tpu.memory_space<vmem_shared>> -> memref<10000x64xf32, #tpu.memory_space<vmem_shared>>
    tpu.wait_indirect_dma semaphore(%arg21 : memref<!tpu.dma_semaphore, #tpu.memory_space<semaphore_mem>>) src(%dma_wait3A_117 : memref<128x64xf32, #tpu.memory_space<vmem>>) dst(%dma_wait3A_123 : memref<10000x64xf32, #tpu.memory_space<vmem_shared>>)
    %convert_element_type3A_124 = arith.extui %eq3A_103 : i1 to i32
    %cond3A_125 = arith.constant 0 : i32
    %cond3A_126 = arith.cmpi ne, %convert_element_type3A_124, %cond3A_125 : i32
    scf.if %cond3A_126 {
      %dma_wait3A_495 = arith.constant 0 : i32
      %dma_wait3A_496 = arith.constant 0 : i32
      %dma_wait3A_497 = tpu.memref_slice %arg12[%dma_wait3A_495, %dma_wait3A_496] : memref<158x128xi32, #tpu.memory_space<vmem>> -> memref<1x128xi32, #tpu.memory_space<vmem>>
      %dma_wait3A_498 = tpu.memref_squeeze %dma_wait3A_497 : memref<1x128xi32, #tpu.memory_space<vmem>> -> memref<128xi32, #tpu.memory_space<vmem>>
      %dma_wait3A_499 = arith.constant 0 : i32
      %dma_wait3A_500 = arith.constant 0 : i32
      %dma_wait3A_501 = tpu.memref_slice %arg17[%dma_wait3A_499, %dma_wait3A_500] : memref<10000x8xf32, #tpu.memory_space<vmem_shared>> -> memref<10000x8xf32, #tpu.memory_space<vmem_shared>>
      tpu.wait_indirect_dma semaphore(%arg21 : memref<!tpu.dma_semaphore, #tpu.memory_space<semaphore_mem>>) src(%arg13 : memref<128x8xf32, #tpu.memory_space<vmem>>) dst(%dma_wait3A_501 : memref<10000x8xf32, #tpu.memory_space<vmem_shared>>)
      %dma_wait3A_502 = arith.constant 0 : i32
      %dma_wait3A_503 = arith.constant 0 : i32
      %dma_wait3A_504 = tpu.memref_slice %arg12[%dma_wait3A_502, %dma_wait3A_503] : memref<158x128xi32, #tpu.memory_space<vmem>> -> memref<1x128xi32, #tpu.memory_space<vmem>>
      %dma_wait3A_505 = tpu.memref_squeeze %dma_wait3A_504 : memref<1x128xi32, #tpu.memory_space<vmem>> -> memref<128xi32, #tpu.memory_space<vmem>>
      %dma_wait3A_506 = arith.constant 0 : i32
      %dma_wait3A_507 = arith.constant 0 : i32
      %dma_wait3A_508 = tpu.memref_slice %arg17[%dma_wait3A_506, %dma_wait3A_507] : memref<10000x8xf32, #tpu.memory_space<vmem_shared>> -> memref<10000x8xf32, #tpu.memory_space<vmem_shared>>
      tpu.wait_indirect_dma semaphore(%arg21 : memref<!tpu.dma_semaphore, #tpu.memory_space<semaphore_mem>>) src(%arg13 : memref<128x8xf32, #tpu.memory_space<vmem>>) dst(%dma_wait3A_508 : memref<10000x8xf32, #tpu.memory_space<vmem_shared>>)
    } else {
    }
    %add3A_127 = arith.constant 1 : i32
    %add3A_128 = arith.addi %mul3A_8, %add3A_127 : i32
    %add3A_129 = arith.constant 3 : i32
    %add3A_130 = arith.addi %add3A_128, %add3A_129 : i32
    %sub3A_131 = arith.constant 1 : i32
    %sub3A_132 = arith.subi %add3A_130, %sub3A_131 : i32
    %mul3A_133 = arith.constant 256 : i32
    %mul3A_134 = arith.muli %sub3A_132, %mul3A_133 : i32
    %dma_start3A_135 = tpu.memref_slice %arg2[%mul3A_134, %mul3A_0] : memref<320000x128xf32, #tpu.memory_space<hbm>> -> memref<256x64xf32, #tpu.memory_space<hbm>>
    %dma_start3A_136 = tpu.memref_slice %arg2[%mul3A_134, %mul3A_0] : memref<320000x128xf32, #tpu.memory_space<hbm>> -> memref<256x64xf32, #tpu.memory_space<hbm>>
    tpu.enqueue_dma source(%dma_start3A_136 : memref<256x64xf32, #tpu.memory_space<hbm>>) target(%arg9 : memref<256x64xf32, #tpu.memory_space<vmem>>) target_semaphore(%arg18 : memref<!tpu.dma_semaphore, #tpu.memory_space<semaphore_mem>>)
    %sub3A_137 = arith.subi %mul3A_8, %mul3A_8 : i32
    %add3A_138 = arith.constant 2 : i32
    %add3A_139 = arith.addi %sub3A_137, %add3A_138 : i32
    %dma_wait3A_140 = arith.constant 0 : i32
    %dma_wait3A_141 = tpu.memref_slice %arg2[%dma_wait3A_140, %mul3A_0] : memref<320000x128xf32, #tpu.memory_space<hbm>> -> memref<256x64xf32, #tpu.memory_space<hbm>>
    %dma_wait3A_142 = arith.constant 0 : i32
    %dma_wait3A_143 = tpu.memref_slice %arg2[%dma_wait3A_142, %mul3A_0] : memref<320000x128xf32, #tpu.memory_space<hbm>> -> memref<256x64xf32, #tpu.memory_space<hbm>>
    tpu.wait_dma2 semaphore(%arg20 : memref<!tpu.dma_semaphore, #tpu.memory_space<semaphore_mem>>) src(%dma_wait3A_143 : memref<256x64xf32, #tpu.memory_space<hbm>>) dst(%arg11 : memref<256x64xf32, #tpu.memory_space<vmem>>)
    %mul3A_144 = arith.constant 2 : i32
    %mul3A_145 = arith.muli %mul3A_144, %add3A_139 : i32
    %rem3A_146 = arith.constant 2 : i32
    %rem3A_147 = arith.remsi %add3A_139, %rem3A_146 : i32
    %eq3A_148 = arith.cmpi eq, %arg0, %rem3A_147 : i32
    %add3A_149 = arith.constant 0 : i32
    %add3A_150 = arith.addi %mul3A_145, %add3A_149 : i32
    %dma_start3A_151 = arith.constant 0 : i32
    %dma_start3A_152 = arith.constant 0 : i32
    %dma_start3A_153 = tpu.memref_slice %arg11[%dma_start3A_151, %dma_start3A_152] : memref<256x64xf32, #tpu.memory_space<vmem>> -> memref<128x64xf32, #tpu.memory_space<vmem>>
    %dma_start3A_154 = arith.constant 0 : i32
    %dma_start3A_155 = tpu.memref_slice %arg12[%add3A_150, %dma_start3A_154] : memref<158x128xi32, #tpu.memory_space<vmem>> -> memref<1x128xi32, #tpu.memory_space<vmem>>
    %dma_start3A_156 = tpu.memref_squeeze %dma_start3A_155 : memref<1x128xi32, #tpu.memory_space<vmem>> -> memref<128xi32, #tpu.memory_space<vmem>>
    %dma_start3A_157 = arith.constant 0 : i32
    %dma_start3A_158 = arith.constant 0 : i32
    %dma_start3A_159 = tpu.memref_slice %arg16[%dma_start3A_157, %dma_start3A_158] : memref<10000x64xf32, #tpu.memory_space<vmem_shared>> -> memref<10000x64xf32, #tpu.memory_space<vmem_shared>>
    tpu.enqueue_indirect_dma source(%dma_start3A_153 : memref<128x64xf32, #tpu.memory_space<vmem>>) target(%dma_start3A_159 : memref<10000x64xf32, #tpu.memory_space<vmem_shared>>) offsets(%dma_start3A_156 : memref<128xi32, #tpu.memory_space<vmem>>) semaphore(%arg23 : memref<!tpu.dma_semaphore, #tpu.memory_space<semaphore_mem>>) {add = true}
    %add3A_160 = arith.constant 1 : i32
    %add3A_161 = arith.addi %mul3A_145, %add3A_160 : i32
    %dma_start3A_162 = arith.constant 128 : i32
    %dma_start3A_163 = arith.constant 0 : i32
    %dma_start3A_164 = tpu.memref_slice %arg11[%dma_start3A_162, %dma_start3A_163] : memref<256x64xf32, #tpu.memory_space<vmem>> -> memref<128x64xf32, #tpu.memory_space<vmem>>
    %dma_start3A_165 = arith.constant 0 : i32
    %dma_start3A_166 = tpu.memref_slice %arg12[%add3A_161, %dma_start3A_165] : memref<158x128xi32, #tpu.memory_space<vmem>> -> memref<1x128xi32, #tpu.memory_space<vmem>>
    %dma_start3A_167 = tpu.memref_squeeze %dma_start3A_166 : memref<1x128xi32, #tpu.memory_space<vmem>> -> memref<128xi32, #tpu.memory_space<vmem>>
    %dma_start3A_168 = arith.constant 0 : i32
    %dma_start3A_169 = arith.constant 0 : i32
    %dma_start3A_170 = tpu.memref_slice %arg16[%dma_start3A_168, %dma_start3A_169] : memref<10000x64xf32, #tpu.memory_space<vmem_shared>> -> memref<10000x64xf32, #tpu.memory_space<vmem_shared>>
    tpu.enqueue_indirect_dma source(%dma_start3A_164 : memref<128x64xf32, #tpu.memory_space<vmem>>) target(%dma_start3A_170 : memref<10000x64xf32, #tpu.memory_space<vmem_shared>>) offsets(%dma_start3A_167 : memref<128xi32, #tpu.memory_space<vmem>>) semaphore(%arg23 : memref<!tpu.dma_semaphore, #tpu.memory_space<semaphore_mem>>) {add = true}
    %convert_element_type3A_171 = arith.extui %eq3A_148 : i1 to i32
    %cond3A_172 = arith.constant 0 : i32
    %cond3A_173 = arith.cmpi ne, %convert_element_type3A_171, %cond3A_172 : i32
    scf.if %cond3A_173 {
      %add3A_495 = arith.constant 0 : i32
      %add3A_496 = arith.addi %mul3A_145, %add3A_495 : i32
      %dma_start3A_497 = arith.constant 0 : i32
      %dma_start3A_498 = tpu.memref_slice %arg12[%add3A_496, %dma_start3A_497] : memref<158x128xi32, #tpu.memory_space<vmem>> -> memref<1x128xi32, #tpu.memory_space<vmem>>
      %dma_start3A_499 = tpu.memref_squeeze %dma_start3A_498 : memref<1x128xi32, #tpu.memory_space<vmem>> -> memref<128xi32, #tpu.memory_space<vmem>>
      %dma_start3A_500 = arith.constant 0 : i32
      %dma_start3A_501 = arith.constant 0 : i32
      %dma_start3A_502 = tpu.memref_slice %arg17[%dma_start3A_500, %dma_start3A_501] : memref<10000x8xf32, #tpu.memory_space<vmem_shared>> -> memref<10000x8xf32, #tpu.memory_space<vmem_shared>>
      tpu.enqueue_indirect_dma source(%arg13 : memref<128x8xf32, #tpu.memory_space<vmem>>) target(%dma_start3A_502 : memref<10000x8xf32, #tpu.memory_space<vmem_shared>>) offsets(%dma_start3A_499 : memref<128xi32, #tpu.memory_space<vmem>>) semaphore(%arg23 : memref<!tpu.dma_semaphore, #tpu.memory_space<semaphore_mem>>) {add = true}
      %add3A_503 = arith.constant 1 : i32
      %add3A_504 = arith.addi %mul3A_145, %add3A_503 : i32
      %dma_start3A_505 = arith.constant 0 : i32
      %dma_start3A_506 = tpu.memref_slice %arg12[%add3A_504, %dma_start3A_505] : memref<158x128xi32, #tpu.memory_space<vmem>> -> memref<1x128xi32, #tpu.memory_space<vmem>>
      %dma_start3A_507 = tpu.memref_squeeze %dma_start3A_506 : memref<1x128xi32, #tpu.memory_space<vmem>> -> memref<128xi32, #tpu.memory_space<vmem>>
      %dma_start3A_508 = arith.constant 0 : i32
      %dma_start3A_509 = arith.constant 0 : i32
      %dma_start3A_510 = tpu.memref_slice %arg17[%dma_start3A_508, %dma_start3A_509] : memref<10000x8xf32, #tpu.memory_space<vmem_shared>> -> memref<10000x8xf32, #tpu.memory_space<vmem_shared>>
      tpu.enqueue_indirect_dma source(%arg13 : memref<128x8xf32, #tpu.memory_space<vmem>>) target(%dma_start3A_510 : memref<10000x8xf32, #tpu.memory_space<vmem_shared>>) offsets(%dma_start3A_507 : memref<128xi32, #tpu.memory_space<vmem>>) semaphore(%arg23 : memref<!tpu.dma_semaphore, #tpu.memory_space<semaphore_mem>>) {add = true}
    } else {
    }
    %add3A_174 = arith.constant 1 : i32
    %add3A_175 = arith.addi %add3A_139, %add3A_174 : i32
    %rem3A_176 = arith.constant 2 : i32
    %rem3A_177 = arith.remsi %add3A_175, %rem3A_176 : i32
    %eq3A_178 = arith.cmpi eq, %arg0, %rem3A_177 : i32
    %dma_wait3A_179 = arith.constant 0 : i32
    %dma_wait3A_180 = arith.constant 0 : i32
    %dma_wait3A_181 = arith.constant 0 : i32
    %dma_wait3A_182 = tpu.memref_slice %arg10[%dma_wait3A_180, %dma_wait3A_181] : memref<256x64xf32, #tpu.memory_space<vmem>> -> memref<128x64xf32, #tpu.memory_space<vmem>>
    %dma_wait3A_183 = arith.constant 0 : i32
    %dma_wait3A_184 = tpu.memref_slice %arg12[%dma_wait3A_179, %dma_wait3A_183] : memref<158x128xi32, #tpu.memory_space<vmem>> -> memref<1x128xi32, #tpu.memory_space<vmem>>
    %dma_wait3A_185 = tpu.memref_squeeze %dma_wait3A_184 : memref<1x128xi32, #tpu.memory_space<vmem>> -> memref<128xi32, #tpu.memory_space<vmem>>
    %dma_wait3A_186 = arith.constant 0 : i32
    %dma_wait3A_187 = arith.constant 0 : i32
    %dma_wait3A_188 = tpu.memref_slice %arg16[%dma_wait3A_186, %dma_wait3A_187] : memref<10000x64xf32, #tpu.memory_space<vmem_shared>> -> memref<10000x64xf32, #tpu.memory_space<vmem_shared>>
    tpu.wait_indirect_dma semaphore(%arg22 : memref<!tpu.dma_semaphore, #tpu.memory_space<semaphore_mem>>) src(%dma_wait3A_182 : memref<128x64xf32, #tpu.memory_space<vmem>>) dst(%dma_wait3A_188 : memref<10000x64xf32, #tpu.memory_space<vmem_shared>>)
    %dma_wait3A_189 = arith.constant 0 : i32
    %dma_wait3A_190 = arith.constant 128 : i32
    %dma_wait3A_191 = arith.constant 0 : i32
    %dma_wait3A_192 = tpu.memref_slice %arg10[%dma_wait3A_190, %dma_wait3A_191] : memref<256x64xf32, #tpu.memory_space<vmem>> -> memref<128x64xf32, #tpu.memory_space<vmem>>
    %dma_wait3A_193 = arith.constant 0 : i32
    %dma_wait3A_194 = tpu.memref_slice %arg12[%dma_wait3A_189, %dma_wait3A_193] : memref<158x128xi32, #tpu.memory_space<vmem>> -> memref<1x128xi32, #tpu.memory_space<vmem>>
    %dma_wait3A_195 = tpu.memref_squeeze %dma_wait3A_194 : memref<1x128xi32, #tpu.memory_space<vmem>> -> memref<128xi32, #tpu.memory_space<vmem>>
    %dma_wait3A_196 = arith.constant 0 : i32
    %dma_wait3A_197 = arith.constant 0 : i32
    %dma_wait3A_198 = tpu.memref_slice %arg16[%dma_wait3A_196, %dma_wait3A_197] : memref<10000x64xf32, #tpu.memory_space<vmem_shared>> -> memref<10000x64xf32, #tpu.memory_space<vmem_shared>>
    tpu.wait_indirect_dma semaphore(%arg22 : memref<!tpu.dma_semaphore, #tpu.memory_space<semaphore_mem>>) src(%dma_wait3A_192 : memref<128x64xf32, #tpu.memory_space<vmem>>) dst(%dma_wait3A_198 : memref<10000x64xf32, #tpu.memory_space<vmem_shared>>)
    %convert_element_type3A_199 = arith.extui %eq3A_178 : i1 to i32
    %cond3A_200 = arith.constant 0 : i32
    %cond3A_201 = arith.cmpi ne, %convert_element_type3A_199, %cond3A_200 : i32
    scf.if %cond3A_201 {
      %dma_wait3A_495 = arith.constant 0 : i32
      %dma_wait3A_496 = arith.constant 0 : i32
      %dma_wait3A_497 = tpu.memref_slice %arg12[%dma_wait3A_495, %dma_wait3A_496] : memref<158x128xi32, #tpu.memory_space<vmem>> -> memref<1x128xi32, #tpu.memory_space<vmem>>
      %dma_wait3A_498 = tpu.memref_squeeze %dma_wait3A_497 : memref<1x128xi32, #tpu.memory_space<vmem>> -> memref<128xi32, #tpu.memory_space<vmem>>
      %dma_wait3A_499 = arith.constant 0 : i32
      %dma_wait3A_500 = arith.constant 0 : i32
      %dma_wait3A_501 = tpu.memref_slice %arg17[%dma_wait3A_499, %dma_wait3A_500] : memref<10000x8xf32, #tpu.memory_space<vmem_shared>> -> memref<10000x8xf32, #tpu.memory_space<vmem_shared>>
      tpu.wait_indirect_dma semaphore(%arg22 : memref<!tpu.dma_semaphore, #tpu.memory_space<semaphore_mem>>) src(%arg13 : memref<128x8xf32, #tpu.memory_space<vmem>>) dst(%dma_wait3A_501 : memref<10000x8xf32, #tpu.memory_space<vmem_shared>>)
      %dma_wait3A_502 = arith.constant 0 : i32
      %dma_wait3A_503 = arith.constant 0 : i32
      %dma_wait3A_504 = tpu.memref_slice %arg12[%dma_wait3A_502, %dma_wait3A_503] : memref<158x128xi32, #tpu.memory_space<vmem>> -> memref<1x128xi32, #tpu.memory_space<vmem>>
      %dma_wait3A_505 = tpu.memref_squeeze %dma_wait3A_504 : memref<1x128xi32, #tpu.memory_space<vmem>> -> memref<128xi32, #tpu.memory_space<vmem>>
      %dma_wait3A_506 = arith.constant 0 : i32
      %dma_wait3A_507 = arith.constant 0 : i32
      %dma_wait3A_508 = tpu.memref_slice %arg17[%dma_wait3A_506, %dma_wait3A_507] : memref<10000x8xf32, #tpu.memory_space<vmem_shared>> -> memref<10000x8xf32, #tpu.memory_space<vmem_shared>>
      tpu.wait_indirect_dma semaphore(%arg22 : memref<!tpu.dma_semaphore, #tpu.memory_space<semaphore_mem>>) src(%arg13 : memref<128x8xf32, #tpu.memory_space<vmem>>) dst(%dma_wait3A_508 : memref<10000x8xf32, #tpu.memory_space<vmem_shared>>)
    } else {
    }
    %add3A_202 = arith.constant 2 : i32
    %add3A_203 = arith.addi %mul3A_8, %add3A_202 : i32
    %add3A_204 = arith.constant 3 : i32
    %add3A_205 = arith.addi %add3A_203, %add3A_204 : i32
    %sub3A_206 = arith.constant 1 : i32
    %sub3A_207 = arith.subi %add3A_205, %sub3A_206 : i32
    %mul3A_208 = arith.constant 256 : i32
    %mul3A_209 = arith.muli %sub3A_207, %mul3A_208 : i32
    %dma_start3A_210 = tpu.memref_slice %arg2[%mul3A_209, %mul3A_0] : memref<320000x128xf32, #tpu.memory_space<hbm>> -> memref<256x64xf32, #tpu.memory_space<hbm>>
    %dma_start3A_211 = tpu.memref_slice %arg2[%mul3A_209, %mul3A_0] : memref<320000x128xf32, #tpu.memory_space<hbm>> -> memref<256x64xf32, #tpu.memory_space<hbm>>
    tpu.enqueue_dma source(%dma_start3A_211 : memref<256x64xf32, #tpu.memory_space<hbm>>) target(%arg10 : memref<256x64xf32, #tpu.memory_space<vmem>>) target_semaphore(%arg19 : memref<!tpu.dma_semaphore, #tpu.memory_space<semaphore_mem>>)
    %scan3A = arith.constant 0 : i32
    %scan3A_212 = arith.constant 1 : i32
    %scan3A_213 = arith.constant 25 : i32
    %scan3A_214 = arith.addi %scan3A_212, %scan3A_213 : i32
    %scan3A_215 = arith.constant 1 : i32
    scf.for %scan3A_495 = %scan3A_212 to %scan3A_214 step %scan3A_215  : i32 {
      %mul3A_496 = arith.constant 3 : i32
      %mul3A_497 = arith.muli %mul3A_496, %scan3A_495 : i32
      %add3A_498 = arith.addi %mul3A_8, %mul3A_497 : i32
      %sub3A_499 = arith.subi %add3A_498, %mul3A_8 : i32
      %add3A_500 = arith.constant 0 : i32
      %add3A_501 = arith.addi %sub3A_499, %add3A_500 : i32
      %dma_wait3A_502 = arith.constant 0 : i32
      %dma_wait3A_503 = tpu.memref_slice %arg2[%dma_wait3A_502, %mul3A_0] : memref<320000x128xf32, #tpu.memory_space<hbm>> -> memref<256x64xf32, #tpu.memory_space<hbm>>
      %dma_wait3A_504 = arith.constant 0 : i32
      %dma_wait3A_505 = tpu.memref_slice %arg2[%dma_wait3A_504, %mul3A_0] : memref<320000x128xf32, #tpu.memory_space<hbm>> -> memref<256x64xf32, #tpu.memory_space<hbm>>
      tpu.wait_dma2 semaphore(%arg18 : memref<!tpu.dma_semaphore, #tpu.memory_space<semaphore_mem>>) src(%dma_wait3A_505 : memref<256x64xf32, #tpu.memory_space<hbm>>) dst(%arg9 : memref<256x64xf32, #tpu.memory_space<vmem>>)
      %mul3A_506 = arith.constant 2 : i32
      %mul3A_507 = arith.muli %mul3A_506, %add3A_501 : i32
      %rem3A_508 = arith.constant 2 : i32
      %rem3A_509 = arith.remsi %add3A_501, %rem3A_508 : i32
      %eq3A_510 = arith.cmpi eq, %arg0, %rem3A_509 : i32
      %add3A_511 = arith.constant 0 : i32
      %add3A_512 = arith.addi %mul3A_507, %add3A_511 : i32
      %dma_start3A_513 = arith.constant 0 : i32
      %dma_start3A_514 = arith.constant 0 : i32
      %dma_start3A_515 = tpu.memref_slice %arg9[%dma_start3A_513, %dma_start3A_514] : memref<256x64xf32, #tpu.memory_space<vmem>> -> memref<128x64xf32, #tpu.memory_space<vmem>>
      %dma_start3A_516 = arith.constant 0 : i32
      %dma_start3A_517 = tpu.memref_slice %arg12[%add3A_512, %dma_start3A_516] : memref<158x128xi32, #tpu.memory_space<vmem>> -> memref<1x128xi32, #tpu.memory_space<vmem>>
      %dma_start3A_518 = tpu.memref_squeeze %dma_start3A_517 : memref<1x128xi32, #tpu.memory_space<vmem>> -> memref<128xi32, #tpu.memory_space<vmem>>
      %dma_start3A_519 = arith.constant 0 : i32
      %dma_start3A_520 = arith.constant 0 : i32
      %dma_start3A_521 = tpu.memref_slice %arg16[%dma_start3A_519, %dma_start3A_520] : memref<10000x64xf32, #tpu.memory_space<vmem_shared>> -> memref<10000x64xf32, #tpu.memory_space<vmem_shared>>
      tpu.enqueue_indirect_dma source(%dma_start3A_515 : memref<128x64xf32, #tpu.memory_space<vmem>>) target(%dma_start3A_521 : memref<10000x64xf32, #tpu.memory_space<vmem_shared>>) offsets(%dma_start3A_518 : memref<128xi32, #tpu.memory_space<vmem>>) semaphore(%arg21 : memref<!tpu.dma_semaphore, #tpu.memory_space<semaphore_mem>>) {add = true}
      %add3A_522 = arith.constant 1 : i32
      %add3A_523 = arith.addi %mul3A_507, %add3A_522 : i32
      %dma_start3A_524 = arith.constant 128 : i32
      %dma_start3A_525 = arith.constant 0 : i32
      %dma_start3A_526 = tpu.memref_slice %arg9[%dma_start3A_524, %dma_start3A_525] : memref<256x64xf32, #tpu.memory_space<vmem>> -> memref<128x64xf32, #tpu.memory_space<vmem>>
      %dma_start3A_527 = arith.constant 0 : i32
      %dma_start3A_528 = tpu.memref_slice %arg12[%add3A_523, %dma_start3A_527] : memref<158x128xi32, #tpu.memory_space<vmem>> -> memref<1x128xi32, #tpu.memory_space<vmem>>
      %dma_start3A_529 = tpu.memref_squeeze %dma_start3A_528 : memref<1x128xi32, #tpu.memory_space<vmem>> -> memref<128xi32, #tpu.memory_space<vmem>>
      %dma_start3A_530 = arith.constant 0 : i32
      %dma_start3A_531 = arith.constant 0 : i32
      %dma_start3A_532 = tpu.memref_slice %arg16[%dma_start3A_530, %dma_start3A_531] : memref<10000x64xf32, #tpu.memory_space<vmem_shared>> -> memref<10000x64xf32, #tpu.memory_space<vmem_shared>>
      tpu.enqueue_indirect_dma source(%dma_start3A_526 : memref<128x64xf32, #tpu.memory_space<vmem>>) target(%dma_start3A_532 : memref<10000x64xf32, #tpu.memory_space<vmem_shared>>) offsets(%dma_start3A_529 : memref<128xi32, #tpu.memory_space<vmem>>) semaphore(%arg21 : memref<!tpu.dma_semaphore, #tpu.memory_space<semaphore_mem>>) {add = true}
      %convert_element_type3A_533 = arith.extui %eq3A_510 : i1 to i32
      %cond3A_534 = arith.constant 0 : i32
      %cond3A_535 = arith.cmpi ne, %convert_element_type3A_533, %cond3A_534 : i32
      scf.if %cond3A_535 {
        %add3A_724 = arith.constant 0 : i32
        %add3A_725 = arith.addi %mul3A_507, %add3A_724 : i32
        %dma_start3A_726 = arith.constant 0 : i32
        %dma_start3A_727 = tpu.memref_slice %arg12[%add3A_725, %dma_start3A_726] : memref<158x128xi32, #tpu.memory_space<vmem>> -> memref<1x128xi32, #tpu.memory_space<vmem>>
        %dma_start3A_728 = tpu.memref_squeeze %dma_start3A_727 : memref<1x128xi32, #tpu.memory_space<vmem>> -> memref<128xi32, #tpu.memory_space<vmem>>
        %dma_start3A_729 = arith.constant 0 : i32
        %dma_start3A_730 = arith.constant 0 : i32
        %dma_start3A_731 = tpu.memref_slice %arg17[%dma_start3A_729, %dma_start3A_730] : memref<10000x8xf32, #tpu.memory_space<vmem_shared>> -> memref<10000x8xf32, #tpu.memory_space<vmem_shared>>
        tpu.enqueue_indirect_dma source(%arg13 : memref<128x8xf32, #tpu.memory_space<vmem>>) target(%dma_start3A_731 : memref<10000x8xf32, #tpu.memory_space<vmem_shared>>) offsets(%dma_start3A_728 : memref<128xi32, #tpu.memory_space<vmem>>) semaphore(%arg21 : memref<!tpu.dma_semaphore, #tpu.memory_space<semaphore_mem>>) {add = true}
        %add3A_732 = arith.constant 1 : i32
        %add3A_733 = arith.addi %mul3A_507, %add3A_732 : i32
        %dma_start3A_734 = arith.constant 0 : i32
        %dma_start3A_735 = tpu.memref_slice %arg12[%add3A_733, %dma_start3A_734] : memref<158x128xi32, #tpu.memory_space<vmem>> -> memref<1x128xi32, #tpu.memory_space<vmem>>
        %dma_start3A_736 = tpu.memref_squeeze %dma_start3A_735 : memref<1x128xi32, #tpu.memory_space<vmem>> -> memref<128xi32, #tpu.memory_space<vmem>>
        %dma_start3A_737 = arith.constant 0 : i32
        %dma_start3A_738 = arith.constant 0 : i32
        %dma_start3A_739 = tpu.memref_slice %arg17[%dma_start3A_737, %dma_start3A_738] : memref<10000x8xf32, #tpu.memory_space<vmem_shared>> -> memref<10000x8xf32, #tpu.memory_space<vmem_shared>>
        tpu.enqueue_indirect_dma source(%arg13 : memref<128x8xf32, #tpu.memory_space<vmem>>) target(%dma_start3A_739 : memref<10000x8xf32, #tpu.memory_space<vmem_shared>>) offsets(%dma_start3A_736 : memref<128xi32, #tpu.memory_space<vmem>>) semaphore(%arg21 : memref<!tpu.dma_semaphore, #tpu.memory_space<semaphore_mem>>) {add = true}
      } else {
      }
      %add3A_536 = arith.constant 1 : i32
      %add3A_537 = arith.addi %add3A_501, %add3A_536 : i32
      %rem3A_538 = arith.constant 2 : i32
      %rem3A_539 = arith.remsi %add3A_537, %rem3A_538 : i32
      %eq3A_540 = arith.cmpi eq, %arg0, %rem3A_539 : i32
      %dma_wait3A_541 = arith.constant 0 : i32
      %dma_wait3A_542 = arith.constant 0 : i32
      %dma_wait3A_543 = arith.constant 0 : i32
      %dma_wait3A_544 = tpu.memref_slice %arg11[%dma_wait3A_542, %dma_wait3A_543] : memref<256x64xf32, #tpu.memory_space<vmem>> -> memref<128x64xf32, #tpu.memory_space<vmem>>
      %dma_wait3A_545 = arith.constant 0 : i32
      %dma_wait3A_546 = tpu.memref_slice %arg12[%dma_wait3A_541, %dma_wait3A_545] : memref<158x128xi32, #tpu.memory_space<vmem>> -> memref<1x128xi32, #tpu.memory_space<vmem>>
      %dma_wait3A_547 = tpu.memref_squeeze %dma_wait3A_546 : memref<1x128xi32, #tpu.memory_space<vmem>> -> memref<128xi32, #tpu.memory_space<vmem>>
      %dma_wait3A_548 = arith.constant 0 : i32
      %dma_wait3A_549 = arith.constant 0 : i32
      %dma_wait3A_550 = tpu.memref_slice %arg16[%dma_wait3A_548, %dma_wait3A_549] : memref<10000x64xf32, #tpu.memory_space<vmem_shared>> -> memref<10000x64xf32, #tpu.memory_space<vmem_shared>>
      tpu.wait_indirect_dma semaphore(%arg23 : memref<!tpu.dma_semaphore, #tpu.memory_space<semaphore_mem>>) src(%dma_wait3A_544 : memref<128x64xf32, #tpu.memory_space<vmem>>) dst(%dma_wait3A_550 : memref<10000x64xf32, #tpu.memory_space<vmem_shared>>)
      %dma_wait3A_551 = arith.constant 0 : i32
      %dma_wait3A_552 = arith.constant 128 : i32
      %dma_wait3A_553 = arith.constant 0 : i32
      %dma_wait3A_554 = tpu.memref_slice %arg11[%dma_wait3A_552, %dma_wait3A_553] : memref<256x64xf32, #tpu.memory_space<vmem>> -> memref<128x64xf32, #tpu.memory_space<vmem>>
      %dma_wait3A_555 = arith.constant 0 : i32
      %dma_wait3A_556 = tpu.memref_slice %arg12[%dma_wait3A_551, %dma_wait3A_555] : memref<158x128xi32, #tpu.memory_space<vmem>> -> memref<1x128xi32, #tpu.memory_space<vmem>>
      %dma_wait3A_557 = tpu.memref_squeeze %dma_wait3A_556 : memref<1x128xi32, #tpu.memory_space<vmem>> -> memref<128xi32, #tpu.memory_space<vmem>>
      %dma_wait3A_558 = arith.constant 0 : i32
      %dma_wait3A_559 = arith.constant 0 : i32
      %dma_wait3A_560 = tpu.memref_slice %arg16[%dma_wait3A_558, %dma_wait3A_559] : memref<10000x64xf32, #tpu.memory_space<vmem_shared>> -> memref<10000x64xf32, #tpu.memory_space<vmem_shared>>
      tpu.wait_indirect_dma semaphore(%arg23 : memref<!tpu.dma_semaphore, #tpu.memory_space<semaphore_mem>>) src(%dma_wait3A_554 : memref<128x64xf32, #tpu.memory_space<vmem>>) dst(%dma_wait3A_560 : memref<10000x64xf32, #tpu.memory_space<vmem_shared>>)
      %convert_element_type3A_561 = arith.extui %eq3A_540 : i1 to i32
      %cond3A_562 = arith.constant 0 : i32
      %cond3A_563 = arith.cmpi ne, %convert_element_type3A_561, %cond3A_562 : i32
      scf.if %cond3A_563 {
        %dma_wait3A_724 = arith.constant 0 : i32
        %dma_wait3A_725 = arith.constant 0 : i32
        %dma_wait3A_726 = tpu.memref_slice %arg12[%dma_wait3A_724, %dma_wait3A_725] : memref<158x128xi32, #tpu.memory_space<vmem>> -> memref<1x128xi32, #tpu.memory_space<vmem>>
        %dma_wait3A_727 = tpu.memref_squeeze %dma_wait3A_726 : memref<1x128xi32, #tpu.memory_space<vmem>> -> memref<128xi32, #tpu.memory_space<vmem>>
        %dma_wait3A_728 = arith.constant 0 : i32
        %dma_wait3A_729 = arith.constant 0 : i32
        %dma_wait3A_730 = tpu.memref_slice %arg17[%dma_wait3A_728, %dma_wait3A_729] : memref<10000x8xf32, #tpu.memory_space<vmem_shared>> -> memref<10000x8xf32, #tpu.memory_space<vmem_shared>>
        tpu.wait_indirect_dma semaphore(%arg23 : memref<!tpu.dma_semaphore, #tpu.memory_space<semaphore_mem>>) src(%arg13 : memref<128x8xf32, #tpu.memory_space<vmem>>) dst(%dma_wait3A_730 : memref<10000x8xf32, #tpu.memory_space<vmem_shared>>)
        %dma_wait3A_731 = arith.constant 0 : i32
        %dma_wait3A_732 = arith.constant 0 : i32
        %dma_wait3A_733 = tpu.memref_slice %arg12[%dma_wait3A_731, %dma_wait3A_732] : memref<158x128xi32, #tpu.memory_space<vmem>> -> memref<1x128xi32, #tpu.memory_space<vmem>>
        %dma_wait3A_734 = tpu.memref_squeeze %dma_wait3A_733 : memref<1x128xi32, #tpu.memory_space<vmem>> -> memref<128xi32, #tpu.memory_space<vmem>>
        %dma_wait3A_735 = arith.constant 0 : i32
        %dma_wait3A_736 = arith.constant 0 : i32
        %dma_wait3A_737 = tpu.memref_slice %arg17[%dma_wait3A_735, %dma_wait3A_736] : memref<10000x8xf32, #tpu.memory_space<vmem_shared>> -> memref<10000x8xf32, #tpu.memory_space<vmem_shared>>
        tpu.wait_indirect_dma semaphore(%arg23 : memref<!tpu.dma_semaphore, #tpu.memory_space<semaphore_mem>>) src(%arg13 : memref<128x8xf32, #tpu.memory_space<vmem>>) dst(%dma_wait3A_737 : memref<10000x8xf32, #tpu.memory_space<vmem_shared>>)
      } else {
      }
      %add3A_564 = arith.constant 0 : i32
      %add3A_565 = arith.addi %add3A_498, %add3A_564 : i32
      %add3A_566 = arith.constant 3 : i32
      %add3A_567 = arith.addi %add3A_565, %add3A_566 : i32
      %sub3A_568 = arith.constant 1 : i32
      %sub3A_569 = arith.subi %add3A_567, %sub3A_568 : i32
      %mul3A_570 = arith.constant 256 : i32
      %mul3A_571 = arith.muli %sub3A_569, %mul3A_570 : i32
      %dma_start3A_572 = tpu.memref_slice %arg2[%mul3A_571, %mul3A_0] : memref<320000x128xf32, #tpu.memory_space<hbm>> -> memref<256x64xf32, #tpu.memory_space<hbm>>
      %dma_start3A_573 = tpu.memref_slice %arg2[%mul3A_571, %mul3A_0] : memref<320000x128xf32, #tpu.memory_space<hbm>> -> memref<256x64xf32, #tpu.memory_space<hbm>>
      tpu.enqueue_dma source(%dma_start3A_573 : memref<256x64xf32, #tpu.memory_space<hbm>>) target(%arg11 : memref<256x64xf32, #tpu.memory_space<vmem>>) target_semaphore(%arg20 : memref<!tpu.dma_semaphore, #tpu.memory_space<semaphore_mem>>)
      %sub3A_574 = arith.subi %add3A_498, %mul3A_8 : i32
      %add3A_575 = arith.constant 1 : i32
      %add3A_576 = arith.addi %sub3A_574, %add3A_575 : i32
      %dma_wait3A_577 = arith.constant 0 : i32
      %dma_wait3A_578 = tpu.memref_slice %arg2[%dma_wait3A_577, %mul3A_0] : memref<320000x128xf32, #tpu.memory_space<hbm>> -> memref<256x64xf32, #tpu.memory_space<hbm>>
      %dma_wait3A_579 = arith.constant 0 : i32
      %dma_wait3A_580 = tpu.memref_slice %arg2[%dma_wait3A_579, %mul3A_0] : memref<320000x128xf32, #tpu.memory_space<hbm>> -> memref<256x64xf32, #tpu.memory_space<hbm>>
      tpu.wait_dma2 semaphore(%arg19 : memref<!tpu.dma_semaphore, #tpu.memory_space<semaphore_mem>>) src(%dma_wait3A_580 : memref<256x64xf32, #tpu.memory_space<hbm>>) dst(%arg10 : memref<256x64xf32, #tpu.memory_space<vmem>>)
      %mul3A_581 = arith.constant 2 : i32
      %mul3A_582 = arith.muli %mul3A_581, %add3A_576 : i32
      %rem3A_583 = arith.constant 2 : i32
      %rem3A_584 = arith.remsi %add3A_576, %rem3A_583 : i32
      %eq3A_585 = arith.cmpi eq, %arg0, %rem3A_584 : i32
      %add3A_586 = arith.constant 0 : i32
      %add3A_587 = arith.addi %mul3A_582, %add3A_586 : i32
      %dma_start3A_588 = arith.constant 0 : i32
      %dma_start3A_589 = arith.constant 0 : i32
      %dma_start3A_590 = tpu.memref_slice %arg10[%dma_start3A_588, %dma_start3A_589] : memref<256x64xf32, #tpu.memory_space<vmem>> -> memref<128x64xf32, #tpu.memory_space<vmem>>
      %dma_start3A_591 = arith.constant 0 : i32
      %dma_start3A_592 = tpu.memref_slice %arg12[%add3A_587, %dma_start3A_591] : memref<158x128xi32, #tpu.memory_space<vmem>> -> memref<1x128xi32, #tpu.memory_space<vmem>>
      %dma_start3A_593 = tpu.memref_squeeze %dma_start3A_592 : memref<1x128xi32, #tpu.memory_space<vmem>> -> memref<128xi32, #tpu.memory_space<vmem>>
      %dma_start3A_594 = arith.constant 0 : i32
      %dma_start3A_595 = arith.constant 0 : i32
      %dma_start3A_596 = tpu.memref_slice %arg16[%dma_start3A_594, %dma_start3A_595] : memref<10000x64xf32, #tpu.memory_space<vmem_shared>> -> memref<10000x64xf32, #tpu.memory_space<vmem_shared>>
      tpu.enqueue_indirect_dma source(%dma_start3A_590 : memref<128x64xf32, #tpu.memory_space<vmem>>) target(%dma_start3A_596 : memref<10000x64xf32, #tpu.memory_space<vmem_shared>>) offsets(%dma_start3A_593 : memref<128xi32, #tpu.memory_space<vmem>>) semaphore(%arg22 : memref<!tpu.dma_semaphore, #tpu.memory_space<semaphore_mem>>) {add = true}
      %add3A_597 = arith.constant 1 : i32
      %add3A_598 = arith.addi %mul3A_582, %add3A_597 : i32
      %dma_start3A_599 = arith.constant 128 : i32
      %dma_start3A_600 = arith.constant 0 : i32
      %dma_start3A_601 = tpu.memref_slice %arg10[%dma_start3A_599, %dma_start3A_600] : memref<256x64xf32, #tpu.memory_space<vmem>> -> memref<128x64xf32, #tpu.memory_space<vmem>>
      %dma_start3A_602 = arith.constant 0 : i32
      %dma_start3A_603 = tpu.memref_slice %arg12[%add3A_598, %dma_start3A_602] : memref<158x128xi32, #tpu.memory_space<vmem>> -> memref<1x128xi32, #tpu.memory_space<vmem>>
      %dma_start3A_604 = tpu.memref_squeeze %dma_start3A_603 : memref<1x128xi32, #tpu.memory_space<vmem>> -> memref<128xi32, #tpu.memory_space<vmem>>
      %dma_start3A_605 = arith.constant 0 : i32
      %dma_start3A_606 = arith.constant 0 : i32
      %dma_start3A_607 = tpu.memref_slice %arg16[%dma_start3A_605, %dma_start3A_606] : memref<10000x64xf32, #tpu.memory_space<vmem_shared>> -> memref<10000x64xf32, #tpu.memory_space<vmem_shared>>
      tpu.enqueue_indirect_dma source(%dma_start3A_601 : memref<128x64xf32, #tpu.memory_space<vmem>>) target(%dma_start3A_607 : memref<10000x64xf32, #tpu.memory_space<vmem_shared>>) offsets(%dma_start3A_604 : memref<128xi32, #tpu.memory_space<vmem>>) semaphore(%arg22 : memref<!tpu.dma_semaphore, #tpu.memory_space<semaphore_mem>>) {add = true}
      %convert_element_type3A_608 = arith.extui %eq3A_585 : i1 to i32
      %cond3A_609 = arith.constant 0 : i32
      %cond3A_610 = arith.cmpi ne, %convert_element_type3A_608, %cond3A_609 : i32
      scf.if %cond3A_610 {
        %add3A_724 = arith.constant 0 : i32
        %add3A_725 = arith.addi %mul3A_582, %add3A_724 : i32
        %dma_start3A_726 = arith.constant 0 : i32
        %dma_start3A_727 = tpu.memref_slice %arg12[%add3A_725, %dma_start3A_726] : memref<158x128xi32, #tpu.memory_space<vmem>> -> memref<1x128xi32, #tpu.memory_space<vmem>>
        %dma_start3A_728 = tpu.memref_squeeze %dma_start3A_727 : memref<1x128xi32, #tpu.memory_space<vmem>> -> memref<128xi32, #tpu.memory_space<vmem>>
        %dma_start3A_729 = arith.constant 0 : i32
        %dma_start3A_730 = arith.constant 0 : i32
        %dma_start3A_731 = tpu.memref_slice %arg17[%dma_start3A_729, %dma_start3A_730] : memref<10000x8xf32, #tpu.memory_space<vmem_shared>> -> memref<10000x8xf32, #tpu.memory_space<vmem_shared>>
        tpu.enqueue_indirect_dma source(%arg13 : memref<128x8xf32, #tpu.memory_space<vmem>>) target(%dma_start3A_731 : memref<10000x8xf32, #tpu.memory_space<vmem_shared>>) offsets(%dma_start3A_728 : memref<128xi32, #tpu.memory_space<vmem>>) semaphore(%arg22 : memref<!tpu.dma_semaphore, #tpu.memory_space<semaphore_mem>>) {add = true}
        %add3A_732 = arith.constant 1 : i32
        %add3A_733 = arith.addi %mul3A_582, %add3A_732 : i32
        %dma_start3A_734 = arith.constant 0 : i32
        %dma_start3A_735 = tpu.memref_slice %arg12[%add3A_733, %dma_start3A_734] : memref<158x128xi32, #tpu.memory_space<vmem>> -> memref<1x128xi32, #tpu.memory_space<vmem>>
        %dma_start3A_736 = tpu.memref_squeeze %dma_start3A_735 : memref<1x128xi32, #tpu.memory_space<vmem>> -> memref<128xi32, #tpu.memory_space<vmem>>
        %dma_start3A_737 = arith.constant 0 : i32
        %dma_start3A_738 = arith.constant 0 : i32
        %dma_start3A_739 = tpu.memref_slice %arg17[%dma_start3A_737, %dma_start3A_738] : memref<10000x8xf32, #tpu.memory_space<vmem_shared>> -> memref<10000x8xf32, #tpu.memory_space<vmem_shared>>
        tpu.enqueue_indirect_dma source(%arg13 : memref<128x8xf32, #tpu.memory_space<vmem>>) target(%dma_start3A_739 : memref<10000x8xf32, #tpu.memory_space<vmem_shared>>) offsets(%dma_start3A_736 : memref<128xi32, #tpu.memory_space<vmem>>) semaphore(%arg22 : memref<!tpu.dma_semaphore, #tpu.memory_space<semaphore_mem>>) {add = true}
      } else {
      }
      %add3A_611 = arith.constant 1 : i32
      %add3A_612 = arith.addi %add3A_576, %add3A_611 : i32
      %rem3A_613 = arith.constant 2 : i32
      %rem3A_614 = arith.remsi %add3A_612, %rem3A_613 : i32
      %eq3A_615 = arith.cmpi eq, %arg0, %rem3A_614 : i32
      %dma_wait3A_616 = arith.constant 0 : i32
      %dma_wait3A_617 = arith.constant 0 : i32
      %dma_wait3A_618 = arith.constant 0 : i32
      %dma_wait3A_619 = tpu.memref_slice %arg9[%dma_wait3A_617, %dma_wait3A_618] : memref<256x64xf32, #tpu.memory_space<vmem>> -> memref<128x64xf32, #tpu.memory_space<vmem>>
      %dma_wait3A_620 = arith.constant 0 : i32
      %dma_wait3A_621 = tpu.memref_slice %arg12[%dma_wait3A_616, %dma_wait3A_620] : memref<158x128xi32, #tpu.memory_space<vmem>> -> memref<1x128xi32, #tpu.memory_space<vmem>>
      %dma_wait3A_622 = tpu.memref_squeeze %dma_wait3A_621 : memref<1x128xi32, #tpu.memory_space<vmem>> -> memref<128xi32, #tpu.memory_space<vmem>>
      %dma_wait3A_623 = arith.constant 0 : i32
      %dma_wait3A_624 = arith.constant 0 : i32
      %dma_wait3A_625 = tpu.memref_slice %arg16[%dma_wait3A_623, %dma_wait3A_624] : memref<10000x64xf32, #tpu.memory_space<vmem_shared>> -> memref<10000x64xf32, #tpu.memory_space<vmem_shared>>
      tpu.wait_indirect_dma semaphore(%arg21 : memref<!tpu.dma_semaphore, #tpu.memory_space<semaphore_mem>>) src(%dma_wait3A_619 : memref<128x64xf32, #tpu.memory_space<vmem>>) dst(%dma_wait3A_625 : memref<10000x64xf32, #tpu.memory_space<vmem_shared>>)
      %dma_wait3A_626 = arith.constant 0 : i32
      %dma_wait3A_627 = arith.constant 128 : i32
      %dma_wait3A_628 = arith.constant 0 : i32
      %dma_wait3A_629 = tpu.memref_slice %arg9[%dma_wait3A_627, %dma_wait3A_628] : memref<256x64xf32, #tpu.memory_space<vmem>> -> memref<128x64xf32, #tpu.memory_space<vmem>>
      %dma_wait3A_630 = arith.constant 0 : i32
      %dma_wait3A_631 = tpu.memref_slice %arg12[%dma_wait3A_626, %dma_wait3A_630] : memref<158x128xi32, #tpu.memory_space<vmem>> -> memref<1x128xi32, #tpu.memory_space<vmem>>
      %dma_wait3A_632 = tpu.memref_squeeze %dma_wait3A_631 : memref<1x128xi32, #tpu.memory_space<vmem>> -> memref<128xi32, #tpu.memory_space<vmem>>
      %dma_wait3A_633 = arith.constant 0 : i32
      %dma_wait3A_634 = arith.constant 0 : i32
      %dma_wait3A_635 = tpu.memref_slice %arg16[%dma_wait3A_633, %dma_wait3A_634] : memref<10000x64xf32, #tpu.memory_space<vmem_shared>> -> memref<10000x64xf32, #tpu.memory_space<vmem_shared>>
      tpu.wait_indirect_dma semaphore(%arg21 : memref<!tpu.dma_semaphore, #tpu.memory_space<semaphore_mem>>) src(%dma_wait3A_629 : memref<128x64xf32, #tpu.memory_space<vmem>>) dst(%dma_wait3A_635 : memref<10000x64xf32, #tpu.memory_space<vmem_shared>>)
      %convert_element_type3A_636 = arith.extui %eq3A_615 : i1 to i32
      %cond3A_637 = arith.constant 0 : i32
      %cond3A_638 = arith.cmpi ne, %convert_element_type3A_636, %cond3A_637 : i32
      scf.if %cond3A_638 {
        %dma_wait3A_724 = arith.constant 0 : i32
        %dma_wait3A_725 = arith.constant 0 : i32
        %dma_wait3A_726 = tpu.memref_slice %arg12[%dma_wait3A_724, %dma_wait3A_725] : memref<158x128xi32, #tpu.memory_space<vmem>> -> memref<1x128xi32, #tpu.memory_space<vmem>>
        %dma_wait3A_727 = tpu.memref_squeeze %dma_wait3A_726 : memref<1x128xi32, #tpu.memory_space<vmem>> -> memref<128xi32, #tpu.memory_space<vmem>>
        %dma_wait3A_728 = arith.constant 0 : i32
        %dma_wait3A_729 = arith.constant 0 : i32
        %dma_wait3A_730 = tpu.memref_slice %arg17[%dma_wait3A_728, %dma_wait3A_729] : memref<10000x8xf32, #tpu.memory_space<vmem_shared>> -> memref<10000x8xf32, #tpu.memory_space<vmem_shared>>
        tpu.wait_indirect_dma semaphore(%arg21 : memref<!tpu.dma_semaphore, #tpu.memory_space<semaphore_mem>>) src(%arg13 : memref<128x8xf32, #tpu.memory_space<vmem>>) dst(%dma_wait3A_730 : memref<10000x8xf32, #tpu.memory_space<vmem_shared>>)
        %dma_wait3A_731 = arith.constant 0 : i32
        %dma_wait3A_732 = arith.constant 0 : i32
        %dma_wait3A_733 = tpu.memref_slice %arg12[%dma_wait3A_731, %dma_wait3A_732] : memref<158x128xi32, #tpu.memory_space<vmem>> -> memref<1x128xi32, #tpu.memory_space<vmem>>
        %dma_wait3A_734 = tpu.memref_squeeze %dma_wait3A_733 : memref<1x128xi32, #tpu.memory_space<vmem>> -> memref<128xi32, #tpu.memory_space<vmem>>
        %dma_wait3A_735 = arith.constant 0 : i32
        %dma_wait3A_736 = arith.constant 0 : i32
        %dma_wait3A_737 = tpu.memref_slice %arg17[%dma_wait3A_735, %dma_wait3A_736] : memref<10000x8xf32, #tpu.memory_space<vmem_shared>> -> memref<10000x8xf32, #tpu.memory_space<vmem_shared>>
        tpu.wait_indirect_dma semaphore(%arg21 : memref<!tpu.dma_semaphore, #tpu.memory_space<semaphore_mem>>) src(%arg13 : memref<128x8xf32, #tpu.memory_space<vmem>>) dst(%dma_wait3A_737 : memref<10000x8xf32, #tpu.memory_space<vmem_shared>>)
      } else {
      }
      %add3A_639 = arith.constant 1 : i32
      %add3A_640 = arith.addi %add3A_498, %add3A_639 : i32
      %add3A_641 = arith.constant 3 : i32
      %add3A_642 = arith.addi %add3A_640, %add3A_641 : i32
      %sub3A_643 = arith.constant 1 : i32
      %sub3A_644 = arith.subi %add3A_642, %sub3A_643 : i32
      %mul3A_645 = arith.constant 256 : i32
      %mul3A_646 = arith.muli %sub3A_644, %mul3A_645 : i32
      %dma_start3A_647 = tpu.memref_slice %arg2[%mul3A_646, %mul3A_0] : memref<320000x128xf32, #tpu.memory_space<hbm>> -> memref<256x64xf32, #tpu.memory_space<hbm>>
      %dma_start3A_648 = tpu.memref_slice %arg2[%mul3A_646, %mul3A_0] : memref<320000x128xf32, #tpu.memory_space<hbm>> -> memref<256x64xf32, #tpu.memory_space<hbm>>
      tpu.enqueue_dma source(%dma_start3A_648 : memref<256x64xf32, #tpu.memory_space<hbm>>) target(%arg9 : memref<256x64xf32, #tpu.memory_space<vmem>>) target_semaphore(%arg18 : memref<!tpu.dma_semaphore, #tpu.memory_space<semaphore_mem>>)
      %sub3A_649 = arith.subi %add3A_498, %mul3A_8 : i32
      %add3A_650 = arith.constant 2 : i32
      %add3A_651 = arith.addi %sub3A_649, %add3A_650 : i32
      %dma_wait3A_652 = arith.constant 0 : i32
      %dma_wait3A_653 = tpu.memref_slice %arg2[%dma_wait3A_652, %mul3A_0] : memref<320000x128xf32, #tpu.memory_space<hbm>> -> memref<256x64xf32, #tpu.memory_space<hbm>>
      %dma_wait3A_654 = arith.constant 0 : i32
      %dma_wait3A_655 = tpu.memref_slice %arg2[%dma_wait3A_654, %mul3A_0] : memref<320000x128xf32, #tpu.memory_space<hbm>> -> memref<256x64xf32, #tpu.memory_space<hbm>>
      tpu.wait_dma2 semaphore(%arg20 : memref<!tpu.dma_semaphore, #tpu.memory_space<semaphore_mem>>) src(%dma_wait3A_655 : memref<256x64xf32, #tpu.memory_space<hbm>>) dst(%arg11 : memref<256x64xf32, #tpu.memory_space<vmem>>)
      %mul3A_656 = arith.constant 2 : i32
      %mul3A_657 = arith.muli %mul3A_656, %add3A_651 : i32
      %rem3A_658 = arith.constant 2 : i32
      %rem3A_659 = arith.remsi %add3A_651, %rem3A_658 : i32
      %eq3A_660 = arith.cmpi eq, %arg0, %rem3A_659 : i32
      %add3A_661 = arith.constant 0 : i32
      %add3A_662 = arith.addi %mul3A_657, %add3A_661 : i32
      %dma_start3A_663 = arith.constant 0 : i32
      %dma_start3A_664 = arith.constant 0 : i32
      %dma_start3A_665 = tpu.memref_slice %arg11[%dma_start3A_663, %dma_start3A_664] : memref<256x64xf32, #tpu.memory_space<vmem>> -> memref<128x64xf32, #tpu.memory_space<vmem>>
      %dma_start3A_666 = arith.constant 0 : i32
      %dma_start3A_667 = tpu.memref_slice %arg12[%add3A_662, %dma_start3A_666] : memref<158x128xi32, #tpu.memory_space<vmem>> -> memref<1x128xi32, #tpu.memory_space<vmem>>
      %dma_start3A_668 = tpu.memref_squeeze %dma_start3A_667 : memref<1x128xi32, #tpu.memory_space<vmem>> -> memref<128xi32, #tpu.memory_space<vmem>>
      %dma_start3A_669 = arith.constant 0 : i32
      %dma_start3A_670 = arith.constant 0 : i32
      %dma_start3A_671 = tpu.memref_slice %arg16[%dma_start3A_669, %dma_start3A_670] : memref<10000x64xf32, #tpu.memory_space<vmem_shared>> -> memref<10000x64xf32, #tpu.memory_space<vmem_shared>>
      tpu.enqueue_indirect_dma source(%dma_start3A_665 : memref<128x64xf32, #tpu.memory_space<vmem>>) target(%dma_start3A_671 : memref<10000x64xf32, #tpu.memory_space<vmem_shared>>) offsets(%dma_start3A_668 : memref<128xi32, #tpu.memory_space<vmem>>) semaphore(%arg23 : memref<!tpu.dma_semaphore, #tpu.memory_space<semaphore_mem>>) {add = true}
      %add3A_672 = arith.constant 1 : i32
      %add3A_673 = arith.addi %mul3A_657, %add3A_672 : i32
      %dma_start3A_674 = arith.constant 128 : i32
      %dma_start3A_675 = arith.constant 0 : i32
      %dma_start3A_676 = tpu.memref_slice %arg11[%dma_start3A_674, %dma_start3A_675] : memref<256x64xf32, #tpu.memory_space<vmem>> -> memref<128x64xf32, #tpu.memory_space<vmem>>
      %dma_start3A_677 = arith.constant 0 : i32
      %dma_start3A_678 = tpu.memref_slice %arg12[%add3A_673, %dma_start3A_677] : memref<158x128xi32, #tpu.memory_space<vmem>> -> memref<1x128xi32, #tpu.memory_space<vmem>>
      %dma_start3A_679 = tpu.memref_squeeze %dma_start3A_678 : memref<1x128xi32, #tpu.memory_space<vmem>> -> memref<128xi32, #tpu.memory_space<vmem>>
      %dma_start3A_680 = arith.constant 0 : i32
      %dma_start3A_681 = arith.constant 0 : i32
      %dma_start3A_682 = tpu.memref_slice %arg16[%dma_start3A_680, %dma_start3A_681] : memref<10000x64xf32, #tpu.memory_space<vmem_shared>> -> memref<10000x64xf32, #tpu.memory_space<vmem_shared>>
      tpu.enqueue_indirect_dma source(%dma_start3A_676 : memref<128x64xf32, #tpu.memory_space<vmem>>) target(%dma_start3A_682 : memref<10000x64xf32, #tpu.memory_space<vmem_shared>>) offsets(%dma_start3A_679 : memref<128xi32, #tpu.memory_space<vmem>>) semaphore(%arg23 : memref<!tpu.dma_semaphore, #tpu.memory_space<semaphore_mem>>) {add = true}
      %convert_element_type3A_683 = arith.extui %eq3A_660 : i1 to i32
      %cond3A_684 = arith.constant 0 : i32
      %cond3A_685 = arith.cmpi ne, %convert_element_type3A_683, %cond3A_684 : i32
      scf.if %cond3A_685 {
        %add3A_724 = arith.constant 0 : i32
        %add3A_725 = arith.addi %mul3A_657, %add3A_724 : i32
        %dma_start3A_726 = arith.constant 0 : i32
        %dma_start3A_727 = tpu.memref_slice %arg12[%add3A_725, %dma_start3A_726] : memref<158x128xi32, #tpu.memory_space<vmem>> -> memref<1x128xi32, #tpu.memory_space<vmem>>
        %dma_start3A_728 = tpu.memref_squeeze %dma_start3A_727 : memref<1x128xi32, #tpu.memory_space<vmem>> -> memref<128xi32, #tpu.memory_space<vmem>>
        %dma_start3A_729 = arith.constant 0 : i32
        %dma_start3A_730 = arith.constant 0 : i32
        %dma_start3A_731 = tpu.memref_slice %arg17[%dma_start3A_729, %dma_start3A_730] : memref<10000x8xf32, #tpu.memory_space<vmem_shared>> -> memref<10000x8xf32, #tpu.memory_space<vmem_shared>>
        tpu.enqueue_indirect_dma source(%arg13 : memref<128x8xf32, #tpu.memory_space<vmem>>) target(%dma_start3A_731 : memref<10000x8xf32, #tpu.memory_space<vmem_shared>>) offsets(%dma_start3A_728 : memref<128xi32, #tpu.memory_space<vmem>>) semaphore(%arg23 : memref<!tpu.dma_semaphore, #tpu.memory_space<semaphore_mem>>) {add = true}
        %add3A_732 = arith.constant 1 : i32
        %add3A_733 = arith.addi %mul3A_657, %add3A_732 : i32
        %dma_start3A_734 = arith.constant 0 : i32
        %dma_start3A_735 = tpu.memref_slice %arg12[%add3A_733, %dma_start3A_734] : memref<158x128xi32, #tpu.memory_space<vmem>> -> memref<1x128xi32, #tpu.memory_space<vmem>>
        %dma_start3A_736 = tpu.memref_squeeze %dma_start3A_735 : memref<1x128xi32, #tpu.memory_space<vmem>> -> memref<128xi32, #tpu.memory_space<vmem>>
        %dma_start3A_737 = arith.constant 0 : i32
        %dma_start3A_738 = arith.constant 0 : i32
        %dma_start3A_739 = tpu.memref_slice %arg17[%dma_start3A_737, %dma_start3A_738] : memref<10000x8xf32, #tpu.memory_space<vmem_shared>> -> memref<10000x8xf32, #tpu.memory_space<vmem_shared>>
        tpu.enqueue_indirect_dma source(%arg13 : memref<128x8xf32, #tpu.memory_space<vmem>>) target(%dma_start3A_739 : memref<10000x8xf32, #tpu.memory_space<vmem_shared>>) offsets(%dma_start3A_736 : memref<128xi32, #tpu.memory_space<vmem>>) semaphore(%arg23 : memref<!tpu.dma_semaphore, #tpu.memory_space<semaphore_mem>>) {add = true}
      } else {
      }
      %add3A_686 = arith.constant 1 : i32
      %add3A_687 = arith.addi %add3A_651, %add3A_686 : i32
      %rem3A_688 = arith.constant 2 : i32
      %rem3A_689 = arith.remsi %add3A_687, %rem3A_688 : i32
      %eq3A_690 = arith.cmpi eq, %arg0, %rem3A_689 : i32
      %dma_wait3A_691 = arith.constant 0 : i32
      %dma_wait3A_692 = arith.constant 0 : i32
      %dma_wait3A_693 = arith.constant 0 : i32
      %dma_wait3A_694 = tpu.memref_slice %arg10[%dma_wait3A_692, %dma_wait3A_693] : memref<256x64xf32, #tpu.memory_space<vmem>> -> memref<128x64xf32, #tpu.memory_space<vmem>>
      %dma_wait3A_695 = arith.constant 0 : i32
      %dma_wait3A_696 = tpu.memref_slice %arg12[%dma_wait3A_691, %dma_wait3A_695] : memref<158x128xi32, #tpu.memory_space<vmem>> -> memref<1x128xi32, #tpu.memory_space<vmem>>
      %dma_wait3A_697 = tpu.memref_squeeze %dma_wait3A_696 : memref<1x128xi32, #tpu.memory_space<vmem>> -> memref<128xi32, #tpu.memory_space<vmem>>
      %dma_wait3A_698 = arith.constant 0 : i32
      %dma_wait3A_699 = arith.constant 0 : i32
      %dma_wait3A_700 = tpu.memref_slice %arg16[%dma_wait3A_698, %dma_wait3A_699] : memref<10000x64xf32, #tpu.memory_space<vmem_shared>> -> memref<10000x64xf32, #tpu.memory_space<vmem_shared>>
      tpu.wait_indirect_dma semaphore(%arg22 : memref<!tpu.dma_semaphore, #tpu.memory_space<semaphore_mem>>) src(%dma_wait3A_694 : memref<128x64xf32, #tpu.memory_space<vmem>>) dst(%dma_wait3A_700 : memref<10000x64xf32, #tpu.memory_space<vmem_shared>>)
      %dma_wait3A_701 = arith.constant 0 : i32
      %dma_wait3A_702 = arith.constant 128 : i32
      %dma_wait3A_703 = arith.constant 0 : i32
      %dma_wait3A_704 = tpu.memref_slice %arg10[%dma_wait3A_702, %dma_wait3A_703] : memref<256x64xf32, #tpu.memory_space<vmem>> -> memref<128x64xf32, #tpu.memory_space<vmem>>
      %dma_wait3A_705 = arith.constant 0 : i32
      %dma_wait3A_706 = tpu.memref_slice %arg12[%dma_wait3A_701, %dma_wait3A_705] : memref<158x128xi32, #tpu.memory_space<vmem>> -> memref<1x128xi32, #tpu.memory_space<vmem>>
      %dma_wait3A_707 = tpu.memref_squeeze %dma_wait3A_706 : memref<1x128xi32, #tpu.memory_space<vmem>> -> memref<128xi32, #tpu.memory_space<vmem>>
      %dma_wait3A_708 = arith.constant 0 : i32
      %dma_wait3A_709 = arith.constant 0 : i32
      %dma_wait3A_710 = tpu.memref_slice %arg16[%dma_wait3A_708, %dma_wait3A_709] : memref<10000x64xf32, #tpu.memory_space<vmem_shared>> -> memref<10000x64xf32, #tpu.memory_space<vmem_shared>>
      tpu.wait_indirect_dma semaphore(%arg22 : memref<!tpu.dma_semaphore, #tpu.memory_space<semaphore_mem>>) src(%dma_wait3A_704 : memref<128x64xf32, #tpu.memory_space<vmem>>) dst(%dma_wait3A_710 : memref<10000x64xf32, #tpu.memory_space<vmem_shared>>)
      %convert_element_type3A_711 = arith.extui %eq3A_690 : i1 to i32
      %cond3A_712 = arith.constant 0 : i32
      %cond3A_713 = arith.cmpi ne, %convert_element_type3A_711, %cond3A_712 : i32
      scf.if %cond3A_713 {
        %dma_wait3A_724 = arith.constant 0 : i32
        %dma_wait3A_725 = arith.constant 0 : i32
        %dma_wait3A_726 = tpu.memref_slice %arg12[%dma_wait3A_724, %dma_wait3A_725] : memref<158x128xi32, #tpu.memory_space<vmem>> -> memref<1x128xi32, #tpu.memory_space<vmem>>
        %dma_wait3A_727 = tpu.memref_squeeze %dma_wait3A_726 : memref<1x128xi32, #tpu.memory_space<vmem>> -> memref<128xi32, #tpu.memory_space<vmem>>
        %dma_wait3A_728 = arith.constant 0 : i32
        %dma_wait3A_729 = arith.constant 0 : i32
        %dma_wait3A_730 = tpu.memref_slice %arg17[%dma_wait3A_728, %dma_wait3A_729] : memref<10000x8xf32, #tpu.memory_space<vmem_shared>> -> memref<10000x8xf32, #tpu.memory_space<vmem_shared>>
        tpu.wait_indirect_dma semaphore(%arg22 : memref<!tpu.dma_semaphore, #tpu.memory_space<semaphore_mem>>) src(%arg13 : memref<128x8xf32, #tpu.memory_space<vmem>>) dst(%dma_wait3A_730 : memref<10000x8xf32, #tpu.memory_space<vmem_shared>>)
        %dma_wait3A_731 = arith.constant 0 : i32
        %dma_wait3A_732 = arith.constant 0 : i32
        %dma_wait3A_733 = tpu.memref_slice %arg12[%dma_wait3A_731, %dma_wait3A_732] : memref<158x128xi32, #tpu.memory_space<vmem>> -> memref<1x128xi32, #tpu.memory_space<vmem>>
        %dma_wait3A_734 = tpu.memref_squeeze %dma_wait3A_733 : memref<1x128xi32, #tpu.memory_space<vmem>> -> memref<128xi32, #tpu.memory_space<vmem>>
        %dma_wait3A_735 = arith.constant 0 : i32
        %dma_wait3A_736 = arith.constant 0 : i32
        %dma_wait3A_737 = tpu.memref_slice %arg17[%dma_wait3A_735, %dma_wait3A_736] : memref<10000x8xf32, #tpu.memory_space<vmem_shared>> -> memref<10000x8xf32, #tpu.memory_space<vmem_shared>>
        tpu.wait_indirect_dma semaphore(%arg22 : memref<!tpu.dma_semaphore, #tpu.memory_space<semaphore_mem>>) src(%arg13 : memref<128x8xf32, #tpu.memory_space<vmem>>) dst(%dma_wait3A_737 : memref<10000x8xf32, #tpu.memory_space<vmem_shared>>)
      } else {
      }
      %add3A_714 = arith.constant 2 : i32
      %add3A_715 = arith.addi %add3A_498, %add3A_714 : i32
      %add3A_716 = arith.constant 3 : i32
      %add3A_717 = arith.addi %add3A_715, %add3A_716 : i32
      %sub3A_718 = arith.constant 1 : i32
      %sub3A_719 = arith.subi %add3A_717, %sub3A_718 : i32
      %mul3A_720 = arith.constant 256 : i32
      %mul3A_721 = arith.muli %sub3A_719, %mul3A_720 : i32
      %dma_start3A_722 = tpu.memref_slice %arg2[%mul3A_721, %mul3A_0] : memref<320000x128xf32, #tpu.memory_space<hbm>> -> memref<256x64xf32, #tpu.memory_space<hbm>>
      %dma_start3A_723 = tpu.memref_slice %arg2[%mul3A_721, %mul3A_0] : memref<320000x128xf32, #tpu.memory_space<hbm>> -> memref<256x64xf32, #tpu.memory_space<hbm>>
      tpu.enqueue_dma source(%dma_start3A_723 : memref<256x64xf32, #tpu.memory_space<hbm>>) target(%arg10 : memref<256x64xf32, #tpu.memory_space<vmem>>) target_semaphore(%arg19 : memref<!tpu.dma_semaphore, #tpu.memory_space<semaphore_mem>>)
    }
    %scan3A_216 = arith.constant 25 : i32
    %dma_wait3A_217 = arith.constant 0 : i32
    %dma_wait3A_218 = tpu.memref_slice %arg2[%dma_wait3A_217, %mul3A_0] : memref<320000x128xf32, #tpu.memory_space<hbm>> -> memref<256x64xf32, #tpu.memory_space<hbm>>
    %dma_wait3A_219 = arith.constant 0 : i32
    %dma_wait3A_220 = tpu.memref_slice %arg2[%dma_wait3A_219, %mul3A_0] : memref<320000x128xf32, #tpu.memory_space<hbm>> -> memref<256x64xf32, #tpu.memory_space<hbm>>
    tpu.wait_dma2 semaphore(%arg18 : memref<!tpu.dma_semaphore, #tpu.memory_space<semaphore_mem>>) src(%dma_wait3A_220 : memref<256x64xf32, #tpu.memory_space<hbm>>) dst(%arg9 : memref<256x64xf32, #tpu.memory_space<vmem>>)
    %dma_wait3A_221 = arith.constant 0 : i32
    %dma_wait3A_222 = tpu.memref_slice %arg2[%dma_wait3A_221, %mul3A_0] : memref<320000x128xf32, #tpu.memory_space<hbm>> -> memref<256x64xf32, #tpu.memory_space<hbm>>
    %dma_wait3A_223 = arith.constant 0 : i32
    %dma_wait3A_224 = tpu.memref_slice %arg2[%dma_wait3A_223, %mul3A_0] : memref<320000x128xf32, #tpu.memory_space<hbm>> -> memref<256x64xf32, #tpu.memory_space<hbm>>
    tpu.wait_dma2 semaphore(%arg19 : memref<!tpu.dma_semaphore, #tpu.memory_space<semaphore_mem>>) src(%dma_wait3A_224 : memref<256x64xf32, #tpu.memory_space<hbm>>) dst(%arg10 : memref<256x64xf32, #tpu.memory_space<vmem>>)
    %eq3A_225 = arith.constant 1 : i32
    %eq3A_226 = arith.cmpi eq, %arg0, %eq3A_225 : i32
    %dma_wait3A_227 = arith.constant 0 : i32
    %dma_wait3A_228 = arith.constant 0 : i32
    %dma_wait3A_229 = arith.constant 0 : i32
    %dma_wait3A_230 = tpu.memref_slice %arg11[%dma_wait3A_228, %dma_wait3A_229] : memref<256x64xf32, #tpu.memory_space<vmem>> -> memref<128x64xf32, #tpu.memory_space<vmem>>
    %dma_wait3A_231 = arith.constant 0 : i32
    %dma_wait3A_232 = tpu.memref_slice %arg12[%dma_wait3A_227, %dma_wait3A_231] : memref<158x128xi32, #tpu.memory_space<vmem>> -> memref<1x128xi32, #tpu.memory_space<vmem>>
    %dma_wait3A_233 = tpu.memref_squeeze %dma_wait3A_232 : memref<1x128xi32, #tpu.memory_space<vmem>> -> memref<128xi32, #tpu.memory_space<vmem>>
    %dma_wait3A_234 = arith.constant 0 : i32
    %dma_wait3A_235 = arith.constant 0 : i32
    %dma_wait3A_236 = tpu.memref_slice %arg16[%dma_wait3A_234, %dma_wait3A_235] : memref<10000x64xf32, #tpu.memory_space<vmem_shared>> -> memref<10000x64xf32, #tpu.memory_space<vmem_shared>>
    tpu.wait_indirect_dma semaphore(%arg23 : memref<!tpu.dma_semaphore, #tpu.memory_space<semaphore_mem>>) src(%dma_wait3A_230 : memref<128x64xf32, #tpu.memory_space<vmem>>) dst(%dma_wait3A_236 : memref<10000x64xf32, #tpu.memory_space<vmem_shared>>)
    %dma_wait3A_237 = arith.constant 0 : i32
    %dma_wait3A_238 = arith.constant 128 : i32
    %dma_wait3A_239 = arith.constant 0 : i32
    %dma_wait3A_240 = tpu.memref_slice %arg11[%dma_wait3A_238, %dma_wait3A_239] : memref<256x64xf32, #tpu.memory_space<vmem>> -> memref<128x64xf32, #tpu.memory_space<vmem>>
    %dma_wait3A_241 = arith.constant 0 : i32
    %dma_wait3A_242 = tpu.memref_slice %arg12[%dma_wait3A_237, %dma_wait3A_241] : memref<158x128xi32, #tpu.memory_space<vmem>> -> memref<1x128xi32, #tpu.memory_space<vmem>>
    %dma_wait3A_243 = tpu.memref_squeeze %dma_wait3A_242 : memref<1x128xi32, #tpu.memory_space<vmem>> -> memref<128xi32, #tpu.memory_space<vmem>>
    %dma_wait3A_244 = arith.constant 0 : i32
    %dma_wait3A_245 = arith.constant 0 : i32
    %dma_wait3A_246 = tpu.memref_slice %arg16[%dma_wait3A_244, %dma_wait3A_245] : memref<10000x64xf32, #tpu.memory_space<vmem_shared>> -> memref<10000x64xf32, #tpu.memory_space<vmem_shared>>
    tpu.wait_indirect_dma semaphore(%arg23 : memref<!tpu.dma_semaphore, #tpu.memory_space<semaphore_mem>>) src(%dma_wait3A_240 : memref<128x64xf32, #tpu.memory_space<vmem>>) dst(%dma_wait3A_246 : memref<10000x64xf32, #tpu.memory_space<vmem_shared>>)
    %convert_element_type3A_247 = arith.extui %eq3A_226 : i1 to i32
    %cond3A_248 = arith.constant 0 : i32
    %cond3A_249 = arith.cmpi ne, %convert_element_type3A_247, %cond3A_248 : i32
    scf.if %cond3A_249 {
      %dma_wait3A_495 = arith.constant 0 : i32
      %dma_wait3A_496 = arith.constant 0 : i32
      %dma_wait3A_497 = tpu.memref_slice %arg12[%dma_wait3A_495, %dma_wait3A_496] : memref<158x128xi32, #tpu.memory_space<vmem>> -> memref<1x128xi32, #tpu.memory_space<vmem>>
      %dma_wait3A_498 = tpu.memref_squeeze %dma_wait3A_497 : memref<1x128xi32, #tpu.memory_space<vmem>> -> memref<128xi32, #tpu.memory_space<vmem>>
      %dma_wait3A_499 = arith.constant 0 : i32
      %dma_wait3A_500 = arith.constant 0 : i32
      %dma_wait3A_501 = tpu.memref_slice %arg17[%dma_wait3A_499, %dma_wait3A_500] : memref<10000x8xf32, #tpu.memory_space<vmem_shared>> -> memref<10000x8xf32, #tpu.memory_space<vmem_shared>>
      tpu.wait_indirect_dma semaphore(%arg23 : memref<!tpu.dma_semaphore, #tpu.memory_space<semaphore_mem>>) src(%arg13 : memref<128x8xf32, #tpu.memory_space<vmem>>) dst(%dma_wait3A_501 : memref<10000x8xf32, #tpu.memory_space<vmem_shared>>)
      %dma_wait3A_502 = arith.constant 0 : i32
      %dma_wait3A_503 = arith.constant 0 : i32
      %dma_wait3A_504 = tpu.memref_slice %arg12[%dma_wait3A_502, %dma_wait3A_503] : memref<158x128xi32, #tpu.memory_space<vmem>> -> memref<1x128xi32, #tpu.memory_space<vmem>>
      %dma_wait3A_505 = tpu.memref_squeeze %dma_wait3A_504 : memref<1x128xi32, #tpu.memory_space<vmem>> -> memref<128xi32, #tpu.memory_space<vmem>>
      %dma_wait3A_506 = arith.constant 0 : i32
      %dma_wait3A_507 = arith.constant 0 : i32
      %dma_wait3A_508 = tpu.memref_slice %arg17[%dma_wait3A_506, %dma_wait3A_507] : memref<10000x8xf32, #tpu.memory_space<vmem_shared>> -> memref<10000x8xf32, #tpu.memory_space<vmem_shared>>
      tpu.wait_indirect_dma semaphore(%arg23 : memref<!tpu.dma_semaphore, #tpu.memory_space<semaphore_mem>>) src(%arg13 : memref<128x8xf32, #tpu.memory_space<vmem>>) dst(%dma_wait3A_508 : memref<10000x8xf32, #tpu.memory_space<vmem_shared>>)
    } else {
    }
    %lt3A_250 = arith.constant 2 : i32
    %lt3A_251 = arith.cmpi slt, %arg1, %lt3A_250 : i32
    %convert_element_type3A_252 = arith.extui %lt3A_251 : i1 to i32
    %cond3A_253 = arith.constant 0 : i32
    %cond3A_254 = arith.cmpi ne, %convert_element_type3A_252, %cond3A_253 : i32
    scf.if %cond3A_254 {
      %add3A_495 = arith.constant 1248 : i32
      %add3A_496 = arith.addi %add3A_495, %arg1 : i32
      %mul3A_497 = arith.constant 256 : i32
      %mul3A_498 = arith.muli %add3A_496, %mul3A_497 : i32
      "tpu.region"() ({
        %run_scoped3A = tpu.sem_alloc : memref<!tpu.dma_semaphore, #tpu.memory_space<semaphore_mem>>
        %dma_start3A_575 = tpu.memref_slice %arg2[%mul3A_498, %mul3A_0] : memref<320000x128xf32, #tpu.memory_space<hbm>> -> memref<256x64xf32, #tpu.memory_space<hbm>>
        %dma_start3A_576 = tpu.memref_slice %arg2[%mul3A_498, %mul3A_0] : memref<320000x128xf32, #tpu.memory_space<hbm>> -> memref<256x64xf32, #tpu.memory_space<hbm>>
        tpu.enqueue_dma source(%dma_start3A_576 : memref<256x64xf32, #tpu.memory_space<hbm>>) target(%arg11 : memref<256x64xf32, #tpu.memory_space<vmem>>) target_semaphore(%run_scoped3A : memref<!tpu.dma_semaphore, #tpu.memory_space<semaphore_mem>>)
        %dma_wait3A_577 = tpu.memref_slice %arg2[%mul3A_498, %mul3A_0] : memref<320000x128xf32, #tpu.memory_space<hbm>> -> memref<256x64xf32, #tpu.memory_space<hbm>>
        %dma_wait3A_578 = tpu.memref_slice %arg2[%mul3A_498, %mul3A_0] : memref<320000x128xf32, #tpu.memory_space<hbm>> -> memref<256x64xf32, #tpu.memory_space<hbm>>
        tpu.wait_dma2 semaphore(%run_scoped3A : memref<!tpu.dma_semaphore, #tpu.memory_space<semaphore_mem>>) src(%dma_wait3A_578 : memref<256x64xf32, #tpu.memory_space<hbm>>) dst(%arg11 : memref<256x64xf32, #tpu.memory_space<vmem>>)
        tpu.yield
      }) : () -> ()
      %jit3A = arith.constant 2 : i32
      %eq3A_499 = arith.constant 0 : i32
      %eq3A_500 = arith.cmpi eq, %jit3A, %eq3A_499 : i32
      %jit3A_501 = arith.constant 1 : i32
      %select_n3A = arith.select %eq3A_500, %jit3A_501, %jit3A : i32
      %rem3A_502 = arith.remsi %arg1, %select_n3A : i32
      %ne3A = arith.constant 0 : i32
      %ne3A_503 = arith.cmpi ne, %rem3A_502, %ne3A : i32
      %lt3A_504 = arith.constant 0 : i32
      %lt3A_505 = arith.cmpi slt, %rem3A_502, %lt3A_504 : i32
      %lt3A_506 = arith.constant 0 : i32
      %lt3A_507 = arith.cmpi slt, %select_n3A, %lt3A_506 : i32
      %ne3A_508 = arith.xori %lt3A_505, %lt3A_507 : i1
      %and3A = arith.andi %ne3A_508, %ne3A_503 : i1
      %add3A_509 = arith.addi %rem3A_502, %select_n3A : i32
      %select_n3A_510 = arith.select %and3A, %add3A_509, %rem3A_502 : i32
      %eq3A_511 = arith.cmpi eq, %arg0, %select_n3A_510 : i32
      %dma_start3A_512 = arith.constant 156 : i32
      %dma_start3A_513 = arith.constant 0 : i32
      %dma_start3A_514 = arith.constant 0 : i32
      %dma_start3A_515 = tpu.memref_slice %arg11[%dma_start3A_513, %dma_start3A_514] : memref<256x64xf32, #tpu.memory_space<vmem>> -> memref<128x64xf32, #tpu.memory_space<vmem>>
      %dma_start3A_516 = arith.constant 0 : i32
      %dma_start3A_517 = tpu.memref_slice %arg12[%dma_start3A_512, %dma_start3A_516] : memref<158x128xi32, #tpu.memory_space<vmem>> -> memref<1x128xi32, #tpu.memory_space<vmem>>
      %dma_start3A_518 = tpu.memref_squeeze %dma_start3A_517 : memref<1x128xi32, #tpu.memory_space<vmem>> -> memref<128xi32, #tpu.memory_space<vmem>>
      %dma_start3A_519 = arith.constant 0 : i32
      %dma_start3A_520 = arith.constant 0 : i32
      %dma_start3A_521 = tpu.memref_slice %arg16[%dma_start3A_519, %dma_start3A_520] : memref<10000x64xf32, #tpu.memory_space<vmem_shared>> -> memref<10000x64xf32, #tpu.memory_space<vmem_shared>>
      tpu.enqueue_indirect_dma source(%dma_start3A_515 : memref<128x64xf32, #tpu.memory_space<vmem>>) target(%dma_start3A_521 : memref<10000x64xf32, #tpu.memory_space<vmem_shared>>) offsets(%dma_start3A_518 : memref<128xi32, #tpu.memory_space<vmem>>) semaphore(%arg23 : memref<!tpu.dma_semaphore, #tpu.memory_space<semaphore_mem>>) {add = true}
      %dma_start3A_522 = arith.constant 157 : i32
      %dma_start3A_523 = arith.constant 128 : i32
      %dma_start3A_524 = arith.constant 0 : i32
      %dma_start3A_525 = tpu.memref_slice %arg11[%dma_start3A_523, %dma_start3A_524] : memref<256x64xf32, #tpu.memory_space<vmem>> -> memref<128x64xf32, #tpu.memory_space<vmem>>
      %dma_start3A_526 = arith.constant 0 : i32
      %dma_start3A_527 = tpu.memref_slice %arg12[%dma_start3A_522, %dma_start3A_526] : memref<158x128xi32, #tpu.memory_space<vmem>> -> memref<1x128xi32, #tpu.memory_space<vmem>>
      %dma_start3A_528 = tpu.memref_squeeze %dma_start3A_527 : memref<1x128xi32, #tpu.memory_space<vmem>> -> memref<128xi32, #tpu.memory_space<vmem>>
      %dma_start3A_529 = arith.constant 0 : i32
      %dma_start3A_530 = arith.constant 0 : i32
      %dma_start3A_531 = tpu.memref_slice %arg16[%dma_start3A_529, %dma_start3A_530] : memref<10000x64xf32, #tpu.memory_space<vmem_shared>> -> memref<10000x64xf32, #tpu.memory_space<vmem_shared>>
      tpu.enqueue_indirect_dma source(%dma_start3A_525 : memref<128x64xf32, #tpu.memory_space<vmem>>) target(%dma_start3A_531 : memref<10000x64xf32, #tpu.memory_space<vmem_shared>>) offsets(%dma_start3A_528 : memref<128xi32, #tpu.memory_space<vmem>>) semaphore(%arg23 : memref<!tpu.dma_semaphore, #tpu.memory_space<semaphore_mem>>) {add = true}
      %convert_element_type3A_532 = arith.extui %eq3A_511 : i1 to i32
      %cond3A_533 = arith.constant 0 : i32
      %cond3A_534 = arith.cmpi ne, %convert_element_type3A_532, %cond3A_533 : i32
      scf.if %cond3A_534 {
        %dma_start3A_575 = arith.constant 156 : i32
        %dma_start3A_576 = arith.constant 0 : i32
        %dma_start3A_577 = tpu.memref_slice %arg12[%dma_start3A_575, %dma_start3A_576] : memref<158x128xi32, #tpu.memory_space<vmem>> -> memref<1x128xi32, #tpu.memory_space<vmem>>
        %dma_start3A_578 = tpu.memref_squeeze %dma_start3A_577 : memref<1x128xi32, #tpu.memory_space<vmem>> -> memref<128xi32, #tpu.memory_space<vmem>>
        %dma_start3A_579 = arith.constant 0 : i32
        %dma_start3A_580 = arith.constant 0 : i32
        %dma_start3A_581 = tpu.memref_slice %arg17[%dma_start3A_579, %dma_start3A_580] : memref<10000x8xf32, #tpu.memory_space<vmem_shared>> -> memref<10000x8xf32, #tpu.memory_space<vmem_shared>>
        tpu.enqueue_indirect_dma source(%arg13 : memref<128x8xf32, #tpu.memory_space<vmem>>) target(%dma_start3A_581 : memref<10000x8xf32, #tpu.memory_space<vmem_shared>>) offsets(%dma_start3A_578 : memref<128xi32, #tpu.memory_space<vmem>>) semaphore(%arg23 : memref<!tpu.dma_semaphore, #tpu.memory_space<semaphore_mem>>) {add = true}
        %dma_start3A_582 = arith.constant 157 : i32
        %dma_start3A_583 = arith.constant 0 : i32
        %dma_start3A_584 = tpu.memref_slice %arg12[%dma_start3A_582, %dma_start3A_583] : memref<158x128xi32, #tpu.memory_space<vmem>> -> memref<1x128xi32, #tpu.memory_space<vmem>>
        %dma_start3A_585 = tpu.memref_squeeze %dma_start3A_584 : memref<1x128xi32, #tpu.memory_space<vmem>> -> memref<128xi32, #tpu.memory_space<vmem>>
        %dma_start3A_586 = arith.constant 0 : i32
        %dma_start3A_587 = arith.constant 0 : i32
        %dma_start3A_588 = tpu.memref_slice %arg17[%dma_start3A_586, %dma_start3A_587] : memref<10000x8xf32, #tpu.memory_space<vmem_shared>> -> memref<10000x8xf32, #tpu.memory_space<vmem_shared>>
        tpu.enqueue_indirect_dma source(%arg13 : memref<128x8xf32, #tpu.memory_space<vmem>>) target(%dma_start3A_588 : memref<10000x8xf32, #tpu.memory_space<vmem_shared>>) offsets(%dma_start3A_585 : memref<128xi32, #tpu.memory_space<vmem>>) semaphore(%arg23 : memref<!tpu.dma_semaphore, #tpu.memory_space<semaphore_mem>>) {add = true}
      } else {
      }
      %jit3A_535 = arith.constant 2 : i32
      %eq3A_536 = arith.constant 0 : i32
      %eq3A_537 = arith.cmpi eq, %jit3A_535, %eq3A_536 : i32
      %jit3A_538 = arith.constant 1 : i32
      %select_n3A_539 = arith.select %eq3A_537, %jit3A_538, %jit3A_535 : i32
      %rem3A_540 = arith.remsi %arg1, %select_n3A_539 : i32
      %ne3A_541 = arith.constant 0 : i32
      %ne3A_542 = arith.cmpi ne, %rem3A_540, %ne3A_541 : i32
      %lt3A_543 = arith.constant 0 : i32
      %lt3A_544 = arith.cmpi slt, %rem3A_540, %lt3A_543 : i32
      %lt3A_545 = arith.constant 0 : i32
      %lt3A_546 = arith.cmpi slt, %select_n3A_539, %lt3A_545 : i32
      %ne3A_547 = arith.xori %lt3A_544, %lt3A_546 : i1
      %and3A_548 = arith.andi %ne3A_547, %ne3A_542 : i1
      %add3A_549 = arith.addi %rem3A_540, %select_n3A_539 : i32
      %select_n3A_550 = arith.select %and3A_548, %add3A_549, %rem3A_540 : i32
      %eq3A_551 = arith.cmpi eq, %arg0, %select_n3A_550 : i32
      %dma_wait3A_552 = arith.constant 0 : i32
      %dma_wait3A_553 = arith.constant 0 : i32
      %dma_wait3A_554 = arith.constant 0 : i32
      %dma_wait3A_555 = tpu.memref_slice %arg11[%dma_wait3A_553, %dma_wait3A_554] : memref<256x64xf32, #tpu.memory_space<vmem>> -> memref<128x64xf32, #tpu.memory_space<vmem>>
      %dma_wait3A_556 = arith.constant 0 : i32
      %dma_wait3A_557 = tpu.memref_slice %arg12[%dma_wait3A_552, %dma_wait3A_556] : memref<158x128xi32, #tpu.memory_space<vmem>> -> memref<1x128xi32, #tpu.memory_space<vmem>>
      %dma_wait3A_558 = tpu.memref_squeeze %dma_wait3A_557 : memref<1x128xi32, #tpu.memory_space<vmem>> -> memref<128xi32, #tpu.memory_space<vmem>>
      %dma_wait3A_559 = arith.constant 0 : i32
      %dma_wait3A_560 = arith.constant 0 : i32
      %dma_wait3A_561 = tpu.memref_slice %arg16[%dma_wait3A_559, %dma_wait3A_560] : memref<10000x64xf32, #tpu.memory_space<vmem_shared>> -> memref<10000x64xf32, #tpu.memory_space<vmem_shared>>
      tpu.wait_indirect_dma semaphore(%arg23 : memref<!tpu.dma_semaphore, #tpu.memory_space<semaphore_mem>>) src(%dma_wait3A_555 : memref<128x64xf32, #tpu.memory_space<vmem>>) dst(%dma_wait3A_561 : memref<10000x64xf32, #tpu.memory_space<vmem_shared>>)
      %dma_wait3A_562 = arith.constant 0 : i32
      %dma_wait3A_563 = arith.constant 128 : i32
      %dma_wait3A_564 = arith.constant 0 : i32
      %dma_wait3A_565 = tpu.memref_slice %arg11[%dma_wait3A_563, %dma_wait3A_564] : memref<256x64xf32, #tpu.memory_space<vmem>> -> memref<128x64xf32, #tpu.memory_space<vmem>>
      %dma_wait3A_566 = arith.constant 0 : i32
      %dma_wait3A_567 = tpu.memref_slice %arg12[%dma_wait3A_562, %dma_wait3A_566] : memref<158x128xi32, #tpu.memory_space<vmem>> -> memref<1x128xi32, #tpu.memory_space<vmem>>
      %dma_wait3A_568 = tpu.memref_squeeze %dma_wait3A_567 : memref<1x128xi32, #tpu.memory_space<vmem>> -> memref<128xi32, #tpu.memory_space<vmem>>
      %dma_wait3A_569 = arith.constant 0 : i32
      %dma_wait3A_570 = arith.constant 0 : i32
      %dma_wait3A_571 = tpu.memref_slice %arg16[%dma_wait3A_569, %dma_wait3A_570] : memref<10000x64xf32, #tpu.memory_space<vmem_shared>> -> memref<10000x64xf32, #tpu.memory_space<vmem_shared>>
      tpu.wait_indirect_dma semaphore(%arg23 : memref<!tpu.dma_semaphore, #tpu.memory_space<semaphore_mem>>) src(%dma_wait3A_565 : memref<128x64xf32, #tpu.memory_space<vmem>>) dst(%dma_wait3A_571 : memref<10000x64xf32, #tpu.memory_space<vmem_shared>>)
      %convert_element_type3A_572 = arith.extui %eq3A_551 : i1 to i32
      %cond3A_573 = arith.constant 0 : i32
      %cond3A_574 = arith.cmpi ne, %convert_element_type3A_572, %cond3A_573 : i32
      scf.if %cond3A_574 {
        %dma_wait3A_575 = arith.constant 0 : i32
        %dma_wait3A_576 = arith.constant 0 : i32
        %dma_wait3A_577 = tpu.memref_slice %arg12[%dma_wait3A_575, %dma_wait3A_576] : memref<158x128xi32, #tpu.memory_space<vmem>> -> memref<1x128xi32, #tpu.memory_space<vmem>>
        %dma_wait3A_578 = tpu.memref_squeeze %dma_wait3A_577 : memref<1x128xi32, #tpu.memory_space<vmem>> -> memref<128xi32, #tpu.memory_space<vmem>>
        %dma_wait3A_579 = arith.constant 0 : i32
        %dma_wait3A_580 = arith.constant 0 : i32
        %dma_wait3A_581 = tpu.memref_slice %arg17[%dma_wait3A_579, %dma_wait3A_580] : memref<10000x8xf32, #tpu.memory_space<vmem_shared>> -> memref<10000x8xf32, #tpu.memory_space<vmem_shared>>
        tpu.wait_indirect_dma semaphore(%arg23 : memref<!tpu.dma_semaphore, #tpu.memory_space<semaphore_mem>>) src(%arg13 : memref<128x8xf32, #tpu.memory_space<vmem>>) dst(%dma_wait3A_581 : memref<10000x8xf32, #tpu.memory_space<vmem_shared>>)
        %dma_wait3A_582 = arith.constant 0 : i32
        %dma_wait3A_583 = arith.constant 0 : i32
        %dma_wait3A_584 = tpu.memref_slice %arg12[%dma_wait3A_582, %dma_wait3A_583] : memref<158x128xi32, #tpu.memory_space<vmem>> -> memref<1x128xi32, #tpu.memory_space<vmem>>
        %dma_wait3A_585 = tpu.memref_squeeze %dma_wait3A_584 : memref<1x128xi32, #tpu.memory_space<vmem>> -> memref<128xi32, #tpu.memory_space<vmem>>
        %dma_wait3A_586 = arith.constant 0 : i32
        %dma_wait3A_587 = arith.constant 0 : i32
        %dma_wait3A_588 = tpu.memref_slice %arg17[%dma_wait3A_586, %dma_wait3A_587] : memref<10000x8xf32, #tpu.memory_space<vmem_shared>> -> memref<10000x8xf32, #tpu.memory_space<vmem_shared>>
        tpu.wait_indirect_dma semaphore(%arg23 : memref<!tpu.dma_semaphore, #tpu.memory_space<semaphore_mem>>) src(%arg13 : memref<128x8xf32, #tpu.memory_space<vmem>>) dst(%dma_wait3A_588 : memref<10000x8xf32, #tpu.memory_space<vmem_shared>>)
      } else {
      }
    } else {
    }
    %barrier3A_255 = arith.constant 0 : index
    tpu.barrier barrier_id(%barrier3A_255)
    "tpu.region"() ({
      %run_scoped3A = tpu.sem_alloc : memref<!tpu.dma_semaphore, #tpu.memory_space<semaphore_mem>>
      %dma_start3A_495 = tpu.memref_slice %arg7[%mul3A_2, %mul3A_0] : memref<10000x128xf32, #tpu.memory_space<hbm>> -> memref<625x64xf32, #tpu.memory_space<hbm>>
      %dma_start3A_496 = arith.constant 0 : i32
      %dma_start3A_497 = tpu.memref_slice %arg16[%mul3A_2, %dma_start3A_496] : memref<10000x64xf32, #tpu.memory_space<vmem_shared>> -> memref<625x64xf32, #tpu.memory_space<vmem_shared>>
      tpu.enqueue_dma source(%dma_start3A_497 : memref<625x64xf32, #tpu.memory_space<vmem_shared>>) target(%dma_start3A_495 : memref<625x64xf32, #tpu.memory_space<hbm>>) target_semaphore(%run_scoped3A : memref<!tpu.dma_semaphore, #tpu.memory_space<semaphore_mem>>)
      %dma_wait3A_498 = tpu.memref_slice %arg7[%mul3A_2, %mul3A_0] : memref<10000x128xf32, #tpu.memory_space<hbm>> -> memref<625x64xf32, #tpu.memory_space<hbm>>
      %dma_wait3A_499 = arith.constant 0 : i32
      %dma_wait3A_500 = tpu.memref_slice %arg16[%mul3A_2, %dma_wait3A_499] : memref<10000x64xf32, #tpu.memory_space<vmem_shared>> -> memref<625x64xf32, #tpu.memory_space<vmem_shared>>
      tpu.wait_dma2 semaphore(%run_scoped3A : memref<!tpu.dma_semaphore, #tpu.memory_space<semaphore_mem>>) src(%dma_wait3A_500 : memref<625x64xf32, #tpu.memory_space<vmem_shared>>) dst(%dma_wait3A_498 : memref<625x64xf32, #tpu.memory_space<hbm>>)
      tpu.yield
    }) : () -> ()
    "tpu.region"() ({
      %run_scoped3A = tpu.sem_alloc : memref<!tpu.dma_semaphore, #tpu.memory_space<semaphore_mem>>
      %dma_start3A_495 = arith.constant 0 : i32
      %dma_start3A_496 = arith.constant 0 : i32
      %dma_start3A_497 = tpu.memref_slice %arg14[%dma_start3A_495, %dma_start3A_496] : memref<640x8xf32, #tpu.memory_space<vmem>> -> memref<625x8xf32, #tpu.memory_space<vmem>>
      %dma_start3A_498 = arith.constant 0 : i32
      %dma_start3A_499 = tpu.memref_slice %arg17[%mul3A_2, %dma_start3A_498] : memref<10000x8xf32, #tpu.memory_space<vmem_shared>> -> memref<625x8xf32, #tpu.memory_space<vmem_shared>>
      %dma_start3A_500 = arith.constant 0 : i32
      %dma_start3A_501 = arith.constant 0 : i32
      %dma_start3A_502 = tpu.memref_slice %arg14[%dma_start3A_500, %dma_start3A_501] : memref<640x8xf32, #tpu.memory_space<vmem>> -> memref<625x8xf32, #tpu.memory_space<vmem>>
      %dma_start3A_503 = arith.constant 0 : i32
      %dma_start3A_504 = tpu.memref_slice %arg17[%mul3A_2, %dma_start3A_503] : memref<10000x8xf32, #tpu.memory_space<vmem_shared>> -> memref<625x8xf32, #tpu.memory_space<vmem_shared>>
      tpu.enqueue_dma source(%dma_start3A_504 : memref<625x8xf32, #tpu.memory_space<vmem_shared>>) target(%dma_start3A_502 : memref<625x8xf32, #tpu.memory_space<vmem>>) target_semaphore(%run_scoped3A : memref<!tpu.dma_semaphore, #tpu.memory_space<semaphore_mem>>)
      %dma_wait3A_505 = arith.constant 0 : i32
      %dma_wait3A_506 = arith.constant 0 : i32
      %dma_wait3A_507 = tpu.memref_slice %arg14[%dma_wait3A_505, %dma_wait3A_506] : memref<640x8xf32, #tpu.memory_space<vmem>> -> memref<625x8xf32, #tpu.memory_space<vmem>>
      %dma_wait3A_508 = arith.constant 0 : i32
      %dma_wait3A_509 = tpu.memref_slice %arg17[%mul3A_2, %dma_wait3A_508] : memref<10000x8xf32, #tpu.memory_space<vmem_shared>> -> memref<625x8xf32, #tpu.memory_space<vmem_shared>>
      %dma_wait3A_510 = arith.constant 0 : i32
      %dma_wait3A_511 = arith.constant 0 : i32
      %dma_wait3A_512 = tpu.memref_slice %arg14[%dma_wait3A_510, %dma_wait3A_511] : memref<640x8xf32, #tpu.memory_space<vmem>> -> memref<625x8xf32, #tpu.memory_space<vmem>>
      %dma_wait3A_513 = arith.constant 0 : i32
      %dma_wait3A_514 = tpu.memref_slice %arg17[%mul3A_2, %dma_wait3A_513] : memref<10000x8xf32, #tpu.memory_space<vmem_shared>> -> memref<625x8xf32, #tpu.memory_space<vmem_shared>>
      tpu.wait_dma2 semaphore(%run_scoped3A : memref<!tpu.dma_semaphore, #tpu.memory_space<semaphore_mem>>) src(%dma_wait3A_514 : memref<625x8xf32, #tpu.memory_space<vmem_shared>>) dst(%dma_wait3A_512 : memref<625x8xf32, #tpu.memory_space<vmem>>)
      tpu.yield
    }) : () -> ()
    %broadcast_in_dim3A = arith.constant 0 : i32
    %broadcast_in_dim3A_256 = vector.broadcast %broadcast_in_dim3A : i32 to vector<16xi32>
    %iota3A = tpu.iota {dimensions = array<i32: 0>} : vector<16xi32>
    %add3A_257 = arith.constant 0 : i32
    %add3A_258 = vector.broadcast %add3A_257 : i32 to vector<16xi32>
    %add3A_259 = arith.addi %iota3A, %add3A_258 : vector<16xi32>
    %gather3A = tpu.vector_load_idx %arg14[%add3A_259, %broadcast_in_dim3A_256] : memref<640x8xf32, #tpu.memory_space<vmem>>[vector<16xi32>, vector<16xi32>], vector<16xf32>,
    %swap3A = arith.constant 0 : index
    %swap3A_260 = tpu.vector_load %arg15[%swap3A] {strides = array<i32>} : memref<640xf32, #tpu.memory_space<vmem>>, vector<16xf32>,
    tpu.vector_store %arg15[%swap3A], %gather3A {strides = array<i32>} : memref<640xf32, #tpu.memory_space<vmem>>, vector<16xf32>,
    %add3A_261 = arith.constant 16 : i32
    %add3A_262 = vector.broadcast %add3A_261 : i32 to vector<16xi32>
    %add3A_263 = arith.addi %iota3A, %add3A_262 : vector<16xi32>
    %gather3A_264 = tpu.vector_load_idx %arg14[%add3A_263, %broadcast_in_dim3A_256] : memref<640x8xf32, #tpu.memory_space<vmem>>[vector<16xi32>, vector<16xi32>], vector<16xf32>,
    %swap3A_265 = arith.constant 16 : index
    %swap3A_266 = tpu.vector_load %arg15[%swap3A_265] {strides = array<i32>} : memref<640xf32, #tpu.memory_space<vmem>>, vector<16xf32>,
    tpu.vector_store %arg15[%swap3A_265], %gather3A_264 {strides = array<i32>} : memref<640xf32, #tpu.memory_space<vmem>>, vector<16xf32>,
    %add3A_267 = arith.constant 32 : i32
    %add3A_268 = vector.broadcast %add3A_267 : i32 to vector<16xi32>
    %add3A_269 = arith.addi %iota3A, %add3A_268 : vector<16xi32>
    %gather3A_270 = tpu.vector_load_idx %arg14[%add3A_269, %broadcast_in_dim3A_256] : memref<640x8xf32, #tpu.memory_space<vmem>>[vector<16xi32>, vector<16xi32>], vector<16xf32>,
    %swap3A_271 = arith.constant 32 : index
    %swap3A_272 = tpu.vector_load %arg15[%swap3A_271] {strides = array<i32>} : memref<640xf32, #tpu.memory_space<vmem>>, vector<16xf32>,
    tpu.vector_store %arg15[%swap3A_271], %gather3A_270 {strides = array<i32>} : memref<640xf32, #tpu.memory_space<vmem>>, vector<16xf32>,
    %add3A_273 = arith.constant 48 : i32
    %add3A_274 = vector.broadcast %add3A_273 : i32 to vector<16xi32>
    %add3A_275 = arith.addi %iota3A, %add3A_274 : vector<16xi32>
    %gather3A_276 = tpu.vector_load_idx %arg14[%add3A_275, %broadcast_in_dim3A_256] : memref<640x8xf32, #tpu.memory_space<vmem>>[vector<16xi32>, vector<16xi32>], vector<16xf32>,
    %swap3A_277 = arith.constant 48 : index
    %swap3A_278 = tpu.vector_load %arg15[%swap3A_277] {strides = array<i32>} : memref<640xf32, #tpu.memory_space<vmem>>, vector<16xf32>,
    tpu.vector_store %arg15[%swap3A_277], %gather3A_276 {strides = array<i32>} : memref<640xf32, #tpu.memory_space<vmem>>, vector<16xf32>,
    %add3A_279 = arith.constant 64 : i32
    %add3A_280 = vector.broadcast %add3A_279 : i32 to vector<16xi32>
    %add3A_281 = arith.addi %iota3A, %add3A_280 : vector<16xi32>
    %gather3A_282 = tpu.vector_load_idx %arg14[%add3A_281, %broadcast_in_dim3A_256] : memref<640x8xf32, #tpu.memory_space<vmem>>[vector<16xi32>, vector<16xi32>], vector<16xf32>,
    %swap3A_283 = arith.constant 64 : index
    %swap3A_284 = tpu.vector_load %arg15[%swap3A_283] {strides = array<i32>} : memref<640xf32, #tpu.memory_space<vmem>>, vector<16xf32>,
    tpu.vector_store %arg15[%swap3A_283], %gather3A_282 {strides = array<i32>} : memref<640xf32, #tpu.memory_space<vmem>>, vector<16xf32>,
    %add3A_285 = arith.constant 80 : i32
    %add3A_286 = vector.broadcast %add3A_285 : i32 to vector<16xi32>
    %add3A_287 = arith.addi %iota3A, %add3A_286 : vector<16xi32>
    %gather3A_288 = tpu.vector_load_idx %arg14[%add3A_287, %broadcast_in_dim3A_256] : memref<640x8xf32, #tpu.memory_space<vmem>>[vector<16xi32>, vector<16xi32>], vector<16xf32>,
    %swap3A_289 = arith.constant 80 : index
    %swap3A_290 = tpu.vector_load %arg15[%swap3A_289] {strides = array<i32>} : memref<640xf32, #tpu.memory_space<vmem>>, vector<16xf32>,
    tpu.vector_store %arg15[%swap3A_289], %gather3A_288 {strides = array<i32>} : memref<640xf32, #tpu.memory_space<vmem>>, vector<16xf32>,
    %add3A_291 = arith.constant 96 : i32
    %add3A_292 = vector.broadcast %add3A_291 : i32 to vector<16xi32>
    %add3A_293 = arith.addi %iota3A, %add3A_292 : vector<16xi32>
    %gather3A_294 = tpu.vector_load_idx %arg14[%add3A_293, %broadcast_in_dim3A_256] : memref<640x8xf32, #tpu.memory_space<vmem>>[vector<16xi32>, vector<16xi32>], vector<16xf32>,
    %swap3A_295 = arith.constant 96 : index
    %swap3A_296 = tpu.vector_load %arg15[%swap3A_295] {strides = array<i32>} : memref<640xf32, #tpu.memory_space<vmem>>, vector<16xf32>,
    tpu.vector_store %arg15[%swap3A_295], %gather3A_294 {strides = array<i32>} : memref<640xf32, #tpu.memory_space<vmem>>, vector<16xf32>,
    %add3A_297 = arith.constant 112 : i32
    %add3A_298 = vector.broadcast %add3A_297 : i32 to vector<16xi32>
    %add3A_299 = arith.addi %iota3A, %add3A_298 : vector<16xi32>
    %gather3A_300 = tpu.vector_load_idx %arg14[%add3A_299, %broadcast_in_dim3A_256] : memref<640x8xf32, #tpu.memory_space<vmem>>[vector<16xi32>, vector<16xi32>], vector<16xf32>,
    %swap3A_301 = arith.constant 112 : index
    %swap3A_302 = tpu.vector_load %arg15[%swap3A_301] {strides = array<i32>} : memref<640xf32, #tpu.memory_space<vmem>>, vector<16xf32>,
    tpu.vector_store %arg15[%swap3A_301], %gather3A_300 {strides = array<i32>} : memref<640xf32, #tpu.memory_space<vmem>>, vector<16xf32>,
    %add3A_303 = arith.constant 128 : i32
    %add3A_304 = vector.broadcast %add3A_303 : i32 to vector<16xi32>
    %add3A_305 = arith.addi %iota3A, %add3A_304 : vector<16xi32>
    %gather3A_306 = tpu.vector_load_idx %arg14[%add3A_305, %broadcast_in_dim3A_256] : memref<640x8xf32, #tpu.memory_space<vmem>>[vector<16xi32>, vector<16xi32>], vector<16xf32>,
    %swap3A_307 = arith.constant 128 : index
    %swap3A_308 = tpu.vector_load %arg15[%swap3A_307] {strides = array<i32>} : memref<640xf32, #tpu.memory_space<vmem>>, vector<16xf32>,
    tpu.vector_store %arg15[%swap3A_307], %gather3A_306 {strides = array<i32>} : memref<640xf32, #tpu.memory_space<vmem>>, vector<16xf32>,
    %add3A_309 = arith.constant 144 : i32
    %add3A_310 = vector.broadcast %add3A_309 : i32 to vector<16xi32>
    %add3A_311 = arith.addi %iota3A, %add3A_310 : vector<16xi32>
    %gather3A_312 = tpu.vector_load_idx %arg14[%add3A_311, %broadcast_in_dim3A_256] : memref<640x8xf32, #tpu.memory_space<vmem>>[vector<16xi32>, vector<16xi32>], vector<16xf32>,
    %swap3A_313 = arith.constant 144 : index
    %swap3A_314 = tpu.vector_load %arg15[%swap3A_313] {strides = array<i32>} : memref<640xf32, #tpu.memory_space<vmem>>, vector<16xf32>,
    tpu.vector_store %arg15[%swap3A_313], %gather3A_312 {strides = array<i32>} : memref<640xf32, #tpu.memory_space<vmem>>, vector<16xf32>,
    %add3A_315 = arith.constant 160 : i32
    %add3A_316 = vector.broadcast %add3A_315 : i32 to vector<16xi32>
    %add3A_317 = arith.addi %iota3A, %add3A_316 : vector<16xi32>
    %gather3A_318 = tpu.vector_load_idx %arg14[%add3A_317, %broadcast_in_dim3A_256] : memref<640x8xf32, #tpu.memory_space<vmem>>[vector<16xi32>, vector<16xi32>], vector<16xf32>,
    %swap3A_319 = arith.constant 160 : index
    %swap3A_320 = tpu.vector_load %arg15[%swap3A_319] {strides = array<i32>} : memref<640xf32, #tpu.memory_space<vmem>>, vector<16xf32>,
    tpu.vector_store %arg15[%swap3A_319], %gather3A_318 {strides = array<i32>} : memref<640xf32, #tpu.memory_space<vmem>>, vector<16xf32>,
    %add3A_321 = arith.constant 176 : i32
    %add3A_322 = vector.broadcast %add3A_321 : i32 to vector<16xi32>
    %add3A_323 = arith.addi %iota3A, %add3A_322 : vector<16xi32>
    %gather3A_324 = tpu.vector_load_idx %arg14[%add3A_323, %broadcast_in_dim3A_256] : memref<640x8xf32, #tpu.memory_space<vmem>>[vector<16xi32>, vector<16xi32>], vector<16xf32>,
    %swap3A_325 = arith.constant 176 : index
    %swap3A_326 = tpu.vector_load %arg15[%swap3A_325] {strides = array<i32>} : memref<640xf32, #tpu.memory_space<vmem>>, vector<16xf32>,
    tpu.vector_store %arg15[%swap3A_325], %gather3A_324 {strides = array<i32>} : memref<640xf32, #tpu.memory_space<vmem>>, vector<16xf32>,
    %add3A_327 = arith.constant 192 : i32
    %add3A_328 = vector.broadcast %add3A_327 : i32 to vector<16xi32>
    %add3A_329 = arith.addi %iota3A, %add3A_328 : vector<16xi32>
    %gather3A_330 = tpu.vector_load_idx %arg14[%add3A_329, %broadcast_in_dim3A_256] : memref<640x8xf32, #tpu.memory_space<vmem>>[vector<16xi32>, vector<16xi32>], vector<16xf32>,
    %swap3A_331 = arith.constant 192 : index
    %swap3A_332 = tpu.vector_load %arg15[%swap3A_331] {strides = array<i32>} : memref<640xf32, #tpu.memory_space<vmem>>, vector<16xf32>,
    tpu.vector_store %arg15[%swap3A_331], %gather3A_330 {strides = array<i32>} : memref<640xf32, #tpu.memory_space<vmem>>, vector<16xf32>,
    %add3A_333 = arith.constant 208 : i32
    %add3A_334 = vector.broadcast %add3A_333 : i32 to vector<16xi32>
    %add3A_335 = arith.addi %iota3A, %add3A_334 : vector<16xi32>
    %gather3A_336 = tpu.vector_load_idx %arg14[%add3A_335, %broadcast_in_dim3A_256] : memref<640x8xf32, #tpu.memory_space<vmem>>[vector<16xi32>, vector<16xi32>], vector<16xf32>,
    %swap3A_337 = arith.constant 208 : index
    %swap3A_338 = tpu.vector_load %arg15[%swap3A_337] {strides = array<i32>} : memref<640xf32, #tpu.memory_space<vmem>>, vector<16xf32>,
    tpu.vector_store %arg15[%swap3A_337], %gather3A_336 {strides = array<i32>} : memref<640xf32, #tpu.memory_space<vmem>>, vector<16xf32>,
    %add3A_339 = arith.constant 224 : i32
    %add3A_340 = vector.broadcast %add3A_339 : i32 to vector<16xi32>
    %add3A_341 = arith.addi %iota3A, %add3A_340 : vector<16xi32>
    %gather3A_342 = tpu.vector_load_idx %arg14[%add3A_341, %broadcast_in_dim3A_256] : memref<640x8xf32, #tpu.memory_space<vmem>>[vector<16xi32>, vector<16xi32>], vector<16xf32>,
    %swap3A_343 = arith.constant 224 : index
    %swap3A_344 = tpu.vector_load %arg15[%swap3A_343] {strides = array<i32>} : memref<640xf32, #tpu.memory_space<vmem>>, vector<16xf32>,
    tpu.vector_store %arg15[%swap3A_343], %gather3A_342 {strides = array<i32>} : memref<640xf32, #tpu.memory_space<vmem>>, vector<16xf32>,
    %add3A_345 = arith.constant 240 : i32
    %add3A_346 = vector.broadcast %add3A_345 : i32 to vector<16xi32>
    %add3A_347 = arith.addi %iota3A, %add3A_346 : vector<16xi32>
    %gather3A_348 = tpu.vector_load_idx %arg14[%add3A_347, %broadcast_in_dim3A_256] : memref<640x8xf32, #tpu.memory_space<vmem>>[vector<16xi32>, vector<16xi32>], vector<16xf32>,
    %swap3A_349 = arith.constant 240 : index
    %swap3A_350 = tpu.vector_load %arg15[%swap3A_349] {strides = array<i32>} : memref<640xf32, #tpu.memory_space<vmem>>, vector<16xf32>,
    tpu.vector_store %arg15[%swap3A_349], %gather3A_348 {strides = array<i32>} : memref<640xf32, #tpu.memory_space<vmem>>, vector<16xf32>,
    %add3A_351 = arith.constant 256 : i32
    %add3A_352 = vector.broadcast %add3A_351 : i32 to vector<16xi32>
    %add3A_353 = arith.addi %iota3A, %add3A_352 : vector<16xi32>
    %gather3A_354 = tpu.vector_load_idx %arg14[%add3A_353, %broadcast_in_dim3A_256] : memref<640x8xf32, #tpu.memory_space<vmem>>[vector<16xi32>, vector<16xi32>], vector<16xf32>,
    %swap3A_355 = arith.constant 256 : index
    %swap3A_356 = tpu.vector_load %arg15[%swap3A_355] {strides = array<i32>} : memref<640xf32, #tpu.memory_space<vmem>>, vector<16xf32>,
    tpu.vector_store %arg15[%swap3A_355], %gather3A_354 {strides = array<i32>} : memref<640xf32, #tpu.memory_space<vmem>>, vector<16xf32>,
    %add3A_357 = arith.constant 272 : i32
    %add3A_358 = vector.broadcast %add3A_357 : i32 to vector<16xi32>
    %add3A_359 = arith.addi %iota3A, %add3A_358 : vector<16xi32>
    %gather3A_360 = tpu.vector_load_idx %arg14[%add3A_359, %broadcast_in_dim3A_256] : memref<640x8xf32, #tpu.memory_space<vmem>>[vector<16xi32>, vector<16xi32>], vector<16xf32>,
    %swap3A_361 = arith.constant 272 : index
    %swap3A_362 = tpu.vector_load %arg15[%swap3A_361] {strides = array<i32>} : memref<640xf32, #tpu.memory_space<vmem>>, vector<16xf32>,
    tpu.vector_store %arg15[%swap3A_361], %gather3A_360 {strides = array<i32>} : memref<640xf32, #tpu.memory_space<vmem>>, vector<16xf32>,
    %add3A_363 = arith.constant 288 : i32
    %add3A_364 = vector.broadcast %add3A_363 : i32 to vector<16xi32>
    %add3A_365 = arith.addi %iota3A, %add3A_364 : vector<16xi32>
    %gather3A_366 = tpu.vector_load_idx %arg14[%add3A_365, %broadcast_in_dim3A_256] : memref<640x8xf32, #tpu.memory_space<vmem>>[vector<16xi32>, vector<16xi32>], vector<16xf32>,
    %swap3A_367 = arith.constant 288 : index
    %swap3A_368 = tpu.vector_load %arg15[%swap3A_367] {strides = array<i32>} : memref<640xf32, #tpu.memory_space<vmem>>, vector<16xf32>,
    tpu.vector_store %arg15[%swap3A_367], %gather3A_366 {strides = array<i32>} : memref<640xf32, #tpu.memory_space<vmem>>, vector<16xf32>,
    %add3A_369 = arith.constant 304 : i32
    %add3A_370 = vector.broadcast %add3A_369 : i32 to vector<16xi32>
    %add3A_371 = arith.addi %iota3A, %add3A_370 : vector<16xi32>
    %gather3A_372 = tpu.vector_load_idx %arg14[%add3A_371, %broadcast_in_dim3A_256] : memref<640x8xf32, #tpu.memory_space<vmem>>[vector<16xi32>, vector<16xi32>], vector<16xf32>,
    %swap3A_373 = arith.constant 304 : index
    %swap3A_374 = tpu.vector_load %arg15[%swap3A_373] {strides = array<i32>} : memref<640xf32, #tpu.memory_space<vmem>>, vector<16xf32>,
    tpu.vector_store %arg15[%swap3A_373], %gather3A_372 {strides = array<i32>} : memref<640xf32, #tpu.memory_space<vmem>>, vector<16xf32>,
    %add3A_375 = arith.constant 320 : i32
    %add3A_376 = vector.broadcast %add3A_375 : i32 to vector<16xi32>
    %add3A_377 = arith.addi %iota3A, %add3A_376 : vector<16xi32>
    %gather3A_378 = tpu.vector_load_idx %arg14[%add3A_377, %broadcast_in_dim3A_256] : memref<640x8xf32, #tpu.memory_space<vmem>>[vector<16xi32>, vector<16xi32>], vector<16xf32>,
    %swap3A_379 = arith.constant 320 : index
    %swap3A_380 = tpu.vector_load %arg15[%swap3A_379] {strides = array<i32>} : memref<640xf32, #tpu.memory_space<vmem>>, vector<16xf32>,
    tpu.vector_store %arg15[%swap3A_379], %gather3A_378 {strides = array<i32>} : memref<640xf32, #tpu.memory_space<vmem>>, vector<16xf32>,
    %add3A_381 = arith.constant 336 : i32
    %add3A_382 = vector.broadcast %add3A_381 : i32 to vector<16xi32>
    %add3A_383 = arith.addi %iota3A, %add3A_382 : vector<16xi32>
    %gather3A_384 = tpu.vector_load_idx %arg14[%add3A_383, %broadcast_in_dim3A_256] : memref<640x8xf32, #tpu.memory_space<vmem>>[vector<16xi32>, vector<16xi32>], vector<16xf32>,
    %swap3A_385 = arith.constant 336 : index
    %swap3A_386 = tpu.vector_load %arg15[%swap3A_385] {strides = array<i32>} : memref<640xf32, #tpu.memory_space<vmem>>, vector<16xf32>,
    tpu.vector_store %arg15[%swap3A_385], %gather3A_384 {strides = array<i32>} : memref<640xf32, #tpu.memory_space<vmem>>, vector<16xf32>,
    %add3A_387 = arith.constant 352 : i32
    %add3A_388 = vector.broadcast %add3A_387 : i32 to vector<16xi32>
    %add3A_389 = arith.addi %iota3A, %add3A_388 : vector<16xi32>
    %gather3A_390 = tpu.vector_load_idx %arg14[%add3A_389, %broadcast_in_dim3A_256] : memref<640x8xf32, #tpu.memory_space<vmem>>[vector<16xi32>, vector<16xi32>], vector<16xf32>,
    %swap3A_391 = arith.constant 352 : index
    %swap3A_392 = tpu.vector_load %arg15[%swap3A_391] {strides = array<i32>} : memref<640xf32, #tpu.memory_space<vmem>>, vector<16xf32>,
    tpu.vector_store %arg15[%swap3A_391], %gather3A_390 {strides = array<i32>} : memref<640xf32, #tpu.memory_space<vmem>>, vector<16xf32>,
    %add3A_393 = arith.constant 368 : i32
    %add3A_394 = vector.broadcast %add3A_393 : i32 to vector<16xi32>
    %add3A_395 = arith.addi %iota3A, %add3A_394 : vector<16xi32>
    %gather3A_396 = tpu.vector_load_idx %arg14[%add3A_395, %broadcast_in_dim3A_256] : memref<640x8xf32, #tpu.memory_space<vmem>>[vector<16xi32>, vector<16xi32>], vector<16xf32>,
    %swap3A_397 = arith.constant 368 : index
    %swap3A_398 = tpu.vector_load %arg15[%swap3A_397] {strides = array<i32>} : memref<640xf32, #tpu.memory_space<vmem>>, vector<16xf32>,
    tpu.vector_store %arg15[%swap3A_397], %gather3A_396 {strides = array<i32>} : memref<640xf32, #tpu.memory_space<vmem>>, vector<16xf32>,
    %add3A_399 = arith.constant 384 : i32
    %add3A_400 = vector.broadcast %add3A_399 : i32 to vector<16xi32>
    %add3A_401 = arith.addi %iota3A, %add3A_400 : vector<16xi32>
    %gather3A_402 = tpu.vector_load_idx %arg14[%add3A_401, %broadcast_in_dim3A_256] : memref<640x8xf32, #tpu.memory_space<vmem>>[vector<16xi32>, vector<16xi32>], vector<16xf32>,
    %swap3A_403 = arith.constant 384 : index
    %swap3A_404 = tpu.vector_load %arg15[%swap3A_403] {strides = array<i32>} : memref<640xf32, #tpu.memory_space<vmem>>, vector<16xf32>,
    tpu.vector_store %arg15[%swap3A_403], %gather3A_402 {strides = array<i32>} : memref<640xf32, #tpu.memory_space<vmem>>, vector<16xf32>,
    %add3A_405 = arith.constant 400 : i32
    %add3A_406 = vector.broadcast %add3A_405 : i32 to vector<16xi32>
    %add3A_407 = arith.addi %iota3A, %add3A_406 : vector<16xi32>
    %gather3A_408 = tpu.vector_load_idx %arg14[%add3A_407, %broadcast_in_dim3A_256] : memref<640x8xf32, #tpu.memory_space<vmem>>[vector<16xi32>, vector<16xi32>], vector<16xf32>,
    %swap3A_409 = arith.constant 400 : index
    %swap3A_410 = tpu.vector_load %arg15[%swap3A_409] {strides = array<i32>} : memref<640xf32, #tpu.memory_space<vmem>>, vector<16xf32>,
    tpu.vector_store %arg15[%swap3A_409], %gather3A_408 {strides = array<i32>} : memref<640xf32, #tpu.memory_space<vmem>>, vector<16xf32>,
    %add3A_411 = arith.constant 416 : i32
    %add3A_412 = vector.broadcast %add3A_411 : i32 to vector<16xi32>
    %add3A_413 = arith.addi %iota3A, %add3A_412 : vector<16xi32>
    %gather3A_414 = tpu.vector_load_idx %arg14[%add3A_413, %broadcast_in_dim3A_256] : memref<640x8xf32, #tpu.memory_space<vmem>>[vector<16xi32>, vector<16xi32>], vector<16xf32>,
    %swap3A_415 = arith.constant 416 : index
    %swap3A_416 = tpu.vector_load %arg15[%swap3A_415] {strides = array<i32>} : memref<640xf32, #tpu.memory_space<vmem>>, vector<16xf32>,
    tpu.vector_store %arg15[%swap3A_415], %gather3A_414 {strides = array<i32>} : memref<640xf32, #tpu.memory_space<vmem>>, vector<16xf32>,
    %add3A_417 = arith.constant 432 : i32
    %add3A_418 = vector.broadcast %add3A_417 : i32 to vector<16xi32>
    %add3A_419 = arith.addi %iota3A, %add3A_418 : vector<16xi32>
    %gather3A_420 = tpu.vector_load_idx %arg14[%add3A_419, %broadcast_in_dim3A_256] : memref<640x8xf32, #tpu.memory_space<vmem>>[vector<16xi32>, vector<16xi32>], vector<16xf32>,
    %swap3A_421 = arith.constant 432 : index
    %swap3A_422 = tpu.vector_load %arg15[%swap3A_421] {strides = array<i32>} : memref<640xf32, #tpu.memory_space<vmem>>, vector<16xf32>,
    tpu.vector_store %arg15[%swap3A_421], %gather3A_420 {strides = array<i32>} : memref<640xf32, #tpu.memory_space<vmem>>, vector<16xf32>,
    %add3A_423 = arith.constant 448 : i32
    %add3A_424 = vector.broadcast %add3A_423 : i32 to vector<16xi32>
    %add3A_425 = arith.addi %iota3A, %add3A_424 : vector<16xi32>
    %gather3A_426 = tpu.vector_load_idx %arg14[%add3A_425, %broadcast_in_dim3A_256] : memref<640x8xf32, #tpu.memory_space<vmem>>[vector<16xi32>, vector<16xi32>], vector<16xf32>,
    %swap3A_427 = arith.constant 448 : index
    %swap3A_428 = tpu.vector_load %arg15[%swap3A_427] {strides = array<i32>} : memref<640xf32, #tpu.memory_space<vmem>>, vector<16xf32>,
    tpu.vector_store %arg15[%swap3A_427], %gather3A_426 {strides = array<i32>} : memref<640xf32, #tpu.memory_space<vmem>>, vector<16xf32>,
    %add3A_429 = arith.constant 464 : i32
    %add3A_430 = vector.broadcast %add3A_429 : i32 to vector<16xi32>
    %add3A_431 = arith.addi %iota3A, %add3A_430 : vector<16xi32>
    %gather3A_432 = tpu.vector_load_idx %arg14[%add3A_431, %broadcast_in_dim3A_256] : memref<640x8xf32, #tpu.memory_space<vmem>>[vector<16xi32>, vector<16xi32>], vector<16xf32>,
    %swap3A_433 = arith.constant 464 : index
    %swap3A_434 = tpu.vector_load %arg15[%swap3A_433] {strides = array<i32>} : memref<640xf32, #tpu.memory_space<vmem>>, vector<16xf32>,
    tpu.vector_store %arg15[%swap3A_433], %gather3A_432 {strides = array<i32>} : memref<640xf32, #tpu.memory_space<vmem>>, vector<16xf32>,
    %add3A_435 = arith.constant 480 : i32
    %add3A_436 = vector.broadcast %add3A_435 : i32 to vector<16xi32>
    %add3A_437 = arith.addi %iota3A, %add3A_436 : vector<16xi32>
    %gather3A_438 = tpu.vector_load_idx %arg14[%add3A_437, %broadcast_in_dim3A_256] : memref<640x8xf32, #tpu.memory_space<vmem>>[vector<16xi32>, vector<16xi32>], vector<16xf32>,
    %swap3A_439 = arith.constant 480 : index
    %swap3A_440 = tpu.vector_load %arg15[%swap3A_439] {strides = array<i32>} : memref<640xf32, #tpu.memory_space<vmem>>, vector<16xf32>,
    tpu.vector_store %arg15[%swap3A_439], %gather3A_438 {strides = array<i32>} : memref<640xf32, #tpu.memory_space<vmem>>, vector<16xf32>,
    %add3A_441 = arith.constant 496 : i32
    %add3A_442 = vector.broadcast %add3A_441 : i32 to vector<16xi32>
    %add3A_443 = arith.addi %iota3A, %add3A_442 : vector<16xi32>
    %gather3A_444 = tpu.vector_load_idx %arg14[%add3A_443, %broadcast_in_dim3A_256] : memref<640x8xf32, #tpu.memory_space<vmem>>[vector<16xi32>, vector<16xi32>], vector<16xf32>,
    %swap3A_445 = arith.constant 496 : index
    %swap3A_446 = tpu.vector_load %arg15[%swap3A_445] {strides = array<i32>} : memref<640xf32, #tpu.memory_space<vmem>>, vector<16xf32>,
    tpu.vector_store %arg15[%swap3A_445], %gather3A_444 {strides = array<i32>} : memref<640xf32, #tpu.memory_space<vmem>>, vector<16xf32>,
    %add3A_447 = arith.constant 512 : i32
    %add3A_448 = vector.broadcast %add3A_447 : i32 to vector<16xi32>
    %add3A_449 = arith.addi %iota3A, %add3A_448 : vector<16xi32>
    %gather3A_450 = tpu.vector_load_idx %arg14[%add3A_449, %broadcast_in_dim3A_256] : memref<640x8xf32, #tpu.memory_space<vmem>>[vector<16xi32>, vector<16xi32>], vector<16xf32>,
    %swap3A_451 = arith.constant 512 : index
    %swap3A_452 = tpu.vector_load %arg15[%swap3A_451] {strides = array<i32>} : memref<640xf32, #tpu.memory_space<vmem>>, vector<16xf32>,
    tpu.vector_store %arg15[%swap3A_451], %gather3A_450 {strides = array<i32>} : memref<640xf32, #tpu.memory_space<vmem>>, vector<16xf32>,
    %add3A_453 = arith.constant 528 : i32
    %add3A_454 = vector.broadcast %add3A_453 : i32 to vector<16xi32>
    %add3A_455 = arith.addi %iota3A, %add3A_454 : vector<16xi32>
    %gather3A_456 = tpu.vector_load_idx %arg14[%add3A_455, %broadcast_in_dim3A_256] : memref<640x8xf32, #tpu.memory_space<vmem>>[vector<16xi32>, vector<16xi32>], vector<16xf32>,
    %swap3A_457 = arith.constant 528 : index
    %swap3A_458 = tpu.vector_load %arg15[%swap3A_457] {strides = array<i32>} : memref<640xf32, #tpu.memory_space<vmem>>, vector<16xf32>,
    tpu.vector_store %arg15[%swap3A_457], %gather3A_456 {strides = array<i32>} : memref<640xf32, #tpu.memory_space<vmem>>, vector<16xf32>,
    %add3A_459 = arith.constant 544 : i32
    %add3A_460 = vector.broadcast %add3A_459 : i32 to vector<16xi32>
    %add3A_461 = arith.addi %iota3A, %add3A_460 : vector<16xi32>
    %gather3A_462 = tpu.vector_load_idx %arg14[%add3A_461, %broadcast_in_dim3A_256] : memref<640x8xf32, #tpu.memory_space<vmem>>[vector<16xi32>, vector<16xi32>], vector<16xf32>,
    %swap3A_463 = arith.constant 544 : index
    %swap3A_464 = tpu.vector_load %arg15[%swap3A_463] {strides = array<i32>} : memref<640xf32, #tpu.memory_space<vmem>>, vector<16xf32>,
    tpu.vector_store %arg15[%swap3A_463], %gather3A_462 {strides = array<i32>} : memref<640xf32, #tpu.memory_space<vmem>>, vector<16xf32>,
    %add3A_465 = arith.constant 560 : i32
    %add3A_466 = vector.broadcast %add3A_465 : i32 to vector<16xi32>
    %add3A_467 = arith.addi %iota3A, %add3A_466 : vector<16xi32>
    %gather3A_468 = tpu.vector_load_idx %arg14[%add3A_467, %broadcast_in_dim3A_256] : memref<640x8xf32, #tpu.memory_space<vmem>>[vector<16xi32>, vector<16xi32>], vector<16xf32>,
    %swap3A_469 = arith.constant 560 : index
    %swap3A_470 = tpu.vector_load %arg15[%swap3A_469] {strides = array<i32>} : memref<640xf32, #tpu.memory_space<vmem>>, vector<16xf32>,
    tpu.vector_store %arg15[%swap3A_469], %gather3A_468 {strides = array<i32>} : memref<640xf32, #tpu.memory_space<vmem>>, vector<16xf32>,
    %add3A_471 = arith.constant 576 : i32
    %add3A_472 = vector.broadcast %add3A_471 : i32 to vector<16xi32>
    %add3A_473 = arith.addi %iota3A, %add3A_472 : vector<16xi32>
    %gather3A_474 = tpu.vector_load_idx %arg14[%add3A_473, %broadcast_in_dim3A_256] : memref<640x8xf32, #tpu.memory_space<vmem>>[vector<16xi32>, vector<16xi32>], vector<16xf32>,
    %swap3A_475 = arith.constant 576 : index
    %swap3A_476 = tpu.vector_load %arg15[%swap3A_475] {strides = array<i32>} : memref<640xf32, #tpu.memory_space<vmem>>, vector<16xf32>,
    tpu.vector_store %arg15[%swap3A_475], %gather3A_474 {strides = array<i32>} : memref<640xf32, #tpu.memory_space<vmem>>, vector<16xf32>,
    %add3A_477 = arith.constant 592 : i32
    %add3A_478 = vector.broadcast %add3A_477 : i32 to vector<16xi32>
    %add3A_479 = arith.addi %iota3A, %add3A_478 : vector<16xi32>
    %gather3A_480 = tpu.vector_load_idx %arg14[%add3A_479, %broadcast_in_dim3A_256] : memref<640x8xf32, #tpu.memory_space<vmem>>[vector<16xi32>, vector<16xi32>], vector<16xf32>,
    %swap3A_481 = arith.constant 592 : index
    %swap3A_482 = tpu.vector_load %arg15[%swap3A_481] {strides = array<i32>} : memref<640xf32, #tpu.memory_space<vmem>>, vector<16xf32>,
    tpu.vector_store %arg15[%swap3A_481], %gather3A_480 {strides = array<i32>} : memref<640xf32, #tpu.memory_space<vmem>>, vector<16xf32>,
    %add3A_483 = arith.constant 608 : i32
    %add3A_484 = vector.broadcast %add3A_483 : i32 to vector<16xi32>
    %add3A_485 = arith.addi %iota3A, %add3A_484 : vector<16xi32>
    %gather3A_486 = tpu.vector_load_idx %arg14[%add3A_485, %broadcast_in_dim3A_256] : memref<640x8xf32, #tpu.memory_space<vmem>>[vector<16xi32>, vector<16xi32>], vector<16xf32>,
    %swap3A_487 = arith.constant 608 : index
    %swap3A_488 = tpu.vector_load %arg15[%swap3A_487] {strides = array<i32>} : memref<640xf32, #tpu.memory_space<vmem>>, vector<16xf32>,
    tpu.vector_store %arg15[%swap3A_487], %gather3A_486 {strides = array<i32>} : memref<640xf32, #tpu.memory_space<vmem>>, vector<16xf32>,
    %add3A_489 = arith.constant 624 : i32
    %add3A_490 = vector.broadcast %add3A_489 : i32 to vector<16xi32>
    %add3A_491 = arith.addi %iota3A, %add3A_490 : vector<16xi32>
    %gather3A_492 = tpu.vector_load_idx %arg14[%add3A_491, %broadcast_in_dim3A_256] : memref<640x8xf32, #tpu.memory_space<vmem>>[vector<16xi32>, vector<16xi32>], vector<16xf32>,
    %swap3A_493 = arith.constant 624 : index
    %swap3A_494 = tpu.vector_load %arg15[%swap3A_493] {strides = array<i32>} : memref<640xf32, #tpu.memory_space<vmem>>, vector<16xf32>,
    tpu.vector_store %arg15[%swap3A_493], %gather3A_492 {strides = array<i32>} : memref<640xf32, #tpu.memory_space<vmem>>, vector<16xf32>,
    "tpu.region"() ({
      %run_scoped3A = tpu.sem_alloc : memref<!tpu.dma_semaphore, #tpu.memory_space<semaphore_mem>>
      %dma_start3A_495 = arith.constant 0 : i32
      %dma_start3A_496 = tpu.memref_slice %arg15[%dma_start3A_495] : memref<640xf32, #tpu.memory_space<vmem>> -> memref<625xf32, #tpu.memory_space<vmem>>
      %dma_start3A_497 = arith.constant 0 : i32
      %dma_start3A_498 = tpu.memref_slice %arg8[%arg0, %arg1, %dma_start3A_497] : memref<2x16x625xf32, #tpu.memory_space<hbm>> -> memref<1x1x625xf32, #tpu.memory_space<hbm>>
      %dma_start3A_499 = tpu.memref_squeeze %dma_start3A_498 : memref<1x1x625xf32, #tpu.memory_space<hbm>> -> memref<625xf32, #tpu.memory_space<hbm>>
      %dma_start3A_500 = arith.constant 0 : i32
      %dma_start3A_501 = tpu.memref_slice %arg8[%arg0, %arg1, %dma_start3A_500] : memref<2x16x625xf32, #tpu.memory_space<hbm>> -> memref<1x1x625xf32, #tpu.memory_space<hbm>>
      %dma_start3A_502 = tpu.memref_squeeze %dma_start3A_501 : memref<1x1x625xf32, #tpu.memory_space<hbm>> -> memref<625xf32, #tpu.memory_space<hbm>>
      %dma_start3A_503 = arith.constant 0 : i32
      %dma_start3A_504 = tpu.memref_slice %arg15[%dma_start3A_503] : memref<640xf32, #tpu.memory_space<vmem>> -> memref<625xf32, #tpu.memory_space<vmem>>
      tpu.enqueue_dma source(%dma_start3A_504 : memref<625xf32, #tpu.memory_space<vmem>>) target(%dma_start3A_502 : memref<625xf32, #tpu.memory_space<hbm>>) target_semaphore(%run_scoped3A : memref<!tpu.dma_semaphore, #tpu.memory_space<semaphore_mem>>)
      %dma_wait3A_505 = arith.constant 0 : i32
      %dma_wait3A_506 = tpu.memref_slice %arg15[%dma_wait3A_505] : memref<640xf32, #tpu.memory_space<vmem>> -> memref<625xf32, #tpu.memory_space<vmem>>
      %dma_wait3A_507 = arith.constant 0 : i32
      %dma_wait3A_508 = tpu.memref_slice %arg8[%arg0, %arg1, %dma_wait3A_507] : memref<2x16x625xf32, #tpu.memory_space<hbm>> -> memref<1x1x625xf32, #tpu.memory_space<hbm>>
      %dma_wait3A_509 = tpu.memref_squeeze %dma_wait3A_508 : memref<1x1x625xf32, #tpu.memory_space<hbm>> -> memref<625xf32, #tpu.memory_space<hbm>>
      %dma_wait3A_510 = arith.constant 0 : i32
      %dma_wait3A_511 = tpu.memref_slice %arg8[%arg0, %arg1, %dma_wait3A_510] : memref<2x16x625xf32, #tpu.memory_space<hbm>> -> memref<1x1x625xf32, #tpu.memory_space<hbm>>
      %dma_wait3A_512 = tpu.memref_squeeze %dma_wait3A_511 : memref<1x1x625xf32, #tpu.memory_space<hbm>> -> memref<625xf32, #tpu.memory_space<hbm>>
      %dma_wait3A_513 = arith.constant 0 : i32
      %dma_wait3A_514 = tpu.memref_slice %arg15[%dma_wait3A_513] : memref<640xf32, #tpu.memory_space<vmem>> -> memref<625xf32, #tpu.memory_space<vmem>>
      tpu.wait_dma2 semaphore(%run_scoped3A : memref<!tpu.dma_semaphore, #tpu.memory_space<semaphore_mem>>) src(%dma_wait3A_514 : memref<625xf32, #tpu.memory_space<vmem>>) dst(%dma_wait3A_512 : memref<625xf32, #tpu.memory_space<hbm>>)
      tpu.yield
    }) : () -> ()
    return
  }
}

module attributes {stable_mosaic.version = 14 : i64} {
  func.func @_tcx_body(%arg0: i32, %arg1: memref<1000x128xf32, #tpu.memory_space<vmem>>, %arg2: memref<1x1x1000xi32, #tpu.memory_space<vmem>>, %arg3: memref<128x128xf32, #tpu.memory_space<vmem>>, %arg4: memref<128x128xf32, #tpu.memory_space<vmem>>, %arg5: memref<128x128xf32, #tpu.memory_space<vmem>>, %arg6: memref<128x128xf32, #tpu.memory_space<vmem>>) attributes {dimension_semantics = [#tpu.dimension_semantics<arbitrary>], iteration_bounds = array<i64: 10>, scalar_prefetch = 0 : i64, scratch_operands = 2 : i64, tpu.core_type = #tpu.core_type<tc>, window_params = [{transform_indices = @transform_0, window_bounds = array<i64: 1000, 128>}, {transform_indices = @transform_1, window_bounds = array<i64: 1, 1, 1000>}, {pipeline_mode = #tpu.pipeline_mode<synchronous>, transform_indices = @transform_2, window_bounds = array<i64: 128, 128>}, {pipeline_mode = #tpu.pipeline_mode<synchronous>, transform_indices = @transform_3, window_bounds = array<i64: 128, 128>}]} {
    %eq3A = arith.constant 0 : i32
    %eq3A_0 = arith.cmpi eq, %arg0, %eq3A : i32
    %convert_element_type3A = arith.extui %eq3A_0 : i1 to i32
    %cond3A = arith.constant 0 : i32
    %cond3A_1 = arith.cmpi ne, %convert_element_type3A, %cond3A : i32
    scf.if %cond3A_1 {
      %broadcast_in_dim3A_33 = arith.constant 0.000000e+00 : f32
      %broadcast_in_dim3A_34 = vector.broadcast %broadcast_in_dim3A_33 : f32 to vector<128x128xf32>
      %swap3A_35 = arith.constant 0 : index
      %swap3A_36 = arith.constant 0 : index
      %swap3A_37 = vector.load %arg5[%swap3A_35, %swap3A_36] : memref<128x128xf32, #tpu.memory_space<vmem>>, vector<128x128xf32>
      tpu.vector_store %arg5[%swap3A_35, %swap3A_36], %broadcast_in_dim3A_34 {strides = array<i32>} : memref<128x128xf32, #tpu.memory_space<vmem>>, vector<128x128xf32>,
      %broadcast_in_dim3A_38 = arith.constant 0.000000e+00 : f32
      %broadcast_in_dim3A_39 = vector.broadcast %broadcast_in_dim3A_38 : f32 to vector<128x128xf32>
      %swap3A_40 = arith.constant 0 : index
      %swap3A_41 = arith.constant 0 : index
      %swap3A_42 = vector.load %arg6[%swap3A_40, %swap3A_41] : memref<128x128xf32, #tpu.memory_space<vmem>>, vector<128x128xf32>
      tpu.vector_store %arg6[%swap3A_40, %swap3A_41], %broadcast_in_dim3A_39 {strides = array<i32>} : memref<128x128xf32, #tpu.memory_space<vmem>>, vector<128x128xf32>,
    } else {
    }
    %get3A = arith.constant 0 : index
    %get3A_2 = arith.constant 0 : index
    %get3A_3 = arith.constant 0 : index
    %get3A_4 = vector.load %arg2[%get3A, %get3A_2, %get3A_3] : memref<1x1x1000xi32, #tpu.memory_space<vmem>>, vector<1x1x1000xi32>
    %get3A_5 = vector.shape_cast %get3A_4 : vector<1x1x1000xi32> to vector<1x1000xi32>
    %iota3A = tpu.iota {dimensions = array<i32: 0>} : vector<128x1000xi32>
    %eq3A_6 = vector.broadcast %get3A_5 : vector<1x1000xi32> to vector<128x1000xi32>
    %eq3A_7 = arith.cmpi eq, %eq3A_6, %iota3A : vector<128x1000xi32>
    %convert_element_type3A_8 = arith.extui %eq3A_7 : vector<128x1000xi1> to vector<128x1000xi32>
    %convert_element_type3A_9 = arith.sitofp %convert_element_type3A_8 : vector<128x1000xi32> to vector<128x1000xf32>
    %get3A_10 = arith.constant 0 : index
    %get3A_11 = arith.constant 0 : index
    %get3A_12 = vector.load %arg5[%get3A_10, %get3A_11] : memref<128x128xf32, #tpu.memory_space<vmem>>, vector<128x128xf32>
    %get3A_13 = arith.constant 0 : index
    %get3A_14 = arith.constant 0 : index
    %get3A_15 = vector.load %arg1[%get3A_13, %get3A_14] : memref<1000x128xf32, #tpu.memory_space<vmem>>, vector<1000x128xf32>
    %dot_general3A = arith.constant dense<0.000000e+00> : vector<128x128xf32>
    %dot_general3A_16 = tpu.matmul %convert_element_type3A_9, %get3A_15, %dot_general3A {dimension_numbers = #tpu.dot_dimension_numbers<[1], [0], [0], [1], [0, 0, 1, 1], [], []>, transpose_lhs_hint = false} : vector<128x1000xf32>, vector<1000x128xf32>, vector<128x128xf32> -> vector<128x128xf32>
    %add3A = arith.addf %get3A_12, %dot_general3A_16 : vector<128x128xf32>
    %swap3A = arith.constant 0 : index
    %swap3A_17 = arith.constant 0 : index
    %swap3A_18 = vector.load %arg5[%swap3A, %swap3A_17] : memref<128x128xf32, #tpu.memory_space<vmem>>, vector<128x128xf32>
    tpu.vector_store %arg5[%swap3A, %swap3A_17], %add3A {strides = array<i32>} : memref<128x128xf32, #tpu.memory_space<vmem>>, vector<128x128xf32>,
    %get3A_19 = arith.constant 0 : index
    %get3A_20 = arith.constant 0 : index
    %get3A_21 = vector.load %arg6[%get3A_19, %get3A_20] : memref<128x128xf32, #tpu.memory_space<vmem>>, vector<128x128xf32>
    %reduce_sum3A = arith.constant dense<0.000000e+00> : vector<128xf32>
    %reduce_sum3A_22 = vector.multi_reduction <add>, %convert_element_type3A_9, %reduce_sum3A [1] : vector<128x1000xf32> to vector<128xf32>
    %broadcast_in_dim3A = vector.shape_cast %reduce_sum3A_22 : vector<128xf32> to vector<128x1xf32>
    %add3A_23 = vector.broadcast %broadcast_in_dim3A : vector<128x1xf32> to vector<128x128xf32>
    %add3A_24 = arith.addf %get3A_21, %add3A_23 : vector<128x128xf32>
    %swap3A_25 = arith.constant 0 : index
    %swap3A_26 = arith.constant 0 : index
    %swap3A_27 = vector.load %arg6[%swap3A_25, %swap3A_26] : memref<128x128xf32, #tpu.memory_space<vmem>>, vector<128x128xf32>
    tpu.vector_store %arg6[%swap3A_25, %swap3A_26], %add3A_24 {strides = array<i32>} : memref<128x128xf32, #tpu.memory_space<vmem>>, vector<128x128xf32>,
    %eq3A_28 = arith.constant 9 : i32
    %eq3A_29 = arith.cmpi eq, %arg0, %eq3A_28 : i32
    %convert_element_type3A_30 = arith.extui %eq3A_29 : i1 to i32
    %cond3A_31 = arith.constant 0 : i32
    %cond3A_32 = arith.cmpi ne, %convert_element_type3A_30, %cond3A_31 : i32
    scf.if %cond3A_32 {
      %get3A_33 = arith.constant 0 : index
      %get3A_34 = arith.constant 0 : index
      %get3A_35 = vector.load %arg5[%get3A_33, %get3A_34] : memref<128x128xf32, #tpu.memory_space<vmem>>, vector<128x128xf32>
      %swap3A_36 = arith.constant 0 : index
      %swap3A_37 = arith.constant 0 : index
      %swap3A_38 = vector.load %arg3[%swap3A_36, %swap3A_37] : memref<128x128xf32, #tpu.memory_space<vmem>>, vector<128x128xf32>
      tpu.vector_store %arg3[%swap3A_36, %swap3A_37], %get3A_35 {strides = array<i32>} : memref<128x128xf32, #tpu.memory_space<vmem>>, vector<128x128xf32>,
      %get3A_39 = arith.constant 0 : index
      %get3A_40 = arith.constant 0 : index
      %get3A_41 = vector.load %arg6[%get3A_39, %get3A_40] : memref<128x128xf32, #tpu.memory_space<vmem>>, vector<128x128xf32>
      %swap3A_42 = arith.constant 0 : index
      %swap3A_43 = arith.constant 0 : index
      %swap3A_44 = vector.load %arg4[%swap3A_42, %swap3A_43] : memref<128x128xf32, #tpu.memory_space<vmem>>, vector<128x128xf32>
      tpu.vector_store %arg4[%swap3A_42, %swap3A_43], %get3A_41 {strides = array<i32>} : memref<128x128xf32, #tpu.memory_space<vmem>>, vector<128x128xf32>,
    } else {
    }
    return
  }
  func.func @transform_0(%arg0: i32) -> (i32, i32) {
    %c0_i32 = arith.constant 0 : i32
    %c0_i32_0 = arith.constant 0 : i32
    return %arg0, %c0_i32 : i32, i32
  }
  func.func @transform_1(%arg0: i32) -> (i32, i32, i32) {
    %c0_i32 = arith.constant 0 : i32
    %c0_i32_0 = arith.constant 0 : i32
    %c0_i32_1 = arith.constant 0 : i32
    return %arg0, %c0_i32, %c0_i32_0 : i32, i32, i32
  }
  func.func @transform_2(%arg0: i32) -> (i32, i32) {
    %c0_i32 = arith.constant 0 : i32
    %c0_i32_0 = arith.constant 0 : i32
    %c0_i32_1 = arith.constant 0 : i32
    return %c0_i32, %c0_i32_0 : i32, i32
  }
  func.func @transform_3(%arg0: i32) -> (i32, i32) {
    %c0_i32 = arith.constant 0 : i32
    %c0_i32_0 = arith.constant 0 : i32
    %c0_i32_1 = arith.constant 0 : i32
    return %c0_i32, %c0_i32_0 : i32, i32
  }
}

module attributes {stable_mosaic.version = 14 : i64} {
  func.func @_tce_body(%arg0: i32, %arg1: memref<10000x128xf32, #tpu.memory_space<any>>, %arg2: memref<2x1x1x1000xf32, #tpu.memory_space<vmem>>, %arg3: memref<1x1x1000xi32, #tpu.memory_space<vmem>>, %arg4: memref<128x128xf32, #tpu.memory_space<vmem>>, %arg5: memref<128x128xf32, #tpu.memory_space<vmem>>, %arg6: memref<128x128xf32, #tpu.memory_space<vmem>>, %arg7: memref<128x384xf32, #tpu.memory_space<vmem>>, %arg8: memref<128x128xf32, #tpu.memory_space<vmem>>, %arg9: memref<128x128xf32, #tpu.memory_space<vmem>>, %arg10: memref<1x128xf32, #tpu.memory_space<vmem>>, %arg11: memref<1x128xf32, #tpu.memory_space<vmem>>, %arg12: memref<1x128xf32, #tpu.memory_space<vmem>>, %arg13: memref<128x128xf32, #tpu.memory_space<vmem>>, %arg14: memref<128x128xf32, #tpu.memory_space<vmem>>, %arg15: memref<10000x128xf32, #tpu.memory_space<vmem>>, %arg16: memref<!tpu.dma_semaphore, #tpu.memory_space<semaphore_mem>>) attributes {dimension_semantics = [#tpu.dimension_semantics<arbitrary>], iteration_bounds = array<i64: 10>, scalar_prefetch = 0 : i64, scratch_operands = 3 : i64, tpu.core_type = #tpu.core_type<tc>, window_params = [{}, {transform_indices = @transform_1, window_bounds = array<i64: 2, 1, 1, 1000>}, {transform_indices = @transform_2, window_bounds = array<i64: 1, 1, 1000>}, {pipeline_mode = #tpu.pipeline_mode<synchronous>, transform_indices = @transform_3, window_bounds = array<i64: 128, 128>}, {pipeline_mode = #tpu.pipeline_mode<synchronous>, transform_indices = @transform_4, window_bounds = array<i64: 128, 128>}, {pipeline_mode = #tpu.pipeline_mode<synchronous>, transform_indices = @transform_5, window_bounds = array<i64: 128, 128>}, {pipeline_mode = #tpu.pipeline_mode<synchronous>, transform_indices = @transform_6, window_bounds = array<i64: 128, 384>}, {pipeline_mode = #tpu.pipeline_mode<synchronous>, transform_indices = @transform_7, window_bounds = array<i64: 128, 128>}, {pipeline_mode = #tpu.pipeline_mode<synchronous>, transform_indices = @transform_8, window_bounds = array<i64: 128, 128>}, {pipeline_mode = #tpu.pipeline_mode<synchronous>, transform_indices = @transform_9, window_bounds = array<i64: 1, 128>}, {pipeline_mode = #tpu.pipeline_mode<synchronous>, transform_indices = @transform_10, window_bounds = array<i64: 1, 128>}, {pipeline_mode = #tpu.pipeline_mode<synchronous>, transform_indices = @transform_11, window_bounds = array<i64: 1, 128>}, {pipeline_mode = #tpu.pipeline_mode<synchronous>, transform_indices = @transform_12, window_bounds = array<i64: 128, 128>}]} {
    %eq3A = arith.constant 0 : i32
    %eq3A_0 = arith.cmpi eq, %arg0, %eq3A : i32
    %convert_element_type3A = arith.extui %eq3A_0 : i1 to i32
    %cond3A = arith.constant 0 : i32
    %cond3A_1 = arith.cmpi ne, %convert_element_type3A, %cond3A : i32
    scf.if %cond3A_1 {
      %broadcast_in_dim3A = arith.constant 0.000000e+00 : f32
      %broadcast_in_dim3A_41 = vector.broadcast %broadcast_in_dim3A : f32 to vector<128x128xf32>
      %swap3A_42 = arith.constant 0 : index
      %swap3A_43 = arith.constant 0 : index
      %swap3A_44 = vector.load %arg14[%swap3A_42, %swap3A_43] : memref<128x128xf32, #tpu.memory_space<vmem>>, vector<128x128xf32>
      tpu.vector_store %arg14[%swap3A_42, %swap3A_43], %broadcast_in_dim3A_41 {strides = array<i32>} : memref<128x128xf32, #tpu.memory_space<vmem>>, vector<128x128xf32>,
      tpu.enqueue_dma source(%arg1 : memref<10000x128xf32, #tpu.memory_space<any>>) target(%arg15 : memref<10000x128xf32, #tpu.memory_space<vmem>>) target_semaphore(%arg16 : memref<!tpu.dma_semaphore, #tpu.memory_space<semaphore_mem>>)
      tpu.wait_dma2 semaphore(%arg16 : memref<!tpu.dma_semaphore, #tpu.memory_space<semaphore_mem>>) src(%arg1 : memref<10000x128xf32, #tpu.memory_space<any>>) dst(%arg15 : memref<10000x128xf32, #tpu.memory_space<vmem>>)
    } else {
    }
    %get3A = arith.constant 0 : index
    %get3A_2 = arith.constant 0 : index
    %get3A_3 = arith.constant 0 : index
    %get3A_4 = vector.load %arg3[%get3A, %get3A_2, %get3A_3] : memref<1x1x1000xi32, #tpu.memory_space<vmem>>, vector<1x1x1000xi32>
    %get3A_5 = vector.shape_cast %get3A_4 : vector<1x1x1000xi32> to vector<1x1000xi32>
    %iota3A = tpu.iota {dimensions = array<i32: 0>} : vector<128x1000xi32>
    %eq3A_6 = vector.broadcast %get3A_5 : vector<1x1000xi32> to vector<128x1000xi32>
    %eq3A_7 = arith.cmpi eq, %eq3A_6, %iota3A : vector<128x1000xi32>
    %convert_element_type3A_8 = arith.extui %eq3A_7 : vector<128x1000xi1> to vector<128x1000xi32>
    %convert_element_type3A_9 = arith.sitofp %convert_element_type3A_8 : vector<128x1000xi32> to vector<128x1000xf32>
    %get3A_10 = arith.constant 0 : index
    %get3A_11 = arith.constant 0 : index
    %get3A_12 = arith.constant 0 : index
    %get3A_13 = arith.constant 0 : index
    %get3A_14 = vector.load %arg2[%get3A_10, %get3A_11, %get3A_12, %get3A_13] : memref<2x1x1x1000xf32, #tpu.memory_space<vmem>>, vector<1x1x1x1000xf32>
    %get3A_15 = vector.shape_cast %get3A_14 : vector<1x1x1x1000xf32> to vector<1x1000xf32>
    %get3A_16 = arith.constant 1 : index
    %get3A_17 = arith.constant 0 : index
    %get3A_18 = arith.constant 0 : index
    %get3A_19 = arith.constant 0 : index
    %get3A_20 = vector.load %arg2[%get3A_16, %get3A_17, %get3A_18, %get3A_19] : memref<2x1x1x1000xf32, #tpu.memory_space<vmem>>, vector<1x1x1x1000xf32>
    %get3A_21 = vector.shape_cast %get3A_20 : vector<1x1x1x1000xf32> to vector<1x1000xf32>
    %add3A = arith.addf %get3A_15, %get3A_21 : vector<1x1000xf32>
    %max3A = arith.constant 1.000000e+00 : f32
    %max3A_22 = vector.broadcast %max3A : f32 to vector<1x1000xf32>
    %max3A_23 = arith.maximumf %add3A, %max3A_22 : vector<1x1000xf32>
    %div3A = vector.broadcast %max3A_23 : vector<1x1000xf32> to vector<128x1000xf32>
    %div3A_24 = arith.divf %convert_element_type3A_9, %div3A : vector<128x1000xf32>
    %mul3A = arith.constant 1000 : i32
    %mul3A_25 = arith.muli %arg0, %mul3A : i32
    %multiple_of3A = tpu.assume_multiple %mul3A_25, 8 : i32
    %get3A_26 = arith.index_cast %multiple_of3A : i32 to index
    %get3A_27 = arith.constant 0 : index
    %get3A_28 = vector.load %arg15[%get3A_26, %get3A_27] : memref<10000x128xf32, #tpu.memory_space<vmem>>, vector<1000x128xf32>
    %get3A_29 = arith.constant 0 : index
    %get3A_30 = arith.constant 0 : index
    %get3A_31 = vector.load %arg14[%get3A_29, %get3A_30] : memref<128x128xf32, #tpu.memory_space<vmem>>, vector<128x128xf32>
    %dot_general3A = arith.constant dense<0.000000e+00> : vector<128x128xf32>
    %dot_general3A_32 = tpu.matmul %div3A_24, %get3A_28, %dot_general3A {dimension_numbers = #tpu.dot_dimension_numbers<[1], [0], [0], [1], [0, 0, 1, 1], [], []>, transpose_lhs_hint = false} : vector<128x1000xf32>, vector<1000x128xf32>, vector<128x128xf32> -> vector<128x128xf32>
    %add3A_33 = arith.addf %get3A_31, %dot_general3A_32 : vector<128x128xf32>
    %swap3A = arith.constant 0 : index
    %swap3A_34 = arith.constant 0 : index
    %swap3A_35 = vector.load %arg14[%swap3A, %swap3A_34] : memref<128x128xf32, #tpu.memory_space<vmem>>, vector<128x128xf32>
    tpu.vector_store %arg14[%swap3A, %swap3A_34], %add3A_33 {strides = array<i32>} : memref<128x128xf32, #tpu.memory_space<vmem>>, vector<128x128xf32>,
    %eq3A_36 = arith.constant 9 : i32
    %eq3A_37 = arith.cmpi eq, %arg0, %eq3A_36 : i32
    %convert_element_type3A_38 = arith.extui %eq3A_37 : i1 to i32
    %cond3A_39 = arith.constant 0 : i32
    %cond3A_40 = arith.cmpi ne, %convert_element_type3A_38, %cond3A_39 : i32
    scf.if %cond3A_40 {
      %get3A_41 = arith.constant 0 : index
      %get3A_42 = arith.constant 0 : index
      %get3A_43 = vector.load %arg5[%get3A_41, %get3A_42] : memref<128x128xf32, #tpu.memory_space<vmem>>, vector<128x128xf32>
      %max3A_44 = arith.constant 1.000000e+00 : f32
      %max3A_45 = vector.broadcast %max3A_44 : f32 to vector<128x128xf32>
      %max3A_46 = arith.maximumf %get3A_43, %max3A_45 : vector<128x128xf32>
      %get3A_47 = arith.constant 0 : index
      %get3A_48 = arith.constant 0 : index
      %get3A_49 = vector.load %arg14[%get3A_47, %get3A_48] : memref<128x128xf32, #tpu.memory_space<vmem>>, vector<128x128xf32>
      %div3A_50 = arith.divf %get3A_49, %max3A_46 : vector<128x128xf32>
      %get3A_51 = arith.constant 0 : index
      %get3A_52 = arith.constant 0 : index
      %get3A_53 = vector.load %arg4[%get3A_51, %get3A_52] : memref<128x128xf32, #tpu.memory_space<vmem>>, vector<128x128xf32>
      %div3A_54 = arith.divf %get3A_53, %max3A_46 : vector<128x128xf32>
      %get3A_55 = arith.constant 0 : index
      %get3A_56 = arith.constant 0 : index
      %get3A_57 = vector.load %arg6[%get3A_55, %get3A_56] : memref<128x128xf32, #tpu.memory_space<vmem>>, vector<128x128xf32>
      %concatenate3A = tpu.concatenate %div3A_50, %div3A_54, %get3A_57 in 1 : vector<128x128xf32>, vector<128x128xf32>, vector<128x128xf32> -> vector<128x384xf32>
      %get3A_58 = arith.constant 0 : index
      %get3A_59 = arith.constant 0 : index
      %get3A_60 = vector.load %arg7[%get3A_58, %get3A_59] : memref<128x384xf32, #tpu.memory_space<vmem>>, vector<128x384xf32>
      %dot_general3A_61 = arith.constant dense<0.000000e+00> : vector<128x128xf32>
      %dot_general3A_62 = tpu.matmul %concatenate3A, %get3A_60, %dot_general3A_61 {dimension_numbers = #tpu.dot_dimension_numbers<[1], [1], [0], [0], [0, 0, 1, 0], [], []>, transpose_lhs_hint = false} : vector<128x384xf32>, vector<128x384xf32>, vector<128x128xf32> -> vector<128x128xf32>
      %get3A_63 = arith.constant 0 : index
      %get3A_64 = arith.constant 0 : index
      %get3A_65 = vector.load %arg10[%get3A_63, %get3A_64] : memref<1x128xf32, #tpu.memory_space<vmem>>, vector<1x128xf32>
      %add3A_66 = vector.broadcast %get3A_65 : vector<1x128xf32> to vector<128x128xf32>
      %add3A_67 = arith.addf %dot_general3A_62, %add3A_66 : vector<128x128xf32>
      %max3A_68 = arith.constant 0.000000e+00 : f32
      %max3A_69 = vector.broadcast %max3A_68 : f32 to vector<128x128xf32>
      %max3A_70 = arith.maximumf %add3A_67, %max3A_69 : vector<128x128xf32>
      %get3A_71 = arith.constant 0 : index
      %get3A_72 = arith.constant 0 : index
      %get3A_73 = vector.load %arg8[%get3A_71, %get3A_72] : memref<128x128xf32, #tpu.memory_space<vmem>>, vector<128x128xf32>
      %dot_general3A_74 = arith.constant dense<0.000000e+00> : vector<128x128xf32>
      %dot_general3A_75 = tpu.matmul %max3A_70, %get3A_73, %dot_general3A_74 {dimension_numbers = #tpu.dot_dimension_numbers<[1], [1], [0], [0], [0, 0, 1, 0], [], []>, transpose_lhs_hint = false} : vector<128x128xf32>, vector<128x128xf32>, vector<128x128xf32> -> vector<128x128xf32>
      %get3A_76 = arith.constant 0 : index
      %get3A_77 = arith.constant 0 : index
      %get3A_78 = vector.load %arg11[%get3A_76, %get3A_77] : memref<1x128xf32, #tpu.memory_space<vmem>>, vector<1x128xf32>
      %add3A_79 = vector.broadcast %get3A_78 : vector<1x128xf32> to vector<128x128xf32>
      %add3A_80 = arith.addf %dot_general3A_75, %add3A_79 : vector<128x128xf32>
      %max3A_81 = arith.constant 0.000000e+00 : f32
      %max3A_82 = vector.broadcast %max3A_81 : f32 to vector<128x128xf32>
      %max3A_83 = arith.maximumf %add3A_80, %max3A_82 : vector<128x128xf32>
      %get3A_84 = arith.constant 0 : index
      %get3A_85 = arith.constant 0 : index
      %get3A_86 = vector.load %arg9[%get3A_84, %get3A_85] : memref<128x128xf32, #tpu.memory_space<vmem>>, vector<128x128xf32>
      %dot_general3A_87 = arith.constant dense<0.000000e+00> : vector<128x128xf32>
      %dot_general3A_88 = tpu.matmul %max3A_83, %get3A_86, %dot_general3A_87 {dimension_numbers = #tpu.dot_dimension_numbers<[1], [1], [0], [0], [0, 0, 1, 0], [], []>, transpose_lhs_hint = false} : vector<128x128xf32>, vector<128x128xf32>, vector<128x128xf32> -> vector<128x128xf32>
      %get3A_89 = arith.constant 0 : index
      %get3A_90 = arith.constant 0 : index
      %get3A_91 = vector.load %arg12[%get3A_89, %get3A_90] : memref<1x128xf32, #tpu.memory_space<vmem>>, vector<1x128xf32>
      %add3A_92 = vector.broadcast %get3A_91 : vector<1x128xf32> to vector<128x128xf32>
      %add3A_93 = arith.addf %dot_general3A_88, %add3A_92 : vector<128x128xf32>
      %max3A_94 = arith.constant 0.000000e+00 : f32
      %max3A_95 = vector.broadcast %max3A_94 : f32 to vector<128x128xf32>
      %max3A_96 = arith.maximumf %add3A_93, %max3A_95 : vector<128x128xf32>
      %swap3A_97 = arith.constant 0 : index
      %swap3A_98 = arith.constant 0 : index
      %swap3A_99 = vector.load %arg13[%swap3A_97, %swap3A_98] : memref<128x128xf32, #tpu.memory_space<vmem>>, vector<128x128xf32>
      tpu.vector_store %arg13[%swap3A_97, %swap3A_98], %max3A_96 {strides = array<i32>} : memref<128x128xf32, #tpu.memory_space<vmem>>, vector<128x128xf32>,
    } else {
    }
    return
  }
  func.func @transform_1(%arg0: i32) -> (i32, i32, i32, i32) {
    %c0_i32 = arith.constant 0 : i32
    %c0_i32_0 = arith.constant 0 : i32
    %c0_i32_1 = arith.constant 0 : i32
    %c0_i32_2 = arith.constant 0 : i32
    return %c0_i32, %arg0, %c0_i32_0, %c0_i32_1 : i32, i32, i32, i32
  }
  func.func @transform_2(%arg0: i32) -> (i32, i32, i32) {
    %c0_i32 = arith.constant 0 : i32
    %c0_i32_0 = arith.constant 0 : i32
    %c0_i32_1 = arith.constant 0 : i32
    return %arg0, %c0_i32, %c0_i32_0 : i32, i32, i32
  }
  func.func @transform_3(%arg0: i32) -> (i32, i32) {
    %c0_i32 = arith.constant 0 : i32
    %c0_i32_0 = arith.constant 0 : i32
    %c0_i32_1 = arith.constant 0 : i32
    return %c0_i32, %c0_i32_0 : i32, i32
  }
  func.func @transform_4(%arg0: i32) -> (i32, i32) {
    %c0_i32 = arith.constant 0 : i32
    %c0_i32_0 = arith.constant 0 : i32
    %c0_i32_1 = arith.constant 0 : i32
    return %c0_i32, %c0_i32_0 : i32, i32
  }
  func.func @transform_5(%arg0: i32) -> (i32, i32) {
    %c0_i32 = arith.constant 0 : i32
    %c0_i32_0 = arith.constant 0 : i32
    %c0_i32_1 = arith.constant 0 : i32
    return %c0_i32, %c0_i32_0 : i32, i32
  }
  func.func @transform_6(%arg0: i32) -> (i32, i32) {
    %c0_i32 = arith.constant 0 : i32
    %c0_i32_0 = arith.constant 0 : i32
    %c0_i32_1 = arith.constant 0 : i32
    return %c0_i32, %c0_i32_0 : i32, i32
  }
  func.func @transform_7(%arg0: i32) -> (i32, i32) {
    %c0_i32 = arith.constant 0 : i32
    %c0_i32_0 = arith.constant 0 : i32
    %c0_i32_1 = arith.constant 0 : i32
    return %c0_i32, %c0_i32_0 : i32, i32
  }
  func.func @transform_8(%arg0: i32) -> (i32, i32) {
    %c0_i32 = arith.constant 0 : i32
    %c0_i32_0 = arith.constant 0 : i32
    %c0_i32_1 = arith.constant 0 : i32
    return %c0_i32, %c0_i32_0 : i32, i32
  }
  func.func @transform_9(%arg0: i32) -> (i32, i32) {
    %c0_i32 = arith.constant 0 : i32
    %c0_i32_0 = arith.constant 0 : i32
    %c0_i32_1 = arith.constant 0 : i32
    return %c0_i32, %c0_i32_0 : i32, i32
  }
  func.func @transform_10(%arg0: i32) -> (i32, i32) {
    %c0_i32 = arith.constant 0 : i32
    %c0_i32_0 = arith.constant 0 : i32
    %c0_i32_1 = arith.constant 0 : i32
    return %c0_i32, %c0_i32_0 : i32, i32
  }
  func.func @transform_11(%arg0: i32) -> (i32, i32) {
    %c0_i32 = arith.constant 0 : i32
    %c0_i32_0 = arith.constant 0 : i32
    %c0_i32_1 = arith.constant 0 : i32
    return %c0_i32, %c0_i32_0 : i32, i32
  }
  func.func @transform_12(%arg0: i32) -> (i32, i32) {
    %c0_i32 = arith.constant 0 : i32
    %c0_i32_0 = arith.constant 0 : i32
    %c0_i32_1 = arith.constant 0 : i32
    return %c0_i32, %c0_i32_0 : i32, i32
  }
}

</mosaic_0001>

<sc_bundles>
// kernel: kernel.5.cloned.1.call-start
scs
__scs_entry_jumppad:
0x0: {  	(pc) =	sbr.rel $0x88, $3  }
0x1: {  	(tag) =	ssettag $0x0;
	lr =	simm.s32 $0x1  }
0x2: {  	[smem:$0x3F96] =	sst lr;
	_ =	strace $0xD0000000  }
0x3: {  	_ = 	snop  }
0x4: {  	_ = 	snop  }
0x5: {  	_ = 	snop  }
0x6: {  	_ = 	snop  }
0x7: {  	_ = 	snop  }
__scs_overlays_trampoline_lowered:
0x8: {  	[smem:$0x3FA5] =	sst s0  }
0x9: {  	[smem:$0x3FA6] =	sst s1  }
0xa: {  	[smem:$0x3FA7] =	sst s2  }
0xb: {  	[smem:$0x3FA8] =	sst s3  }
0xc: {  	[smem:$0x3FA9] =	sst s4  }
0xd: {  	[smem:$0x3FAA] =	sst s5  }
0xe: {  	[smem:$0x3FAB] =	sst s6  }
0xf: {  	[smem:$0x3FAC] =	sst s7  }
0x10: {  	[smem:$0x3FAD] =	sst s8  }
0x11: {  	[smem:$0x3FAE] =	sst s9;
	s0 =	simm.s32 @!p0 $0x0  }
0x12: {  	s1 =	sld [smem:$0x3F94];
	s0 =	simm.s32 @p0 $0x1  }
0x13: {  	[smem:$0x3FAF] =	sst s0;
	s0 =	simm.s32 @!p1 $0x0  }
0x14: {  	s2 =	sld [smem:$0x3F93];
	s0 =	simm.s32 @p1 $0x1  }
0x15: {  	[smem:$0x3FB0] =	sst s0;
	s0 =	simm.s32 @!p2 $0x0  }
0x16: {  	s3 =	sld [smem:$0x3FDB];
	s0 =	simm.s32 @p2 $0x1  }
0x17: {  	s4 =	simm.s32 $0x1BF5;
	[smem:$0x3FB2] =	sst s0  }
0x18: {  	s0 =	sld [smem:$0x3F95];
	_ =	swait.ge [sflag:s4], $0x0  }
0x19: {  	s7 =	sld [smem:$0x3F96]  }
0x1a: {  	s8 =	sadd.s32 $0xFFFFE003, lr  }
0x1b: {  	s9 =	sadd.s32 $0xFFFFFEF7, lr;
	s5 =	simm.s32 $0xFFFFFFFF;
	p2 =	slt.u32 s8, $0xFFFFF086  }
0x1c: {  	p1 =	slt.u32 s9, $0xF7A;
	s5 =	simm.s32 @!p2 $0x0  }
0x1d: {  	s5 =	simm.s32 @p1 $0x1;
	p0 =	seq.s32 s7, s2  }
0x1e: {  	s7 =	smul.u32 @!p0 $0xF7A, s2;
	p2 =	seq.s32 @!p0 s5, $0x0  }
0x1f: {  	s9 =	smul.u32 $0xF7A, s1;
	s8 =	simm.s32 @!p0 $0x1BF5;
	p2 =	por !p2, p0  }
0x20: {  	[sflag:s8] =	ssyncset.s32 @!p0 $0xFFFFF086;
	s6 =	sadd.s32 @!p0 s3, s7;
	s7 =	simm.s32 @!p0 $0x108  }
0x21: {  	s3 =	sadd.s32 s3, s9;
	s6 =	sadd.s32 @!p0 $0x88, s6;
	s7 =	simm.s32 @p2 $0x1082  }
0x22: {  	[simem:s7], [sflag:s8] =	dma.local @!p0 [hbm:s6], $0xF7A  }
0x23: {  	s9 =	sor.u32 $0xD0000000, s2;
	s6 =	simm.s32 $0x108;
	_ =	swait.ge @!p0 [sflag:s8], $0x0  }
0x24: {  	s3 =	sadd.s32 $0x88, s3;
	s6 =	simm.s32 @!p1 $0x1082;
	[sflag:s4] =	ssyncset.s32 $0xFFFFF086  }
0x25: {  	[simem:s6], [sflag:s4] =	dma.local [hbm:s3], $0xF7A  }
0x26: {  	[smem:$0x3F96] =	sst s1;
	(tag) =	ssettag s2;
	_ =	strace s9  }
0x27: {  	s1 =	sld [smem:$0x3FA6]  }
0x28: {  	s2 =	sld [smem:$0x3FA7]  }
0x29: {  	s4 =	sld [smem:$0x3FA9]  }
0x2a: {  	p0 =	seq.s32 s5, $0x0;
	s5 =	sld [smem:$0x3FAA]  }
0x2b: {  	s6 =	sld [smem:$0x3FAB]  }
0x2c: {  	s7 =	sld [smem:$0x3FAC]  }
0x2d: {  	s3 =	simm.s32 $0x108;
	s8 =	sld [smem:$0x3FAD]  }
0x2e: {  	s3 =	simm.s32 @!p0 $0x1082;
	s9 =	sld [smem:$0x3FAE]  }
0x2f: {  	lr =	sadd.s32 s0, s3;
	s0 =	sld [smem:$0x3FA5]  }
0x30: {  	s3 =	sld [smem:$0x3FA8]  }
0x31: {  	[smem:$0x3FB1] =	sst s10  }
0x32: {  	s10 =	sld [smem:$0x3FAF];
	_ =	sdelay $0x3  }
0x33: {  	p0 =	seq.s32 s10, $0x1;
	s10 =	sld [smem:$0x3FB1];
	_ =	sdelay $0x3  }
0x34: {  	[smem:$0x3FB1] =	sst s10  }
0x35: {  	s10 =	sld [smem:$0x3FB0];
	_ =	sdelay $0x3  }
0x36: {  	p1 =	seq.s32 s10, $0x1;
	s10 =	sld [smem:$0x3FB1];
	_ =	sdelay $0x3  }
0x37: {  	[smem:$0x3FB1] =	sst s10  }
0x38: {  	s10 =	sld [smem:$0x3FB2]  }
0x39: {  	_ = 	snop;
	(pc) =	sbr.ind lr, $3  }
0x3a: {  	_ = 	snop  }
0x3b: {  	_ = 	snop  }
0x3c: {  	p2 =	seq.s32 s10, $0x1;
	s10 =	sld [smem:$0x3FB1]  }
0x3d: {  	_ =	shalt  }
0x3e: {  	_ =	shalt  }
0x3f: {  	_ =	shalt  }
0x40: {  	_ =	shalt  }
0x41: {  	_ =	shalt  }
0x42: {  	_ =	shalt  }
0x43: {  	_ =	shalt  }
0x44: {  	_ =	shalt  }
0x45: {  	_ =	shalt  }
0x46: {  	_ =	shalt  }
0x47: {  	_ =	shalt  }
0x48: {  	_ =	shalt  }
0x49: {  	_ =	shalt  }
0x4a: {  	_ =	shalt  }
0x4b: {  	_ =	shalt  }
0x4c: {  	_ =	shalt  }
0x4d: {  	_ =	shalt  }
0x4e: {  	_ =	shalt  }
0x4f: {  	_ =	shalt  }
0x50: {  	_ =	shalt  }
0x51: {  	_ =	shalt  }
0x52: {  	_ =	shalt  }
0x53: {  	_ =	shalt  }
0x54: {  	_ =	shalt  }
0x55: {  	_ =	shalt  }
0x56: {  	_ =	shalt  }
0x57: {  	_ =	shalt  }
0x58: {  	_ =	shalt  }
0x59: {  	_ =	shalt  }
0x5a: {  	_ =	shalt  }
0x5b: {  	_ =	shalt  }
0x5c: {  	_ =	shalt  }
0x5d: {  	_ =	shalt  }
0x5e: {  	_ =	shalt  }
0x5f: {  	_ =	shalt  }
0x60: {  	_ =	shalt  }
0x61: {  	_ =	shalt  }
0x62: {  	_ =	shalt  }
0x63: {  	_ =	shalt  }
0x64: {  	_ =	shalt  }
0x65: {  	_ =	shalt  }
0x66: {  	_ =	shalt  }
0x67: {  	_ =	shalt  }
0x68: {  	_ =	shalt  }
0x69: {  	_ =	shalt  }
0x6a: {  	_ =	shalt  }
0x6b: {  	_ =	shalt  }
0x6c: {  	_ =	shalt  }
0x6d: {  	_ =	shalt  }
0x6e: {  	_ =	shalt  }
0x6f: {  	_ =	shalt  }
0x70: {  	_ =	shalt  }
0x71: {  	_ =	shalt  }
0x72: {  	_ =	shalt  }
0x73: {  	_ =	shalt  }
0x74: {  	_ =	shalt  }
0x75: {  	_ =	shalt  }
0x76: {  	_ =	shalt  }
0x77: {  	_ =	shalt  }
0x78: {  	_ =	shalt  }
0x79: {  	_ =	shalt  }
0x7a: {  	_ =	shalt  }
0x7b: {  	_ =	shalt  }
0x7c: {  	_ =	shalt  }
0x7d: {  	_ =	shalt  }
0x7e: {  	_ =	shalt  }
0x7f: {  	_ =	shalt  }
0x80: {  	_ =	shalt  }
0x81: {  	_ =	shalt  }
0x82: {  	_ =	shalt  }
0x83: {  	_ =	shalt  }
0x84: {  	_ =	shalt  }
0x85: {  	_ =	shalt  }
0x86: {  	_ =	shalt  }
0x87: {  	_ =	shalt  }
.Lfunc_end0:
.L_simem_size_0:
called_computation_lowered:
.L_overlay_start_0:
0x88: {  	s2 =	sld [smem:$0x3FD9]  }
0x89: {  	s3 =	sld [smem:$0x3FFE];
	_ =	sdelay $0x1  }
0x8a: {  	s1 =	srdreg.scid  }
0x8b: {  	s0 =	sand.u32 $0x1, s1  }
0x8c: {  	s17 =	sshll.u32 s0, $0xA;
	s2 =	sadd.s32 s3, s2  }
0x8d: {  	s2 =	sadd.s32 s2, s17  }
0x8e: {  	[smem:$0x3FBD] =	sst s2  }
0x8f: {  	_ = 	snop  }
0x90: {  	s2 =	sld [smem:$0x3FC7]  }
0x91: {  	s18 =	sld [smem:$0x3FD0];
	(tm) =	ssettm $0x1  }
0x92: {  	s4 =	sld [smem:$0x3FFB];
	_ =	sdelay $0x3  }
0x93: {  	_ =	strace s4  }
0x94: {  	s4 =	sld [smem:$0x3FFC];
	_ =	sdelay $0x3  }
0x95: {  	_ =	strace s4  }
0x96: {  	s4 =	sld [smem:$0x3FFD];
	_ =	sdelay $0x3  }
0x97: {  	_ =	strace s4  }
0x98: {  	_ =	strace $0x8FFFFFFF  }
0x99: {  	s19 =	sld [smem:$0x3FDB];
	_ =	sdelay $0x1  }
0x9a: {  	s5 =	simm.s32 $_scs_section_size  }
0x9b: {  	s6 =	simm.s32 $_size__tile_overlayer_lowered;
	s7 =	simm.s32 $_tile_overlayer_lowered  }
0x9c: {  	s22 =	simm.s32 $0x1BFF;
	s21 =	sshll.u32 s7, $0x1;
	s4 =	sadd.s32 s5, s19  }
0x9d: {  	s8 =	simm.s32 $0x0;
	s20 =	sshll.u32 s6, $0x1;
	s6 =	sadd.s32 s21, s4  }
0x9e: {  	[timem:s8], [sflag:s22] =	dma.local [hbm:s6], s20  }
0x9f: {  	_ =	swait.ge [sflag:s22], s20  }
0xa0: {  	s5 =	ssub.s32 $0x0, s20;
	[sflag:s22] =	ssyncset.done $0x0  }
0xa1: {  	[sflag:s22] =	ssyncadd.s32 s5;
	_ =	sdelay $0x1  }
0xa2: {  	s23 =	simm.s32 $0x1B8B  }
0xa3: {  	_ =	swait.ge [sflag:s23], $0x1  }
0xa4: {  	[sflag:s23] =	ssyncset.done $0x0  }
0xa5: {  	s25 =	simm.s32 $0x1B8E;
	s24 =	sld [smem:$0x3FFE];
	[sflag:s23] =	ssyncadd.s32 $0xFFFFFFFF  }
0xa6: {  	s26 =	simm.s32 $execute0_lowered;
	[smem:$0x3FD2] =	sst s25  }
0xa7: {  	s6 =	sshll.u32 s26, $0x1;
	_ =	strace $0x80000046;
	[dreg:$0x1] =	wrdreg $0xFFFFFFFF  }
0xa8: {  	s28 =	simm.s32 $_size_execute0_lowered;
	s4 =	sadd.s32 s4, s6;
	[dreg:$0x0] =	wrdreg $0x0  }
0xa9: {  	s6 =	sshll.u32 s28, $0x1;
	[dreg:$0x2] =	wrdreg s4  }
0xaa: {  	[dreg:$0x3] =	wrdreg s6  }
0xab: {  	[dreg:$0x4] =	wrdreg $0xC0  }
0xac: {  	_ =	task [dreg:s8], $0x5FFFF  }
0xad: {  	[dreg:$0x1] =	wrdreg $0xFFFFFFFF  }
0xae: {  	[dreg:$0x0] =	wrdreg $0x60  }
0xaf: {  	[dreg:$0x2] =	wrdreg s2  }
0xb0: {  	[dreg:$0x3] =	wrdreg s24  }
0xb1: {  	[dreg:$0x4] =	wrdreg s18  }
0xb2: {  	[dreg:$0x5] =	wrdreg $0x129800  }
0xb3: {  	[dreg:$0x6] =	wrdreg $0x1C5C00  }
0xb4: {  	[dreg:$0x7] =	wrdreg $0x9  }
0xb5: {  	_ =	task.clear_ibuf [dreg:s8], $0x8FFFF;
	_ =	strace $0x90000046  }
0xb6: {  	s29 =	simm.s32 $0x9;
	_ =	strace $0x80000048  }
0xb7: {  	_ =	swait.ge [sflag:s29], $0x1  }
0xb8: {  	[sflag:s29] =	ssyncadd.s32 $0xFFFFFFFF  }
0xb9: {  	_ =	strace $0x90000048  }
0xba: {  	_ =	sfence  }
0xbb: {  	s30 =	sld [smem:$0x0];
	_ =	sdelay $0x2  }
0xbc: {  	s31 =	sshll.u32 s1, $0xD;
	s1 =	sshrl.u32 s1, $0x2  }
0xbd: {  	s3 =	sand.u32 $0x4000, s31;
	s1 =	sadd.s32 s1, s30  }
0xbe: {  	s0 =	sor.u32 s3, s0;
	s1 =	sshll.u32 s1, $0x11  }
0xbf: {  	s0 =	sor.u32 s1, s0  }
0xc0: {  	s0 =	sadd.s32 $0x8F2B, s0  }
0xc1: {  	[sflag:s0] =	ssyncadd.remote.s32 $0x1  }
0xc2: {  	_ =	sfence.sel $0xFFFF  }
0xc3: {  	[dreg:$0x0] =	wrdreg $0xFFFFFFFF;
	(pc) =	sbr.abs _section_cstart, $3  }
0xc4: {  	[dreg:$0x1] =	wrdreg $0xFFFFFFFF  }
0xc5: {  	_ =	task.clear_ibuf [dreg:s8], $0x2FFFF;
	_ =	strace $0x9FFFFFFF  }
0xc6: {  	(tm) =	ssettm $0x7FFFFFFF  }
0xc7: {  	_ =	shalt  }
tec
execute0_lowered:
.L_overlay_start_1:
0x0: {  	(tag) =	ssettag $0x1  }
0x1: {  	s0 =	rddreg [dreg:$0x0]  }
0x2: {  	s1 =	rddreg [dreg:$0x1]  }
0x3: {  	s3 =	rddreg [dreg:$0x3]  }
0x4: {  	s4 =	rddreg [dreg:$0x4]  }
0x5: {  	s21 =	srdreg.scid;
	s5 =	stileid.u32  }
0x6: {  	s6 =	simm.s32 $0x0;
	s31 =	simm.s32 $0x40;
	s2 =	smul.u32 $0x13880, s5  }
0x7: {  	s29 =	simm.s32 $0x2000;
	s7 =	sand.u32 $0x1, s21;
	s11 =	smul.u32 $0x278, s5  }
0x8: {  	[smem:$0x7FF] =	sst s6;
	s10 =	sadd.s32 $0x1A00, s1;
	s19 =	smul.u32 $0x9C0, s5  }
0x9: {  	s12 =	sadd.s32 $0xB800, s1;
	s17 =	sadd.s32 $0xCC00, s1;
	s14 =	smul.u32 $0x270000, s5  }
0xa: {  	s20 =	smul.u32 $0x27100, s5;
	s23 =	sshll.u32 s5, $0x5;
	s26 =	sshll.u32 s5, $0xF  }
0xb: {  	p0 =	sgt.u32 s5, $0x1;
	_ =	strace $0x80000047;
	[dreg:$0x7] =	wrdreg s12  }
0xc: {  	s8 =	sshll.u32 s7, $0x6;
	s9 =	smul.u32 $0x2780, s7;
	[dreg:$0x8] =	wrdreg s17  }
0xd: {  	s18 =	ssub.s32 $0x2, s7;
	p1 =	sne.s32 s7, $0x0;
	p2 =	sne.s32 @!p0 s7, s5  }
0xe: {  	p3 =	seq.s32 s7, $0x0;
	s2 =	sor.u32 s8, s2;
	s13 =	sshrl.u32 s18, $0x1  }
0xf: {  	s12 =	sadd.s32 s10, s19;
	s22 =	sor.u32 s8, s14;
	s10 =	sadd.s32 s23, s10  }
0x10: {  	s8 =	sor.u32 s8, s26;
	s19 =	simm.s32 $0x6000;
	p4 =	por p2, p0  }
0x11: {  	s2 =	sshrl.u32 s2, $0x3;
	s9 =	sadd.s32 s11, s9;
	[dreg:$0x9] =	wrdreg s12  }
0x12: {  	s15 =	sshrl.u32 s22, $0x3;
	s16 =	sadd.s32 $0x10000, s22;
	s25 =	sadd.s32 $0x18000, s22  }
0x13: {  	s28 =	sadd.s32 $0x20000, s22;
	s8 =	sshrl.u32 s8, $0x3;
	s12 =	sadd.s32 $0x28000, s22  }
0x14: {  	s11 =	sshrl.u32 s20, $0x2;
	[dreg:$0x6] =	wrdreg s19;
	s20 =	sshll.u32 s5, $0x6  }
0x15: {  	s23 =	sadd.s32 $0x9C00, s10;
	s10 =	simm.s32 $0xA000;
	s2 =	sadd.s32 s2, s1  }
0x16: {  	s9 =	sshrl.u32 s9, $0x3;
	s17 =	sadd.s32 s0, s15;
	s24 =	sshrl.u32 s16, $0x3  }
0x17: {  	s30 =	sshrl.u32 s28, $0x3;
	s8 =	sadd.s32 s8, s0;
	s15 =	sadd.s32 $0x38000, s22  }
0x18: {  	s16 =	sadd.s32 $0x30000, s22;
	s12 =	sshrl.u32 s12, $0x3;
	s11 =	sadd.s32 s11, s3  }
0x19: {  	[dreg:$0x14] =	wrdreg s23;
	s1 =	sadd.s32 s9, s1;
	s9 =	ssub.s32 s18, s13  }
0x1a: {  	v0 =	vlaneseq.u32;
	s13 =	smul.u32 $0x4E20, s5;
	s14 =	sadd.s32 s0, s24;
	[dreg:$0x11] =	wrdreg s11  }
0x1b: {  	v0 =	vmul.u32 $0x8, v0;
	s18 =	sshrl.u32 s16, $0x3;
	s24 =	sadd.s32 $0x4E0000, s8;
	[dreg:$0xa] =	wrdreg s17  }
0x1c: {  	s16 =	simm.s32 $0x7;
	s8 =	simm.s32 $0x3;
	[dreg:$0xb] =	wrdreg s14  }
0x1d: {  	v1 =	vor.u32 $0x80, v0;
	v2 =	vor.u32 $0x100, v0;
	v3 =	vor.u32 $0x180, v0;
	s14 =	sshrl.u32 s25, $0x3;
	[dreg:$0x15] =	wrdreg s24;
	s25 =	sadd.s32 $0xD800, s2  }
0x1e: {  	v4 =	vor.u32 $0x200, v0;
	v5 =	vor.u32 $0x280, v0;
	v6 =	vor.u32 $0x300, v0;
	s11 =	simm.s32 $0x4;
	s26 =	sadd.s32 $0xCE00, s1;
	[dreg:$0x16] =	wrdreg s25  }
0x1f: {  	v7 =	vor.u32 $0x380, v0;
	v8 =	vor.u32 $0x400, v0;
	v9 =	vor.u32 $0x480, v0;
	s28 =	smax.u32 s9, $0x1;
	s2 =	simm.s32 $0x4000;
	[dreg:$0x17] =	wrdreg s26  }
0x20: {  	v10 =	vor.u32 $0x500, v0;
	v11 =	vor.u32 $0x580, v0;
	v12 =	vor.u32 $0x600, v0;
	s1 =	simm.s32 $0x1;
	s14 =	sadd.s32 s0, s14;
	[dreg:$0x18] =	wrdreg s28  }
0x21: {  	v13 =	vor.u32 $0x680, v0;
	v14 =	vor.u32 $0x700, v0;
	v15 =	vor.u32 $0x780, v0;
	s9 =	simm.s32 $0x8000;
	[dreg:$0xc] =	wrdreg s14;
	s14 =	sadd.s32 s0, s30  }
0x22: {  	v16 =	vor.u32 $0x800, v0;
	v17 =	vor.u32 $0x880, v0;
	v18 =	vor.u32 $0x900, v0;
	s22 =	sshrl.u32 s13, $0x2;
	s30 =	sadd.s32 $0x1000, s17;
	[dreg:$0xd] =	wrdreg s14  }
0x23: {  	v19 =	vor.u32 $0x980, v0;
	v20 =	vor.u32 $0xA00, v0;
	v21 =	vor.u32 $0xA80, v0;
	s14 =	sshrl.u32 s15, $0x3;
	s15 =	sor.u32 $0x1C07, s20;
	[dreg:$0x19] =	wrdreg s30  }
0x24: {  	v22 =	vor.u32 $0xB00, v0;
	v23 =	vor.u32 $0xB80, v0;
	v24 =	vor.u32 $0xC00, v0;
	s13 =	simm.s32 $0x6;
	s14 =	sadd.s32 s14, s0;
	[dreg:$0x12] =	wrdreg s15  }
0x25: {  	v25 =	vor.u32 $0xC80, v0;
	v26 =	vor.u32 $0xD00, v0;
	v27 =	vor.u32 $0xD80, v0;
	s17 =	simm.s32 $0x0;
	[dreg:$0xe] =	wrdreg s14;
	s14 =	sadd.s32 s18, s0  }
0x26: {  	v28 =	vor.u32 $0xE00, v0;
	v29 =	vor.u32 $0xE80, v0;
	v30 =	vor.u32 $0xF00, v0;
	s0 =	sadd.s32 s12, s0;
	s12 =	sadd.s32 s22, s4;
	[dreg:$0xf] =	wrdreg s14  }
0x27: {  	v31 =	vor.u32 $0xF80, v0;
	v32 =	vor.u32 $0x1000, v0;
	v33 =	vor.u32 $0x1080, v0;
	s18 =	simm.s32 $0x5;
	[dreg:$0x10] =	wrdreg s0;
	s0 =	simm.s32 @!p3 $0x0  }
0x28: {  	v34 =	vor.u32 $0x1100, v0;
	v35 =	vor.u32 $0x1180, v0;
	v36 =	vor.u32 $0x1200, v0;
	s14 =	simm.s32 $0x2;
	[dreg:$0x13] =	wrdreg s12;
	s0 =	simm.s32 @p3 $0x1  }
0x29: {  	v37 =	vor.u32 $0x1280, v0;
	v38 =	vor.u32 $0x1300, v0;
	v39 =	vor.u32 $0x1380, v0;
	p3 =	por !p2, p0;
	[smem:$0x7FD] =	sst s0;
	s0 =	simm.s32 $0x80  }
.LBB2_1:
0x2a: {  	[dreg:$0x1a] =	wrdreg s17  }
0x2b: {  	s5 =	rddreg [dreg:$0x11]  }
0x2c: {  	s22 =	rddreg [dreg:$0x7];
	s20 =	sshrl.u32 s5, $0x3  }
0x2d: {  	[dreg:$0x1b] =	wrdreg s20  }
0x2e: {  	[spmem:s20], [sflag:s15] =	dma.local [hbm:s22], $0x1388  }
0x2f: {  	_ =	swait.ge [sflag:s16], $0x1388  }
0x30: {  	[sflag:s16] =	ssyncset.done $0x0  }
0x31: {  	[sflag:s16] =	ssyncadd.s32 $0xFFFFEC78  }
0x32: {  	s12 =	sshrl.u32 s12, $0x3;
	s23 =	rddreg [dreg:$0x2]  }
0x33: {  	[spmem:s12], [sflag:s15] =	dma.local [hbm:s23], $0x271  }
0x34: {  	_ =	swait.ge [sflag:s16], $0x271  }
0x35: {  	[sflag:s16] =	ssyncset.done $0x0  }
0x36: {  	s25 =	simm.s32 $0x10F00;
	s24 =	rddreg [dreg:$0x8];
	[sflag:s16] =	ssyncadd.s32 $0xFFFFFD8F  }
0x37: {  	[tilespmem:s25], [sflag:$0x7] =	stream.linear.gather [hbm4b:s24+s6], $0x400, $0x38;
	[tilespmem:$0x1D948] =	vst v63  }
0x38: {  	_ =	swait.ge [sflag:s16], $0x400  }
0x39: {  	[sflag:s16] =	ssyncset.done $0x0  }
0x3a: {  	s28 =	simm.s32 $0xC000;
	s26 =	rddreg [dreg:$0x9];
	[sflag:s16] =	ssyncadd.s32 $0xFFFFFC00  }
0x3b: {  	[tilespmem:s28], [sflag:$0x7] =	stream.linear.gather [hbm4b:s26+s6], $0x4E00, $0x38;
	[tilespmem:$0x1D948] =	vst v63  }
0x3c: {  	_ =	swait.ge [sflag:s16], $0x4E00  }
0x3d: {  	s12 =	simm.s32 @!p0 $0x0;
	[sflag:s16] =	ssyncset.done $0x0  }
0x3e: {  	s15 =	simm.s32 @!p0 $0x10E00;
	s5 =	rddreg [dreg:$0x14];
	[sflag:s16] =	ssyncadd.s32 $0xFFFFB200  }
0x3f: {  	[tilespmem:s15], [sflag:$0x7] =	stream.linear.gather @!p0 [hbm4b:s5+s12], $0x100, $0x38;
	[tilespmem:$0x1D948] =	vst v63  }
0x40: {  	s12 =	simm.s32 @!p0 $0x7  }
0x41: {  	_ =	swait.ge @!p0 [sflag:s12], $0x100  }
0x42: {  	[sflag:s12] =	ssyncset.done @!p0 $0x0  }
0x43: {  	[sflag:s12] =	ssyncadd.s32 @!p0 $0xFFFFFF00  }
0x44: {  	[bflag:$0x0] =	sbarrier.arrive $0xFFFF  }
0x45: {  	s12 =	rddreg [dreg:$0xa]  }
0x46: {  	[tilespmem:s6], [sflag:$0x1] =	stream.strided.gather [hbm4b:s12+s31], $0x4000, s0, s31, $0x38;
	[tilespmem:$0x1D948] =	vst v63  }
0x47: {  	s15 =	rddreg [dreg:$0x19]  }
0x48: {  	[tilespmem:s2], [sflag:$0x2] =	stream.strided.gather [hbm4b:s15+s31], $0x4000, s0, s31, $0x38;
	[tilespmem:$0x1D948] =	vst v63  }
0x49: {  	_ =	swait.ge [sflag:s1], $0x4000  }
0x4a: {  	[sflag:s1] =	ssyncset.done $0x0  }
0x4b: {  	[sflag:s1] =	ssyncadd.s32 $0xFFFFC000  }
0x4c: {  	[spmem:s3] =	stream.indirect.scatter.add.f32 [tilespmem:s6], [sflag:$0x4], $0x40, s28, s0, $0xb8;
	[tilespmem:$0x1D948] =	vst v63  }
0x4d: {  	s16 =	simm.s32 $0xC080;
	s12 =	simm.s32 @p1 $0x40  }
0x4e: {  	[spmem:s3] =	stream.indirect.scatter.add.f32 [tilespmem:s29], [sflag:$0x4], $0x40, s16, s0, $0xb8;
	[tilespmem:$0x1D948] =	vst v63  }
0x4f: {  	s15 =	simm.s32 @p1 $0x80;
	s5 =	rddreg [dreg:$0xb];
	s16 =	simm.s32 @p1 $0x8000  }
0x50: {  	[tilespmem:s16], [sflag:$0x3] =	stream.strided.gather @p1 [hbm4b:s5+s12], $0x4000, s15, s12, $0x38;
	[tilespmem:$0x1D948] =	vst v63  }
0x51: {  	s12 =	simm.s32 @p1 $0x2  }
0x52: {  	_ =	swait.ge @p1 [sflag:s12], $0x4000  }
0x53: {  	[sflag:s12] =	ssyncset.done @p1 $0x0  }
0x54: {  	s16 =	simm.s32 @p1 $0x4000;
	[sflag:s12] =	ssyncadd.s32 @p1 $0xFFFFC000;
	s12 =	simm.s32 @p1 $0xC100  }
0x55: {  	[spmem:s3] =	stream.indirect.scatter.add.f32 @p1 [tilespmem:s16], [sflag:$0x5], $0x40, s12, s15, $0xb8;
	[tilespmem:$0x1D948] =	vst v63  }
0x56: {  	s17 =	simm.s32 @p1 $0x6000;
	s16 =	simm.s32 @p1 $0xC180  }
0x57: {  	[spmem:s3] =	stream.indirect.scatter.add.f32 @p1 [tilespmem:s17], [sflag:$0x5], $0x40, s16, s15, $0xb8;
	[tilespmem:$0x1D948] =	vst v63  }
0x58: {  	s17 =	simm.s32 @p1 $0x10F00  }
0x59: {  	[spmem:s4] =	stream.indirect.scatter.add.f32 @p1 [tilespmem:s17], [sflag:$0x5], $0x8, s12, s15, $0xb8;
	[tilespmem:$0x1D948] =	vst v63  }
0x5a: {  	s12 =	simm.s32 @p1 $0x4  }
0x5b: {  	[spmem:s4] =	stream.indirect.scatter.add.f32 @p1 [tilespmem:s17], [sflag:$0x5], $0x8, s16, s15, $0xb8;
	[tilespmem:$0x1D948] =	vst v63  }
0x5c: {  	_ =	swait.ge @p1 [sflag:s12], $0x2000  }
0x5d: {  	[sflag:s12] =	ssyncset.done @p1 $0x0  }
0x5e: {  	[sflag:s12] =	ssyncadd.s32 @p1 $0xFFFFE000  }
0x5f: {  	_ =	swait.ge @p1 [sflag:s12], $0x2000  }
0x60: {  	s15 =	simm.s32 @!p1 $0xC000;
	[sflag:s12] =	ssyncset.done @p1 $0x0  }
0x61: {  	s16 =	simm.s32 @!p1 $0x10F00;
	[sflag:s12] =	ssyncadd.s32 @p1 $0xFFFFE000;
	s12 =	simm.s32 @!p1 $0x80  }
0x62: {  	[spmem:s4] =	stream.indirect.scatter.add.f32 @!p1 [tilespmem:s16], [sflag:$0x4], $0x8, s15, s12, $0xb8;
	[tilespmem:$0x1D948] =	vst v63  }
0x63: {  	s15 =	simm.s32 @!p1 $0xC080  }
0x64: {  	[spmem:s4] =	stream.indirect.scatter.add.f32 @!p1 [tilespmem:s16], [sflag:$0x4], $0x8, s15, s12, $0xb8;
	[tilespmem:$0x1D948] =	vst v63  }
0x65: {  	s17 =	simm.s32 @!p1 $0x8000;
	s15 =	simm.s32 @!p1 $0x40  }
0x66: {  	[tilespmem:s17], [sflag:$0x3] =	stream.strided.gather @!p1 [hbm4b:s5+s15], $0x4000, s12, s15, $0x38;
	[tilespmem:$0x1D948] =	vst v63  }
0x67: {  	s15 =	simm.s32 @!p1 $0x2  }
0x68: {  	_ =	swait.ge @!p1 [sflag:s15], $0x4000  }
0x69: {  	[sflag:s15] =	ssyncset.done @!p1 $0x0  }
0x6a: {  	s17 =	simm.s32 @!p1 $0x4000;
	[sflag:s15] =	ssyncadd.s32 @!p1 $0xFFFFC000;
	s15 =	simm.s32 @!p1 $0xC100  }
0x6b: {  	[spmem:s3] =	stream.indirect.scatter.add.f32 @!p1 [tilespmem:s17], [sflag:$0x5], $0x40, s15, s12, $0xb8;
	[tilespmem:$0x1D948] =	vst v63  }
0x6c: {  	s15 =	simm.s32 @!p1 $0xC180;
	s17 =	simm.s32 @!p1 $0x6000  }
0x6d: {  	[spmem:s3] =	stream.indirect.scatter.add.f32 @!p1 [tilespmem:s17], [sflag:$0x5], $0x40, s15, s12, $0xb8;
	[tilespmem:$0x1D948] =	vst v63  }
0x6e: {  	s15 =	simm.s32 @!p1 $0x4  }
0x6f: {  	_ =	swait.ge @!p1 [sflag:s15], $0x2000  }
0x70: {  	[sflag:s15] =	ssyncset.done @!p1 $0x0  }
0x71: {  	[sflag:s15] =	ssyncadd.s32 @!p1 $0xFFFFE000  }
0x72: {  	_ =	swait.ge @!p1 [sflag:s15], $0x2000  }
0x73: {  	[sflag:s15] =	ssyncset.done @!p1 $0x0  }
0x74: {  	[sflag:s15] =	ssyncadd.s32 @!p1 $0xFFFFE000  }
0x75: {  	_ =	swait.ge @!p1 [sflag:s15], $0x400  }
0x76: {  	[sflag:s15] =	ssyncset.done @!p1 $0x0  }
0x77: {  	[sflag:s15] =	ssyncadd.s32 @!p1 $0xFFFFFC00  }
0x78: {  	_ =	swait.ge @!p1 [sflag:s15], $0x400  }
0x79: {  	[sflag:s15] =	ssyncset.done @!p1 $0x0  }
0x7a: {  	s17 =	rddreg [dreg:$0xc];
	[sflag:s15] =	ssyncadd.s32 @!p1 $0xFFFFFC00  }
0x7b: {  	[tilespmem:s6], [sflag:$0x1] =	stream.strided.gather [hbm4b:s17+s31], $0x4000, s0, s31, $0x38;
	[tilespmem:$0x1D948] =	vst v63  }
0x7c: {  	_ =	swait.ge [sflag:s8], $0x4000  }
0x7d: {  	[sflag:s8] =	ssyncset.done $0x0  }
0x7e: {  	s19 =	simm.s32 $0xC200;
	[sflag:s8] =	ssyncadd.s32 $0xFFFFC000  }
0x7f: {  	[spmem:s3] =	stream.indirect.scatter.add.f32 [tilespmem:s9], [sflag:$0x6], $0x40, s19, s0, $0xb8;
	[tilespmem:$0x1D948] =	vst v63  }
0x80: {  	s20 =	simm.s32 $0xC280;
	s15 =	simm.s32 @p1 $0x5  }
0x81: {  	[spmem:s3] =	stream.indirect.scatter.add.f32 [tilespmem:s10], [sflag:$0x6], $0x40, s20, s0, $0xb8;
	[tilespmem:$0x1D948] =	vst v63  }
0x82: {  	_ =	swait.ge @p1 [sflag:s15], $0x2000  }
0x83: {  	[sflag:s15] =	ssyncset.done @p1 $0x0  }
0x84: {  	[sflag:s15] =	ssyncadd.s32 @p1 $0xFFFFE000  }
0x85: {  	_ =	swait.ge @p1 [sflag:s15], $0x2000  }
0x86: {  	[sflag:s15] =	ssyncset.done @p1 $0x0  }
0x87: {  	[sflag:s15] =	ssyncadd.s32 @p1 $0xFFFFE000  }
0x88: {  	_ =	swait.ge @p1 [sflag:s15], $0x400  }
0x89: {  	[sflag:s15] =	ssyncset.done @p1 $0x0  }
0x8a: {  	[sflag:s15] =	ssyncadd.s32 @p1 $0xFFFFFC00  }
0x8b: {  	_ =	swait.ge @p1 [sflag:s15], $0x400  }
0x8c: {  	[sflag:s15] =	ssyncset.done @p1 $0x0  }
0x8d: {  	[sflag:s15] =	ssyncadd.s32 @p1 $0xFFFFFC00;
	s15 =	simm.s32 @!p1 $0xC200  }
0x8e: {  	[spmem:s4] =	stream.indirect.scatter.add.f32 @!p1 [tilespmem:s16], [sflag:$0x6], $0x8, s15, s12, $0xb8;
	[tilespmem:$0x1D948] =	vst v63  }
0x8f: {  	s15 =	simm.s32 @!p1 $0xC280  }
0x90: {  	[spmem:s4] =	stream.indirect.scatter.add.f32 @!p1 [tilespmem:s16], [sflag:$0x6], $0x8, s15, s12, $0xb8;
	[tilespmem:$0x1D948] =	vst v63  }
0x91: {  	s12 =	simm.s32 @!p1 $0x5  }
0x92: {  	_ =	swait.ge @!p1 [sflag:s12], $0x2000  }
0x93: {  	[sflag:s12] =	ssyncset.done @!p1 $0x0  }
0x94: {  	[sflag:s12] =	ssyncadd.s32 @!p1 $0xFFFFE000  }
0x95: {  	_ =	swait.ge @!p1 [sflag:s12], $0x2000  }
0x96: {  	[sflag:s12] =	ssyncset.done @!p1 $0x0  }
0x97: {  	s22 =	rddreg [dreg:$0xd];
	[sflag:s12] =	ssyncadd.s32 @!p1 $0xFFFFE000  }
0x98: {  	[tilespmem:s2], [sflag:$0x2] =	stream.strided.gather [hbm4b:s22+s31], $0x4000, s0, s31, $0x38;
	[tilespmem:$0x1D948] =	vst v63  }
0x99: {  	_ =	swait.ge [sflag:s1], $0x4000  }
0x9a: {  	s23 =	simm.s32 $0x3;
	[sflag:s1] =	ssyncset.done $0x0  }
0x9b: {  	s24 =	sand.u32 $0x1, s23;
	s15 =	simm.s32 $0xC300;
	[sflag:s1] =	ssyncadd.s32 $0xFFFFC000  }
0x9c: {  	[spmem:s3] =	stream.indirect.scatter.add.f32 [tilespmem:s6], [sflag:$0x4], $0x40, s15, s0, $0xb8;
	[tilespmem:$0x1D948] =	vst v63  }
0x9d: {  	p5 =	sne.s32 s7, s24;
	s17 =	simm.s32 $0xC380  }
0x9e: {  	[spmem:s3] =	stream.indirect.scatter.add.f32 [tilespmem:s29], [sflag:$0x4], $0x40, s17, s0, $0xb8;
	[tilespmem:$0x1D948] =	vst v63  }
0x9f: {  	s19 =	simm.s32 @!p5 $0x10F00;
	s16 =	simm.s32 @!p5 $0x80  }
0xa0: {  	[spmem:s4] =	stream.indirect.scatter.add.f32 @!p5 [tilespmem:s19], [sflag:$0x4], $0x8, s15, s16, $0xb8;
	[tilespmem:$0x1D948] =	vst v63  }
0xa1: {  	_ = 	snop  }
0xa2: {  	[spmem:s4] =	stream.indirect.scatter.add.f32 @!p5 [tilespmem:s19], [sflag:$0x4], $0x8, s17, s16, $0xb8;
	[tilespmem:$0x1D948] =	vst v63  }
0xa3: {  	_ =	swait.ge [sflag:s13], $0x2000  }
0xa4: {  	[sflag:s13] =	ssyncset.done $0x0  }
0xa5: {  	[sflag:s13] =	ssyncadd.s32 $0xFFFFE000  }
0xa6: {  	s25 =	sand.u32 $0x1, s11;
	_ =	swait.ge [sflag:s13], $0x2000  }
0xa7: {  	p2 =	sne.s32 s7, s25;
	[sflag:s13] =	ssyncset.done $0x0  }
0xa8: {  	s15 =	simm.s32 @!p2 $0x6;
	[sflag:s13] =	ssyncadd.s32 $0xFFFFE000  }
0xa9: {  	_ =	swait.ge @!p2 [sflag:s15], $0x400  }
0xaa: {  	[sflag:s15] =	ssyncset.done @!p2 $0x0  }
0xab: {  	[sflag:s15] =	ssyncadd.s32 @!p2 $0xFFFFFC00  }
0xac: {  	_ =	swait.ge @!p2 [sflag:s15], $0x400  }
0xad: {  	[sflag:s15] =	ssyncset.done @!p2 $0x0  }
0xae: {  	s22 =	rddreg [dreg:$0x10];
	[sflag:s15] =	ssyncadd.s32 @!p2 $0xFFFFFC00  }
0xaf: {  	[tilespmem:s9], [sflag:$0x3] =	stream.strided.gather [hbm4b:s22+s31], $0x4000, s0, s31, $0x38;
	[tilespmem:$0x1D948] =	vst v63  }
0xb0: {  	_ =	swait.ge [sflag:s14], $0x4000  }
0xb1: {  	[sflag:s14] =	ssyncset.done $0x0  }
0xb2: {  	s15 =	simm.s32 $0xC400;
	[sflag:s14] =	ssyncadd.s32 $0xFFFFC000  }
0xb3: {  	[spmem:s3] =	stream.indirect.scatter.add.f32 [tilespmem:s2], [sflag:$0x5], $0x40, s15, s0, $0xb8;
	[tilespmem:$0x1D948] =	vst v63  }
0xb4: {  	s20 =	simm.s32 $0xC480;
	s26 =	rddreg [dreg:$0x6]  }
0xb5: {  	[spmem:s3] =	stream.indirect.scatter.add.f32 [tilespmem:s26], [sflag:$0x5], $0x40, s20, s0, $0xb8;
	[tilespmem:$0x1D948] =	vst v63  }
0xb6: {  	s24 =	simm.s32 @!p2 $0x10F00;
	s17 =	simm.s32 @!p2 $0x80  }
0xb7: {  	[spmem:s4] =	stream.indirect.scatter.add.f32 @!p2 [tilespmem:s24], [sflag:$0x5], $0x8, s15, s17, $0xb8;
	[tilespmem:$0x1D948] =	vst v63  }
0xb8: {  	_ = 	snop  }
0xb9: {  	[spmem:s4] =	stream.indirect.scatter.add.f32 @!p2 [tilespmem:s24], [sflag:$0x5], $0x8, s20, s17, $0xb8;
	[tilespmem:$0x1D948] =	vst v63  }
0xba: {  	_ =	swait.ge [sflag:s11], $0x2000  }
0xbb: {  	[sflag:s11] =	ssyncset.done $0x0  }
0xbc: {  	[sflag:s11] =	ssyncadd.s32 $0xFFFFE000  }
0xbd: {  	_ =	swait.ge [sflag:s11], $0x2000  }
0xbe: {  	[sflag:s11] =	ssyncset.done $0x0  }
0xbf: {  	s15 =	simm.s32 @!p5 $0x4;
	[sflag:s11] =	ssyncadd.s32 $0xFFFFE000  }
0xc0: {  	_ =	swait.ge @!p5 [sflag:s15], $0x400  }
0xc1: {  	[sflag:s15] =	ssyncset.done @!p5 $0x0  }
0xc2: {  	[sflag:s15] =	ssyncadd.s32 @!p5 $0xFFFFFC00  }
0xc3: {  	_ =	swait.ge @!p5 [sflag:s15], $0x400  }
0xc4: {  	[sflag:s15] =	ssyncset.done @!p5 $0x0  }
0xc5: {  	s28 =	rddreg [dreg:$0xf];
	[sflag:s15] =	ssyncadd.s32 @!p5 $0xFFFFFC00  }
0xc6: {  	[tilespmem:s6], [sflag:$0x1] =	stream.strided.gather [hbm4b:s28+s31], $0x4000, s0, s31, $0x38;
	[tilespmem:$0x1D948] =	vst v63  }
0xc7: {  	_ =	swait.ge [sflag:s8], $0x4000  }
0xc8: {  	[sflag:s8] =	ssyncset.done $0x0  }
0xc9: {  	s15 =	simm.s32 $0xC500;
	[sflag:s8] =	ssyncadd.s32 $0xFFFFC000  }
0xca: {  	[spmem:s3] =	stream.indirect.scatter.add.f32 [tilespmem:s9], [sflag:$0x6], $0x40, s15, s0, $0xb8;
	[tilespmem:$0x1D948] =	vst v63  }
0xcb: {  	s17 =	simm.s32 $0xC580  }
0xcc: {  	[spmem:s3] =	stream.indirect.scatter.add.f32 [tilespmem:s10], [sflag:$0x6], $0x40, s17, s0, $0xb8;
	[tilespmem:$0x1D948] =	vst v63  }
0xcd: {  	_ = 	snop  }
0xce: {  	[spmem:s4] =	stream.indirect.scatter.add.f32 @!p5 [tilespmem:s19], [sflag:$0x6], $0x8, s15, s16, $0xb8;
	[tilespmem:$0x1D948] =	vst v63  }
0xcf: {  	_ = 	snop  }
0xd0: {  	[spmem:s4] =	stream.indirect.scatter.add.f32 @!p5 [tilespmem:s19], [sflag:$0x6], $0x8, s17, s16, $0xb8;
	[tilespmem:$0x1D948] =	vst v63  }
0xd1: {  	_ =	swait.ge [sflag:s18], $0x2000  }
0xd2: {  	[sflag:s18] =	ssyncset.done $0x0  }
0xd3: {  	s12 =	sxor.u32 s21, s23;
	[sflag:s18] =	ssyncadd.s32 $0xFFFFE000  }
0xd4: {  	s12 =	sand.u32 $0x1, s12;
	_ =	swait.ge [sflag:s18], $0x2000  }
0xd5: {  	p2 =	seq.s32 s12, $0x0;
	[sflag:s18] =	ssyncset.done $0x0  }
0xd6: {  	s16 =	simm.s32 @!p2 $0x5;
	[sflag:s18] =	ssyncadd.s32 $0xFFFFE000  }
0xd7: {  	_ =	swait.ge @!p2 [sflag:s16], $0x400  }
0xd8: {  	[sflag:s16] =	ssyncset.done @!p2 $0x0  }
0xd9: {  	[sflag:s16] =	ssyncadd.s32 @!p2 $0xFFFFFC00  }
0xda: {  	s25 =	sadd.s32 $0x3000, s22;
	_ =	swait.ge @!p2 [sflag:s16], $0x400  }
0xdb: {  	s24 =	simm.s32 $0xC00;
	s12 =	simm.s32 $0x4;
	s15 =	rddreg [dreg:$0xe]  }
0xdc: {  	s26 =	sadd.s32 $0x3000, s28;
	[sflag:s16] =	ssyncset.done @!p2 $0x0;
	s30 =	sadd.s32 $0x3000, s15  }
.LBB2_2:
0xdd: {  	[sflag:s16] =	ssyncadd.s32 @!p2 $0xFFFFFC00  }
0xde: {  	[tilespmem:s2], [sflag:$0x2] =	stream.strided.gather [hbm4b:s15+s31], $0x4000, s0, s31, $0x38;
	[tilespmem:$0x1D948] =	vst v63  }
0xdf: {  	s12 =	sadd.s32 $0x3, s12;
	s17 =	smov.u32 s24;
	_ =	swait.ge [sflag:s1], $0x4000  }
0xe0: {  	s17 =	sshra.s32 s17, $0x2;
	s19 =	sadd.s32 $0xFFFFFFFF, s12;
	[sflag:s1] =	ssyncset.done $0x0  }
0xe1: {  	s23 =	sadd.s32 $0xC300, s17;
	s20 =	sand.u32 $0x1, s19;
	[sflag:s1] =	ssyncadd.s32 $0xFFFFC000  }
0xe2: {  	[spmem:s3] =	stream.indirect.scatter.add.f32 [tilespmem:s6], [sflag:$0x4], $0x40, s23, s0, $0xb8;
	[tilespmem:$0x1D948] =	vst v63  }
0xe3: {  	s22 =	sadd.s32 $0xC380, s17;
	p6 =	sne.s32 s7, s20  }
0xe4: {  	[spmem:s3] =	stream.indirect.scatter.add.f32 [tilespmem:s29], [sflag:$0x4], $0x40, s22, s0, $0xb8;
	[tilespmem:$0x1D948] =	vst v63  }
0xe5: {  	s21 =	sxor.u32 s21, s19;
	s20 =	simm.s32 @!p6 $0x80;
	s19 =	simm.s32 @!p6 $0x10F00  }
0xe6: {  	[spmem:s4] =	stream.indirect.scatter.add.f32 @!p6 [tilespmem:s19], [sflag:$0x4], $0x8, s23, s20, $0xb8;
	[tilespmem:$0x1D948] =	vst v63  }
0xe7: {  	_ = 	snop  }
0xe8: {  	[spmem:s4] =	stream.indirect.scatter.add.f32 @!p6 [tilespmem:s19], [sflag:$0x4], $0x8, s22, s20, $0xb8;
	[tilespmem:$0x1D948] =	vst v63  }
0xe9: {  	_ =	swait.ge [sflag:s13], $0x2000  }
0xea: {  	[sflag:s13] =	ssyncset.done $0x0  }
0xeb: {  	[sflag:s13] =	ssyncadd.s32 $0xFFFFE000  }
0xec: {  	s28 =	sand.u32 $0x1, s12;
	_ =	swait.ge [sflag:s13], $0x2000  }
0xed: {  	p2 =	sne.s32 s7, s28;
	[sflag:s13] =	ssyncset.done $0x0  }
0xee: {  	s22 =	simm.s32 @!p2 $0x6;
	[sflag:s13] =	ssyncadd.s32 $0xFFFFE000  }
0xef: {  	_ =	swait.ge @!p2 [sflag:s22], $0x400  }
0xf0: {  	[sflag:s22] =	ssyncset.done @!p2 $0x0  }
0xf1: {  	[sflag:s22] =	ssyncadd.s32 @!p2 $0xFFFFFC00  }
0xf2: {  	_ =	swait.ge @!p2 [sflag:s22], $0x400  }
0xf3: {  	[sflag:s22] =	ssyncset.done @!p2 $0x0  }
0xf4: {  	[sflag:s22] =	ssyncadd.s32 @!p2 $0xFFFFFC00  }
0xf5: {  	[tilespmem:s9], [sflag:$0x3] =	stream.strided.gather [hbm4b:s25+s31], $0x4000, s0, s31, $0x38;
	[tilespmem:$0x1D948] =	vst v63  }
0xf6: {  	_ =	swait.ge [sflag:s14], $0x4000  }
0xf7: {  	[sflag:s14] =	ssyncset.done $0x0  }
0xf8: {  	s22 =	sadd.s32 $0xC400, s17;
	[sflag:s14] =	ssyncadd.s32 $0xFFFFC000  }
0xf9: {  	[spmem:s3] =	stream.indirect.scatter.add.f32 [tilespmem:s2], [sflag:$0x5], $0x40, s22, s0, $0xb8;
	[tilespmem:$0x1D948] =	vst v63  }
0xfa: {  	s28 =	sadd.s32 $0xC480, s17;
	s23 =	rddreg [dreg:$0x6]  }
0xfb: {  	[spmem:s3] =	stream.indirect.scatter.add.f32 [tilespmem:s23], [sflag:$0x5], $0x40, s28, s0, $0xb8;
	[tilespmem:$0x1D948] =	vst v63  }
0xfc: {  	s16 =	sand.u32 $0x1, s21;
	s21 =	simm.s32 @!p2 $0x80;
	s5 =	simm.s32 @!p2 $0x10F00  }
0xfd: {  	[spmem:s4] =	stream.indirect.scatter.add.f32 @!p2 [tilespmem:s5], [sflag:$0x5], $0x8, s22, s21, $0xb8;
	[tilespmem:$0x1D948] =	vst v63  }
0xfe: {  	_ = 	snop  }
0xff: {  	[spmem:s4] =	stream.indirect.scatter.add.f32 @!p2 [tilespmem:s5], [sflag:$0x5], $0x8, s28, s21, $0xb8;
	[tilespmem:$0x1D948] =	vst v63  }
0x100: {  	_ =	swait.ge [sflag:s11], $0x2000  }
0x101: {  	[sflag:s11] =	ssyncset.done $0x0  }
0x102: {  	[sflag:s11] =	ssyncadd.s32 $0xFFFFE000  }
0x103: {  	_ =	swait.ge [sflag:s11], $0x2000  }
0x104: {  	[sflag:s11] =	ssyncset.done $0x0  }
0x105: {  	s5 =	simm.s32 @!p6 $0x4;
	[sflag:s11] =	ssyncadd.s32 $0xFFFFE000  }
0x106: {  	_ =	swait.ge @!p6 [sflag:s5], $0x400  }
0x107: {  	[sflag:s5] =	ssyncset.done @!p6 $0x0  }
0x108: {  	[sflag:s5] =	ssyncadd.s32 @!p6 $0xFFFFFC00  }
0x109: {  	_ =	swait.ge @!p6 [sflag:s5], $0x400  }
0x10a: {  	[sflag:s5] =	ssyncset.done @!p6 $0x0  }
0x10b: {  	[sflag:s5] =	ssyncadd.s32 @!p6 $0xFFFFFC00  }
0x10c: {  	[tilespmem:s6], [sflag:$0x1] =	stream.strided.gather [hbm4b:s26+s31], $0x4000, s0, s31, $0x38;
	[tilespmem:$0x1D948] =	vst v63  }
0x10d: {  	_ =	swait.ge [sflag:s8], $0x4000  }
0x10e: {  	[sflag:s8] =	ssyncset.done $0x0  }
0x10f: {  	s5 =	sadd.s32 $0xC500, s17;
	[sflag:s8] =	ssyncadd.s32 $0xFFFFC000  }
0x110: {  	[spmem:s3] =	stream.indirect.scatter.add.f32 [tilespmem:s9], [sflag:$0x6], $0x40, s5, s0, $0xb8;
	[tilespmem:$0x1D948] =	vst v63  }
0x111: {  	s17 =	sadd.s32 $0xC580, s17  }
0x112: {  	[spmem:s3] =	stream.indirect.scatter.add.f32 [tilespmem:s10], [sflag:$0x6], $0x40, s17, s0, $0xb8;
	[tilespmem:$0x1D948] =	vst v63  }
0x113: {  	_ = 	snop  }
0x114: {  	[spmem:s4] =	stream.indirect.scatter.add.f32 @!p6 [tilespmem:s19], [sflag:$0x6], $0x8, s5, s20, $0xb8;
	[tilespmem:$0x1D948] =	vst v63  }
0x115: {  	_ = 	snop  }
0x116: {  	[spmem:s4] =	stream.indirect.scatter.add.f32 @!p6 [tilespmem:s19], [sflag:$0x6], $0x8, s17, s20, $0xb8;
	[tilespmem:$0x1D948] =	vst v63  }
0x117: {  	_ =	swait.ge [sflag:s18], $0x2000  }
0x118: {  	[sflag:s18] =	ssyncset.done $0x0  }
0x119: {  	[sflag:s18] =	ssyncadd.s32 $0xFFFFE000  }
0x11a: {  	_ =	swait.ge [sflag:s18], $0x2000  }
0x11b: {  	s24 =	sadd.s32 $0xC00, s24;
	p2 =	seq.s32 s16, $0x0;
	[sflag:s18] =	ssyncset.done $0x0  }
0x11c: {  	p5 =	sne.s32 s24, $0x12C00;
	s16 =	simm.s32 @!p2 $0x5;
	[sflag:s18] =	ssyncadd.s32 $0xFFFFE000  }
.Ltmp0:
0x11d: {  	_ =	swait.ge @!p2 [sflag:s16], $0x400;
	(pc) =	sbr.rel @p5 .LBB2_2-.Ltmp0, $4  }
0x11e: {  	[sflag:s16] =	ssyncset.done @!p2 $0x0  }
0x11f: {  	s15 =	smov.u32 s30;
	[sflag:s16] =	ssyncadd.s32 @!p2 $0xFFFFFC00  }
0x120: {  	s30 =	sadd.s32 $0x3000, s30;
	s25 =	sadd.s32 $0x3000, s25;
	_ =	swait.ge @!p2 [sflag:s16], $0x400  }
0x121: {  	s21 =	srdreg.scid;
	s26 =	sadd.s32 $0x3000, s26;
	[sflag:s16] =	ssyncset.done @!p2 $0x0  }
0x122: {  	[sflag:s16] =	ssyncadd.s32 @!p2 $0xFFFFFC00  }
0x123: {  	[tilespmem:s2], [sflag:$0x2] =	stream.strided.gather [hbm4b:s15+s31], $0x4000, s0, s31, $0x38;
	[tilespmem:$0x1D948] =	vst v63  }
0x124: {  	_ =	swait.ge [sflag:s1], $0x4000  }
0x125: {  	[sflag:s1] =	ssyncset.done $0x0  }
0x126: {  	[sflag:s1] =	ssyncadd.s32 $0xFFFFC000  }
0x127: {  	_ =	swait.ge [sflag:s14], $0x4000  }
0x128: {  	[sflag:s14] =	ssyncset.done $0x0  }
0x129: {  	[sflag:s14] =	ssyncadd.s32 $0xFFFFC000  }
0x12a: {  	_ =	swait.ge [sflag:s13], $0x2000  }
0x12b: {  	[sflag:s13] =	ssyncset.done $0x0  }
0x12c: {  	[sflag:s13] =	ssyncadd.s32 $0xFFFFE000  }
0x12d: {  	_ =	swait.ge [sflag:s13], $0x2000  }
0x12e: {  	s5 =	sld [smem:$0x7FD];
	_ =	sdelay $0x2  }
0x12f: {  	[sflag:s13] =	ssyncset.done $0x0;
	p2 =	seq.s32 s5, $0x1  }
0x130: {  	[sflag:s13] =	ssyncadd.s32 $0xFFFFE000;
	s5 =	simm.s32 @!p2 $0x6  }
0x131: {  	_ =	swait.ge @!p2 [sflag:s5], $0x400  }
0x132: {  	[sflag:s5] =	ssyncset.done @!p2 $0x0  }
0x133: {  	[sflag:s5] =	ssyncadd.s32 @!p2 $0xFFFFFC00  }
0x134: {  	_ =	swait.ge @!p2 [sflag:s5], $0x400  }
0x135: {  	s12 =	simm.s32 @!p0 $0x80;
	s15 =	simm.s32 @!p0 $0x8000;
	[sflag:s5] =	ssyncset.done @!p2 $0x0  }
0x136: {  	s16 =	rddreg [dreg:$0x15];
	[sflag:s5] =	ssyncadd.s32 @!p2 $0xFFFFFC00;
	s5 =	simm.s32 @!p0 $0x40  }
0x137: {  	[tilespmem:s15], [sflag:$0x7] =	stream.strided.gather @!p0 [hbm4b:s16+s5], $0x4000, s12, s5, $0x38;
	[tilespmem:$0x1D948] =	vst v63  }
0x138: {  	s5 =	simm.s32 @!p0 $0x7  }
0x139: {  	_ =	swait.ge @!p0 [sflag:s5], $0x4000  }
0x13a: {  	[sflag:s5] =	ssyncset.done @!p0 $0x0  }
0x13b: {  	[sflag:s5] =	ssyncadd.s32 @!p0 $0xFFFFC000;
	s5 =	simm.s32 @!p0 $0x10E00  }
0x13c: {  	[spmem:s3] =	stream.indirect.scatter.add.f32 @!p0 [tilespmem:s15], [sflag:$0x6], $0x40, s5, s12, $0xb8;
	[tilespmem:$0x1D948] =	vst v63  }
0x13d: {  	s5 =	simm.s32 @!p0 $0x10E80;
	s15 =	simm.s32 @!p0 $0xA000  }
0x13e: {  	[spmem:s3] =	stream.indirect.scatter.add.f32 @!p0 [tilespmem:s15], [sflag:$0x6], $0x40, s5, s12, $0xb8;
	[tilespmem:$0x1D948] =	vst v63  }
0x13f: {  	s5 =	simm.s32 @!p3 $0x6  }
0x140: {  	_ =	swait.ge @!p3 [sflag:s5], $0x2000  }
0x141: {  	[sflag:s5] =	ssyncset.done @!p3 $0x0  }
0x142: {  	[sflag:s5] =	ssyncadd.s32 @!p3 $0xFFFFE000  }
0x143: {  	_ =	swait.ge @!p3 [sflag:s5], $0x2000  }
0x144: {  	s12 =	simm.s32 @!p4 $0x10E00;
	[sflag:s5] =	ssyncset.done @!p3 $0x0  }
0x145: {  	s15 =	simm.s32 @!p4 $0x10F00;
	[sflag:s5] =	ssyncadd.s32 @!p3 $0xFFFFE000;
	s5 =	simm.s32 @!p4 $0x80  }
0x146: {  	[spmem:s4] =	stream.indirect.scatter.add.f32 @!p4 [tilespmem:s15], [sflag:$0x6], $0x8, s12, s5, $0xb8;
	[tilespmem:$0x1D948] =	vst v63  }
0x147: {  	s12 =	simm.s32 @!p4 $0x10E80  }
0x148: {  	[spmem:s4] =	stream.indirect.scatter.add.f32 @!p4 [tilespmem:s15], [sflag:$0x6], $0x8, s12, s5, $0xb8;
	[tilespmem:$0x1D948] =	vst v63  }
0x149: {  	s5 =	simm.s32 @!p4 $0x6  }
0x14a: {  	_ =	swait.ge @!p4 [sflag:s5], $0x2000  }
0x14b: {  	[sflag:s5] =	ssyncset.done @!p4 $0x0  }
0x14c: {  	[sflag:s5] =	ssyncadd.s32 @!p4 $0xFFFFE000  }
0x14d: {  	_ =	swait.ge @!p4 [sflag:s5], $0x2000  }
0x14e: {  	[sflag:s5] =	ssyncset.done @!p4 $0x0  }
0x14f: {  	[sflag:s5] =	ssyncadd.s32 @!p4 $0xFFFFE000  }
0x150: {  	_ =	swait.ge @!p4 [sflag:s5], $0x400  }
0x151: {  	[sflag:s5] =	ssyncset.done @!p4 $0x0  }
0x152: {  	[sflag:s5] =	ssyncadd.s32 @!p4 $0xFFFFFC00  }
0x153: {  	_ =	swait.ge @!p4 [sflag:s5], $0x400  }
0x154: {  	[sflag:s5] =	ssyncset.done @!p4 $0x0  }
0x155: {  	[sflag:s5] =	ssyncadd.s32 @!p4 $0xFFFFFC00  }
0x156: {  	[bflag:$0x0] =	sbarrier.arrive $0xFFFF  }
0x157: {  	s15 =	rddreg [dreg:$0x12]  }
0x158: {  	s22 =	simm.s32 $0x10;
	s20 =	rddreg [dreg:$0x16]  }
0x159: {  	s23 =	simm.s32 $0x8;
	s16 =	simm.s32 $0x7;
	s17 =	rddreg [dreg:$0x1b]  }
0x15a: {  	[hbm:s20@s22], [sflag:s15] =	dma.strided [spmem:s17@s23], $0x1388, s1, $0x8   }
0x15b: {  	_ =	swait.ge [sflag:s16], $0x1388  }
0x15c: {  	[sflag:s16] =	ssyncset.done $0x0  }
0x15d: {  	s24 =	simm.s32 $0x11300;
	s12 =	rddreg [dreg:$0x13];
	[sflag:s16] =	ssyncadd.s32 $0xFFFFEC78  }
0x15e: {  	[tilespmem:s24], [sflag:$0x7] =	stream.linear.gather [spmem:s12], $0x1388, $0x38;
	[tilespmem:$0x1D948] =	vst v63  }
0x15f: {  	_ =	swait.ge [sflag:s16], $0x1388  }
0x160: {  	[sflag:s16] =	ssyncset.done $0x0  }
0x161: {  	[sflag:s16] =	ssyncadd.s32 $0xFFFFEC78  }
0x162: {  	v40 =	vld.idx.msk [tilespmem:v0+s24+$0x0], $0xffff;
	_ =	sdelay $0x4  }
0x163: {  	[tilespmem:$0x12700] =	vst v40  }
0x164: {  	v40 =	vld.idx.msk [tilespmem:v1+s24+$0x0], $0xffff;
	_ =	sdelay $0x4  }
0x165: {  	[tilespmem:$0x12710] =	vst v40  }
0x166: {  	v40 =	vld.idx.msk [tilespmem:v2+s24+$0x0], $0xffff;
	_ =	sdelay $0x4  }
0x167: {  	[tilespmem:$0x12720] =	vst v40  }
0x168: {  	v40 =	vld.idx.msk [tilespmem:v3+s24+$0x0], $0xffff;
	_ =	sdelay $0x4  }
0x169: {  	[tilespmem:$0x12730] =	vst v40  }
0x16a: {  	v40 =	vld.idx.msk [tilespmem:v4+s24+$0x0], $0xffff;
	_ =	sdelay $0x4  }
0x16b: {  	[tilespmem:$0x12740] =	vst v40  }
0x16c: {  	v40 =	vld.idx.msk [tilespmem:v5+s24+$0x0], $0xffff;
	_ =	sdelay $0x4  }
0x16d: {  	[tilespmem:$0x12750] =	vst v40  }
0x16e: {  	v40 =	vld.idx.msk [tilespmem:v6+s24+$0x0], $0xffff;
	_ =	sdelay $0x4  }
0x16f: {  	[tilespmem:$0x12760] =	vst v40  }
0x170: {  	v40 =	vld.idx.msk [tilespmem:v7+s24+$0x0], $0xffff;
	_ =	sdelay $0x4  }
0x171: {  	[tilespmem:$0x12770] =	vst v40  }
0x172: {  	v40 =	vld.idx.msk [tilespmem:v8+s24+$0x0], $0xffff;
	_ =	sdelay $0x4  }
0x173: {  	[tilespmem:$0x12780] =	vst v40  }
0x174: {  	v40 =	vld.idx.msk [tilespmem:v9+s24+$0x0], $0xffff;
	_ =	sdelay $0x4  }
0x175: {  	[tilespmem:$0x12790] =	vst v40  }
0x176: {  	v40 =	vld.idx.msk [tilespmem:v10+s24+$0x0], $0xffff;
	_ =	sdelay $0x4  }
0x177: {  	[tilespmem:$0x127A0] =	vst v40  }
0x178: {  	v40 =	vld.idx.msk [tilespmem:v11+s24+$0x0], $0xffff;
	_ =	sdelay $0x4  }
0x179: {  	[tilespmem:$0x127B0] =	vst v40  }
0x17a: {  	v40 =	vld.idx.msk [tilespmem:v12+s24+$0x0], $0xffff;
	_ =	sdelay $0x4  }
0x17b: {  	[tilespmem:$0x127C0] =	vst v40  }
0x17c: {  	v40 =	vld.idx.msk [tilespmem:v13+s24+$0x0], $0xffff;
	_ =	sdelay $0x4  }
0x17d: {  	[tilespmem:$0x127D0] =	vst v40  }
0x17e: {  	v40 =	vld.idx.msk [tilespmem:v14+s24+$0x0], $0xffff;
	_ =	sdelay $0x4  }
0x17f: {  	[tilespmem:$0x127E0] =	vst v40  }
0x180: {  	v40 =	vld.idx.msk [tilespmem:v15+s24+$0x0], $0xffff;
	_ =	sdelay $0x4  }
0x181: {  	[tilespmem:$0x127F0] =	vst v40  }
0x182: {  	v40 =	vld.idx.msk [tilespmem:v16+s24+$0x0], $0xffff;
	_ =	sdelay $0x4  }
0x183: {  	[tilespmem:$0x12800] =	vst v40  }
0x184: {  	v40 =	vld.idx.msk [tilespmem:v17+s24+$0x0], $0xffff;
	_ =	sdelay $0x4  }
0x185: {  	[tilespmem:$0x12810] =	vst v40  }
0x186: {  	v40 =	vld.idx.msk [tilespmem:v18+s24+$0x0], $0xffff;
	_ =	sdelay $0x4  }
0x187: {  	[tilespmem:$0x12820] =	vst v40  }
0x188: {  	v40 =	vld.idx.msk [tilespmem:v19+s24+$0x0], $0xffff;
	_ =	sdelay $0x4  }
0x189: {  	[tilespmem:$0x12830] =	vst v40  }
0x18a: {  	v40 =	vld.idx.msk [tilespmem:v20+s24+$0x0], $0xffff;
	_ =	sdelay $0x4  }
0x18b: {  	[tilespmem:$0x12840] =	vst v40  }
0x18c: {  	v40 =	vld.idx.msk [tilespmem:v21+s24+$0x0], $0xffff;
	_ =	sdelay $0x4  }
0x18d: {  	[tilespmem:$0x12850] =	vst v40  }
0x18e: {  	v40 =	vld.idx.msk [tilespmem:v22+s24+$0x0], $0xffff;
	_ =	sdelay $0x4  }
0x18f: {  	[tilespmem:$0x12860] =	vst v40  }
0x190: {  	v40 =	vld.idx.msk [tilespmem:v23+s24+$0x0], $0xffff;
	_ =	sdelay $0x4  }
0x191: {  	[tilespmem:$0x12870] =	vst v40  }
0x192: {  	v40 =	vld.idx.msk [tilespmem:v24+s24+$0x0], $0xffff;
	_ =	sdelay $0x4  }
0x193: {  	[tilespmem:$0x12880] =	vst v40  }
0x194: {  	v40 =	vld.idx.msk [tilespmem:v25+s24+$0x0], $0xffff;
	_ =	sdelay $0x4  }
0x195: {  	[tilespmem:$0x12890] =	vst v40  }
0x196: {  	v40 =	vld.idx.msk [tilespmem:v26+s24+$0x0], $0xffff;
	_ =	sdelay $0x4  }
0x197: {  	[tilespmem:$0x128A0] =	vst v40  }
0x198: {  	v40 =	vld.idx.msk [tilespmem:v27+s24+$0x0], $0xffff;
	_ =	sdelay $0x4  }
0x199: {  	[tilespmem:$0x128B0] =	vst v40  }
0x19a: {  	v40 =	vld.idx.msk [tilespmem:v28+s24+$0x0], $0xffff;
	_ =	sdelay $0x4  }
0x19b: {  	[tilespmem:$0x128C0] =	vst v40  }
0x19c: {  	v40 =	vld.idx.msk [tilespmem:v29+s24+$0x0], $0xffff;
	_ =	sdelay $0x4  }
0x19d: {  	[tilespmem:$0x128D0] =	vst v40  }
0x19e: {  	v40 =	vld.idx.msk [tilespmem:v30+s24+$0x0], $0xffff;
	_ =	sdelay $0x4  }
0x19f: {  	[tilespmem:$0x128E0] =	vst v40  }
0x1a0: {  	v40 =	vld.idx.msk [tilespmem:v31+s24+$0x0], $0xffff;
	_ =	sdelay $0x4  }
0x1a1: {  	[tilespmem:$0x128F0] =	vst v40  }
0x1a2: {  	v40 =	vld.idx.msk [tilespmem:v32+s24+$0x0], $0xffff;
	_ =	sdelay $0x4  }
0x1a3: {  	[tilespmem:$0x12900] =	vst v40  }
0x1a4: {  	v40 =	vld.idx.msk [tilespmem:v33+s24+$0x0], $0xffff;
	_ =	sdelay $0x4  }
0x1a5: {  	[tilespmem:$0x12910] =	vst v40  }
0x1a6: {  	v40 =	vld.idx.msk [tilespmem:v34+s24+$0x0], $0xffff;
	_ =	sdelay $0x4  }
0x1a7: {  	[tilespmem:$0x12920] =	vst v40  }
0x1a8: {  	v40 =	vld.idx.msk [tilespmem:v35+s24+$0x0], $0xffff;
	_ =	sdelay $0x4  }
0x1a9: {  	[tilespmem:$0x12930] =	vst v40  }
0x1aa: {  	v40 =	vld.idx.msk [tilespmem:v36+s24+$0x0], $0xffff;
	_ =	sdelay $0x4  }
0x1ab: {  	[tilespmem:$0x12940] =	vst v40  }
0x1ac: {  	v40 =	vld.idx.msk [tilespmem:v37+s24+$0x0], $0xffff;
	_ =	sdelay $0x4  }
0x1ad: {  	[tilespmem:$0x12950] =	vst v40  }
0x1ae: {  	v40 =	vld.idx.msk [tilespmem:v38+s24+$0x0], $0xffff;
	_ =	sdelay $0x4  }
0x1af: {  	[tilespmem:$0x12960] =	vst v40  }
0x1b0: {  	v40 =	vld.idx.msk [tilespmem:v39+s24+$0x0], $0xffff;
	_ =	sdelay $0x4  }
0x1b1: {  	s26 =	simm.s32 $0x12700;
	s25 =	rddreg [dreg:$0x17];
	[tilespmem:$0x12970] =	vst v40  }
0x1b2: {  	[hbm4b:s25+s6] =	stream.linear.scatter [tilespmem:s26], [sflag:$0x7], $0x271, $0x38;
	[tilespmem:$0x1D948] =	vst v63  }
0x1b3: {  	_ =	swait.ge [sflag:s16], $0x271  }
0x1b4: {  	s28 =	rddreg [dreg:$0x1a]  }
0x1b5: {  	s30 =	rddreg [dreg:$0x18];
	s17 =	sadd.s32 $0x1, s28  }
0x1b6: {  	p2 =	sne.s32 s17, s30  }
.Ltmp1:
0x1b7: {  	_ = 	snop;
	(pc) =	sbr.rel @p2 .LBB2_1-.Ltmp1, $3  }
0x1b8: {  	_ =	sdelay $0x1  }
0x1b9: {  	[sflag:s16] =	ssyncset.done $0x0  }
0x1ba: {  	[sflag:s16] =	ssyncadd.s32 $0xFFFFFD8F  }
0x1bb: {  	_ =	sfence.sel $0x180000  }
0x1bc: {  	[bflag:$0x0] =	sbarrier.arrive $0xFFFF  }
0x1bd: {  	_ =	strace $0x90000047  }
0x1be: {  	s0 =	stileid.u32;
	[bflag:$0x2] =	sbarrier.arrive $0xFFFF  }
0x1bf: {  	p0 =	sne.s32 s0, $0x0;
	s0 =	rddreg [dreg:$0x5]  }
0x1c0: {  	s0 =	sadd.s32 @!p0 $0x100000, s0  }
0x1c1: {  	[sflag:s0] =	ssyncadd.tile.s32 @!p0 $0x1;
	_ =	shalt  }
.Lfunc_end2:
_tile_overlayer_lowered:
.L_overlay_start_2:
0x1c2: {  	(tag) =	ssettag $0x2  }
0x1c3: {  	s0 =	rddreg [dreg:$0x0];
	s2 =	stileid.u32  }
0x1c4: {  	s1 =	rddreg [dreg:$0x1];
	p0 =	sne.s32 s2, $0x0  }
0x1c5: {  	s3 =	rddreg [dreg:$0x2];
	[bflag:$0x3] =	sbarrier.arrive $0xFFFF;
	s2 =	simm.s32 @!p0 $0x1C07  }
0x1c6: {  	[timem:s3], [sflag:s2] =	dma.local @!p0 [hbm:s0], s1  }
0x1c7: {  	s0 =	simm.s32 @!p0 $0x7  }
0x1c8: {  	_ =	swait.ge @!p0 [sflag:s0], s1  }
0x1c9: {  	s1 =	ssub.s32 @!p0 $0x0, s1;
	[sflag:s0] =	ssyncset.done @!p0 $0x0  }
0x1ca: {  	[sflag:s0] =	ssyncadd.s32 @!p0 s1  }
0x1cb: {  	[bflag:$0x3] =	sbarrier.arrive $0xFFFF  }
0x1cc: {  	_ =	shalt  }

</sc_bundles>
